<compile_context>
chip_gen: v7x
topology: tpu7x:2x2x1
jax: 0.10.2.dev20260603
libtpu: 0.0.44.dev20260713+nightly
codegen_flags: <defaults>
</compile_context>

<pallas_src>
import functools

import jax
import jax.numpy as jnp
from jax import lax
from jax.experimental import pallas as pl
from jax.experimental.pallas import tpu as pltpu
from jax.experimental.pallas import tpu_sc as plsc

B, C, H, W = 4, 96, 224, 224
HW = H * W
BC = B * C
NW_WORKERS = 32
GROUPS_PER_WORKER = (BC // 2) // NW_WORKERS
GROUPS_PER_BATCH = C // 2
CHUNK = 896
NCHUNK = HW // CHUNK
VECS = CHUNK // 16


def _weights_tc(fx_ref, fy_ref, idx_ref, ax_ref, ay_ref):
    fx = fx_ref[...]
    fy = fy_ref[...]
    ix = lax.broadcasted_iota(jnp.int32, fx.shape, 2).astype(jnp.float32)
    iy = lax.broadcasted_iota(jnp.int32, fx.shape, 1).astype(jnp.float32)
    xd = ix + fx
    yd = iy + fy
    xfi = jnp.floor(xd).astype(jnp.int32)
    yfi = jnp.floor(yd).astype(jnp.int32)
    valid = (xfi >= 0) & (xfi + 1 < W) & (yfi >= 0) & (yfi + 1 < H)
    ax_ref[...] = xd - xfi.astype(jnp.float32)
    ay_ref[...] = yd - yfi.astype(jnp.float32)
    idx_ref[...] = jnp.where(valid, yfi * W + xfi, HW)


def _compute_weights(fx, fy):
    shp = jax.ShapeDtypeStruct((B, H, W), jnp.float32)
    return pl.pallas_call(
        _weights_tc,
        out_shape=(
            jax.ShapeDtypeStruct((B, H, W), jnp.int32),
            shp, shp,
        ),
    )(fx, fy)


NSLOT = 4


def _sc_body(im0_f, idx_f, ax_f, ay_f, out_f, *scr):
    slot_bufs = tuple(scr[5 * i:5 * i + 5] for i in range(NSLOT))
    o0, o1 = scr[5 * NSLOT], scr[5 * NSLOT + 1]
    sems = scr[5 * NSLOT + 2:5 * NSLOT + 2 + NSLOT]
    sem_out = scr[5 * NSLOT + 2 + NSLOT]
    cid = lax.axis_index("c")
    sid = lax.axis_index("s")
    wid = sid * 2 + cid

    def chunk_pairs(slot, b, r0, chunk):
        off = chunk * CHUNK
        boff = b * HW + off
        idxv, axv, ayv, v0, v1 = slot_bufs[slot]
        return (
            (idx_f.at[pl.ds(boff, CHUNK)], idxv),
            (ax_f.at[pl.ds(boff, CHUNK)], axv),
            (ay_f.at[pl.ds(boff, CHUNK)], ayv),
            (im0_f.at[pl.ds(r0 * HW + off, CHUNK)], v0),
            (im0_f.at[pl.ds((r0 + 1) * HW + off, CHUNK)], v1),
        )

    def start_chunk(slot, b, r0, chunk):
        for src, dst in chunk_pairs(slot, b, r0, chunk):
            pltpu.async_copy(src, dst, sems[slot])

    def drain_chunk(slot, b, r0, chunk):
        pltpu.make_async_copy(
            im0_f.at[pl.ds(0, 5 * CHUNK)], o0.at[pl.ds(0, 5 * CHUNK)], sems[slot]
        ).wait()

    def compute_chunk(slot):
        idxv, axv, ayv, v0, v1 = slot_bufs[slot]

        @plsc.parallel_loop(0, VECS, unroll=8)
        def _(i):
            s = pl.ds(i * 16, 16)
            inw = idxv[s]
            ine = inw + 1
            isw = inw + W
            ise = inw + (W + 1)
            ax = axv[s]
            ay = ayv[s]
            one = jnp.float32(1.0)
            ux = one - ax
            uy = one - ay
            wnw = ux * uy
            wne = ax * uy
            wsw = ux * ay
            wse = ax * ay
            a0 = v0[s]
            a1 = v1[s]
            plsc.addupdate_scatter(o0, [inw], a0 * wnw)
            plsc.addupdate_scatter(o0, [ine], a0 * wne)
            plsc.addupdate_scatter(o0, [isw], a0 * wsw)
            plsc.addupdate_scatter(o0, [ise], a0 * wse)
            plsc.addupdate_scatter(o1, [inw], a1 * wnw)
            plsc.addupdate_scatter(o1, [ine], a1 * wne)
            plsc.addupdate_scatter(o1, [isw], a1 * wsw)
            plsc.addupdate_scatter(o1, [ise], a1 * wse)

    def row0_of(gl):
        g = wid * GROUPS_PER_WORKER + gl
        b = g // GROUPS_PER_BATCH
        return b, b * C + 2 * (g - b * GROUPS_PER_BATCH)

    def group_body(gl, _):
        b, r0 = row0_of(gl)

        for sl in range(NSLOT):
            start_chunk(sl, b, r0, sl)

        @pl.when(gl > 0)
        def _():
            _, pr0 = row0_of(gl - 1)
            pltpu.make_async_copy(
                o0.at[pl.ds(0, HW)], out_f.at[pl.ds(pr0 * HW, HW)], sem_out
            ).wait()
            pltpu.make_async_copy(
                o1.at[pl.ds(0, HW)], out_f.at[pl.ds((pr0 + 1) * HW, HW)], sem_out
            ).wait()

        @pl.loop(0, HW // 16, unroll=8)
        def _(i):
            z = jnp.zeros((16,), jnp.float32)
            o0[pl.ds(i * 16, 16)] = z
            o1[pl.ds(i * 16, 16)] = z

        @pl.loop(0, NCHUNK, step=NSLOT)
        def _(k):
            for par in range(NSLOT):
                chunk = k + par
                drain_chunk(par, b, r0, chunk)
                compute_chunk(par)

                @pl.when(chunk + NSLOT < NCHUNK)
                def _():
                    start_chunk(par, b, r0, chunk + NSLOT)

        pltpu.async_copy(o0.at[pl.ds(0, HW)], out_f.at[pl.ds(r0 * HW, HW)], sem_out)
        pltpu.async_copy(o1.at[pl.ds(0, HW)], out_f.at[pl.ds((r0 + 1) * HW, HW)], sem_out)
        return 0

    lax.fori_loop(0, GROUPS_PER_WORKER, group_body, 0)

    _, lr0 = row0_of(GROUPS_PER_WORKER - 1)
    pltpu.make_async_copy(
        o0.at[pl.ds(0, HW)], out_f.at[pl.ds(lr0 * HW, HW)], sem_out
    ).wait()
    pltpu.make_async_copy(
        o1.at[pl.ds(0, HW)], out_f.at[pl.ds((lr0 + 1) * HW, HW)], sem_out
    ).wait()


_sc_scatter = functools.partial(
    pl.kernel,
    mesh=plsc.VectorSubcoreMesh(core_axis_name="c", subcore_axis_name="s"),
    out_type=jax.ShapeDtypeStruct((BC * HW,), jnp.float32),
    compiler_params=pltpu.CompilerParams(needs_layout_passes=False),
    scratch_types=(
        [
            pltpu.VMEM((CHUNK,), jnp.int32),
            pltpu.VMEM((CHUNK,), jnp.float32),
            pltpu.VMEM((CHUNK,), jnp.float32),
            pltpu.VMEM((CHUNK,), jnp.float32),
            pltpu.VMEM((CHUNK,), jnp.float32),
        ] * 4
        + [
            pltpu.VMEM((HW + 240,), jnp.float32),
            pltpu.VMEM((HW + 240,), jnp.float32),
        ]
        + [pltpu.SemaphoreType.DMA] * 5
    ),
)(_sc_body)


def kernel(im0, flow):
    fx = flow[..., 0]
    fy = flow[..., 1]
    idx, ax, ay = _compute_weights(fx, fy)
    out_flat = _sc_scatter(
        im0.reshape(BC * HW),
        idx.reshape(B * HW),
        ax.reshape(B * HW),
        ay.reshape(B * HW),
    )
    return out_flat.reshape(B, C, H, W)

# --- scband reference (transcript-rebuilt; emitter-appended) ---
"""Pipeline reference for scband-forward-warp-24859270709537 (READ-ONLY COPY).

The authoritative reference and input builder live on the scoring server;
editing this copy changes nothing except your own understanding.
"""

import jax, jax.numpy as jnp
import numpy as np

B, C, H, W = 4, 96, 224, 224


def setup_inputs(seed: int = 0) -> dict:
    key = jax.random.key(seed)
    k1, k2 = jax.random.split(key)
    im0 = jax.random.normal(k1, (B, C, H, W), dtype=jnp.float32)
    flow = jax.random.normal(k2, (B, H, W, 2), dtype=jnp.float32)
    return {"im0": im0, "flow": flow}


def _forward_warp_bilinear(im0, flow):
    B_, C_, H_, W_ = im0.shape
    dtype = im0.dtype
    grid_x = jnp.broadcast_to(jnp.arange(W_, dtype=dtype)[None, None, :], (B_, H_, W_))
    grid_y = jnp.broadcast_to(jnp.arange(H_, dtype=dtype)[None, :, None], (B_, H_, W_))
    x_dest = grid_x + flow[:, :, :, 0]
    y_dest = grid_y + flow[:, :, :, 1]
    x_f = jnp.floor(x_dest).astype(jnp.int32)
    y_f = jnp.floor(y_dest).astype(jnp.int32)
    x_c = x_f + 1
    y_c = y_f + 1
    xf_f = x_f.astype(dtype)
    yf_f = y_f.astype(dtype)
    xc_f = x_c.astype(dtype)
    yc_f = y_c.astype(dtype)
    nw_k = (xc_f - x_dest) * (yc_f - y_dest)
    ne_k = (x_dest - xf_f) * (yc_f - y_dest)
    sw_k = (xc_f - x_dest) * (y_dest - yf_f)
    se_k = (x_dest - xf_f) * (y_dest - yf_f)
    x_fc = jnp.clip(x_f, 0, W_ - 1)
    y_fc = jnp.clip(y_f, 0, H_ - 1)
    x_cc = jnp.clip(x_c, 0, W_ - 1)
    y_cc = jnp.clip(y_c, 0, H_ - 1)
    valid = ((x_f >= 0) & (x_c < W_) & (y_f >= 0) & (y_c < H_)).astype(dtype)
    b_idx = jnp.arange(B_, dtype=jnp.int32).reshape(B_, 1, 1, 1)
    c_idx = jnp.arange(C_, dtype=jnp.int32).reshape(1, C_, 1, 1)
    base = b_idx * (C_ * H_ * W_) + c_idx * (H_ * W_)
    out = jnp.zeros(B_ * C_ * H_ * W_, dtype=dtype)
    for yy, xx, kk in ((y_fc, x_fc, nw_k), (y_fc, x_cc, ne_k), (y_cc, x_fc, sw_k), (y_cc, x_cc, se_k)):
        flat_idx = (base + (yy * W_ + xx)[:, None, :, :]).reshape(-1)
        vals = (im0 * kk[:, None, :, :] * valid[:, None, :, :]).reshape(-1)
        out = out.at[flat_idx].add(vals)
    return out.reshape(B_, C_, H_, W_)


def reference(im0, flow):
    return _forward_warp_bilinear(im0, flow)

if __name__ == "__main__":
    import jax
    _d = setup_inputs()
    print(jax.jit(kernel)(*tuple(_d.values())))

</pallas_src>

<mosaic_0001>
#map = affine_map<(d0, d1) -> (0)>
module attributes {stable_mosaic.version = 14 : i64} {
  func.func @_sc_body(%arg0: i32, %arg1: i32, %arg2: memref<19267584xf32, #tpu.memory_space<hbm>>, %arg3: memref<200704xi32, #tpu.memory_space<hbm>>, %arg4: memref<200704xf32, #tpu.memory_space<hbm>>, %arg5: memref<200704xf32, #tpu.memory_space<hbm>>, %arg6: memref<19267584xf32, #tpu.memory_space<hbm>>, %arg7: memref<896xi32, #tpu.memory_space<vmem>>, %arg8: memref<896xf32, #tpu.memory_space<vmem>>, %arg9: memref<896xf32, #tpu.memory_space<vmem>>, %arg10: memref<896xf32, #tpu.memory_space<vmem>>, %arg11: memref<896xf32, #tpu.memory_space<vmem>>, %arg12: memref<896xi32, #tpu.memory_space<vmem>>, %arg13: memref<896xf32, #tpu.memory_space<vmem>>, %arg14: memref<896xf32, #tpu.memory_space<vmem>>, %arg15: memref<896xf32, #tpu.memory_space<vmem>>, %arg16: memref<896xf32, #tpu.memory_space<vmem>>, %arg17: memref<896xi32, #tpu.memory_space<vmem>>, %arg18: memref<896xf32, #tpu.memory_space<vmem>>, %arg19: memref<896xf32, #tpu.memory_space<vmem>>, %arg20: memref<896xf32, #tpu.memory_space<vmem>>, %arg21: memref<896xf32, #tpu.memory_space<vmem>>, %arg22: memref<896xi32, #tpu.memory_space<vmem>>, %arg23: memref<896xf32, #tpu.memory_space<vmem>>, %arg24: memref<896xf32, #tpu.memory_space<vmem>>, %arg25: memref<896xf32, #tpu.memory_space<vmem>>, %arg26: memref<896xf32, #tpu.memory_space<vmem>>, %arg27: memref<50416xf32, #tpu.memory_space<vmem>>, %arg28: memref<50416xf32, #tpu.memory_space<vmem>>, %arg29: memref<!tpu.dma_semaphore, #tpu.memory_space<semaphore_mem>>, %arg30: memref<!tpu.dma_semaphore, #tpu.memory_space<semaphore_mem>>, %arg31: memref<!tpu.dma_semaphore, #tpu.memory_space<semaphore_mem>>, %arg32: memref<!tpu.dma_semaphore, #tpu.memory_space<semaphore_mem>>, %arg33: memref<!tpu.dma_semaphore, #tpu.memory_space<semaphore_mem>>) attributes {dimension_semantics = [#tpu.dimension_semantics<core_parallel>, #tpu.dimension_semantics<subcore_parallel>], iteration_bounds = array<i64: 2, 16>, scalar_prefetch = 0 : i64, scratch_operands = 27 : i64, tpu.core_type = #tpu.core_type<sc_vector_subcore>, window_params = [{transform_indices = #map}, {transform_indices = #map}, {transform_indices = #map}, {transform_indices = #map}, {transform_indices = #map}]} {
    %mul3A = arith.constant 2 : i32
    %mul3A_0 = arith.muli %arg1, %mul3A : i32
    %add3A = arith.addi %mul3A_0, %arg0 : i32
    %scan3A = arith.constant 0 : i32
    %scan3A_1 = arith.constant 0 : i32
    %scan3A_2 = arith.constant 6 : i32
    %scan3A_3 = arith.addi %scan3A_1, %scan3A_2 : i32
    %scan3A_4 = arith.constant 1 : i32
    %scan3A_5 = scf.for %scan3A_52 = %scan3A_1 to %scan3A_3 step %scan3A_4 iter_args(%scan3A_53 = %scan3A) -> (i32)  : i32 {
      %mul3A_54 = arith.constant 6 : i32
      %mul3A_55 = arith.muli %add3A, %mul3A_54 : i32
      %add3A_56 = arith.addi %mul3A_55, %scan3A_52 : i32
      %jit3A_57 = arith.constant 48 : i32
      %div3A_58 = arith.divsi %add3A_56, %jit3A_57 : i32
      %sign3A_59 = arith.constant 0 : i32
      %sign3A_60 = arith.cmpi sgt, %add3A_56, %sign3A_59 : i32
      %sign3A_61 = arith.extui %sign3A_60 : i1 to i32
      %sign3A_62 = arith.constant 0 : i32
      %sign3A_63 = arith.cmpi slt, %add3A_56, %sign3A_62 : i32
      %sign3A_64 = arith.extui %sign3A_63 : i1 to i32
      %sign3A_65 = arith.subi %sign3A_61, %sign3A_64 : i32
      %sign3A_66 = arith.constant 0 : i32
      %sign3A_67 = arith.cmpi sgt, %jit3A_57, %sign3A_66 : i32
      %sign3A_68 = arith.extui %sign3A_67 : i1 to i32
      %sign3A_69 = arith.constant 0 : i32
      %sign3A_70 = arith.cmpi slt, %jit3A_57, %sign3A_69 : i32
      %sign3A_71 = arith.extui %sign3A_70 : i1 to i32
      %sign3A_72 = arith.subi %sign3A_68, %sign3A_71 : i32
      %ne3A_73 = arith.cmpi ne, %sign3A_65, %sign3A_72 : i32
      %rem3A_74 = arith.remsi %add3A_56, %jit3A_57 : i32
      %ne3A_75 = arith.constant 0 : i32
      %ne3A_76 = arith.cmpi ne, %rem3A_74, %ne3A_75 : i32
      %and3A_77 = arith.andi %ne3A_73, %ne3A_76 : i1
      %sub3A_78 = arith.constant 1 : i32
      %sub3A_79 = arith.subi %div3A_58, %sub3A_78 : i32
      %select_n3A_80 = arith.select %and3A_77, %sub3A_79, %div3A_58 : i32
      %mul3A_81 = arith.constant 96 : i32
      %mul3A_82 = arith.muli %select_n3A_80, %mul3A_81 : i32
      %mul3A_83 = arith.constant 48 : i32
      %mul3A_84 = arith.muli %select_n3A_80, %mul3A_83 : i32
      %sub3A_85 = arith.subi %add3A_56, %mul3A_84 : i32
      %mul3A_86 = arith.constant 2 : i32
      %mul3A_87 = arith.muli %mul3A_86, %sub3A_85 : i32
      %add3A_88 = arith.addi %mul3A_82, %mul3A_87 : i32
      %mul3A_89 = arith.constant 50176 : i32
      %mul3A_90 = arith.muli %select_n3A_80, %mul3A_89 : i32
      %add3A_91 = arith.constant 0 : i32
      %add3A_92 = arith.addi %mul3A_90, %add3A_91 : i32
      %mul3A_93 = arith.constant 50176 : i32
      %mul3A_94 = arith.muli %add3A_88, %mul3A_93 : i32
      %add3A_95 = arith.constant 0 : i32
      %add3A_96 = arith.addi %mul3A_94, %add3A_95 : i32
      %add3A_97 = arith.constant 1 : i32
      %add3A_98 = arith.addi %add3A_88, %add3A_97 : i32
      %mul3A_99 = arith.constant 50176 : i32
      %mul3A_100 = arith.muli %add3A_98, %mul3A_99 : i32
      %add3A_101 = arith.constant 0 : i32
      %add3A_102 = arith.addi %mul3A_100, %add3A_101 : i32
      %dma_start3A = tpu.memref_slice %arg3[%add3A_92] : memref<200704xi32, #tpu.memory_space<hbm>> -> memref<896xi32, #tpu.memory_space<hbm>>
      %dma_start3A_103 = tpu.memref_slice %arg3[%add3A_92] : memref<200704xi32, #tpu.memory_space<hbm>> -> memref<896xi32, #tpu.memory_space<hbm>>
      tpu.enqueue_dma source(%dma_start3A_103 : memref<896xi32, #tpu.memory_space<hbm>>) target(%arg7 : memref<896xi32, #tpu.memory_space<vmem>>) target_semaphore(%arg29 : memref<!tpu.dma_semaphore, #tpu.memory_space<semaphore_mem>>)
      %dma_start3A_104 = tpu.memref_slice %arg4[%add3A_92] : memref<200704xf32, #tpu.memory_space<hbm>> -> memref<896xf32, #tpu.memory_space<hbm>>
      %dma_start3A_105 = tpu.memref_slice %arg4[%add3A_92] : memref<200704xf32, #tpu.memory_space<hbm>> -> memref<896xf32, #tpu.memory_space<hbm>>
      tpu.enqueue_dma source(%dma_start3A_105 : memref<896xf32, #tpu.memory_space<hbm>>) target(%arg8 : memref<896xf32, #tpu.memory_space<vmem>>) target_semaphore(%arg29 : memref<!tpu.dma_semaphore, #tpu.memory_space<semaphore_mem>>)
      %dma_start3A_106 = tpu.memref_slice %arg5[%add3A_92] : memref<200704xf32, #tpu.memory_space<hbm>> -> memref<896xf32, #tpu.memory_space<hbm>>
      %dma_start3A_107 = tpu.memref_slice %arg5[%add3A_92] : memref<200704xf32, #tpu.memory_space<hbm>> -> memref<896xf32, #tpu.memory_space<hbm>>
      tpu.enqueue_dma source(%dma_start3A_107 : memref<896xf32, #tpu.memory_space<hbm>>) target(%arg9 : memref<896xf32, #tpu.memory_space<vmem>>) target_semaphore(%arg29 : memref<!tpu.dma_semaphore, #tpu.memory_space<semaphore_mem>>)
      %dma_start3A_108 = tpu.memref_slice %arg2[%add3A_96] : memref<19267584xf32, #tpu.memory_space<hbm>> -> memref<896xf32, #tpu.memory_space<hbm>>
      %dma_start3A_109 = tpu.memref_slice %arg2[%add3A_96] : memref<19267584xf32, #tpu.memory_space<hbm>> -> memref<896xf32, #tpu.memory_space<hbm>>
      tpu.enqueue_dma source(%dma_start3A_109 : memref<896xf32, #tpu.memory_space<hbm>>) target(%arg10 : memref<896xf32, #tpu.memory_space<vmem>>) target_semaphore(%arg29 : memref<!tpu.dma_semaphore, #tpu.memory_space<semaphore_mem>>)
      %dma_start3A_110 = tpu.memref_slice %arg2[%add3A_102] : memref<19267584xf32, #tpu.memory_space<hbm>> -> memref<896xf32, #tpu.memory_space<hbm>>
      %dma_start3A_111 = tpu.memref_slice %arg2[%add3A_102] : memref<19267584xf32, #tpu.memory_space<hbm>> -> memref<896xf32, #tpu.memory_space<hbm>>
      tpu.enqueue_dma source(%dma_start3A_111 : memref<896xf32, #tpu.memory_space<hbm>>) target(%arg11 : memref<896xf32, #tpu.memory_space<vmem>>) target_semaphore(%arg29 : memref<!tpu.dma_semaphore, #tpu.memory_space<semaphore_mem>>)
      %mul3A_112 = arith.constant 50176 : i32
      %mul3A_113 = arith.muli %select_n3A_80, %mul3A_112 : i32
      %add3A_114 = arith.constant 896 : i32
      %add3A_115 = arith.addi %mul3A_113, %add3A_114 : i32
      %mul3A_116 = arith.constant 50176 : i32
      %mul3A_117 = arith.muli %add3A_88, %mul3A_116 : i32
      %add3A_118 = arith.constant 896 : i32
      %add3A_119 = arith.addi %mul3A_117, %add3A_118 : i32
      %add3A_120 = arith.constant 1 : i32
      %add3A_121 = arith.addi %add3A_88, %add3A_120 : i32
      %mul3A_122 = arith.constant 50176 : i32
      %mul3A_123 = arith.muli %add3A_121, %mul3A_122 : i32
      %add3A_124 = arith.constant 896 : i32
      %add3A_125 = arith.addi %mul3A_123, %add3A_124 : i32
      %dma_start3A_126 = tpu.memref_slice %arg3[%add3A_115] : memref<200704xi32, #tpu.memory_space<hbm>> -> memref<896xi32, #tpu.memory_space<hbm>>
      %dma_start3A_127 = tpu.memref_slice %arg3[%add3A_115] : memref<200704xi32, #tpu.memory_space<hbm>> -> memref<896xi32, #tpu.memory_space<hbm>>
      tpu.enqueue_dma source(%dma_start3A_127 : memref<896xi32, #tpu.memory_space<hbm>>) target(%arg12 : memref<896xi32, #tpu.memory_space<vmem>>) target_semaphore(%arg30 : memref<!tpu.dma_semaphore, #tpu.memory_space<semaphore_mem>>)
      %dma_start3A_128 = tpu.memref_slice %arg4[%add3A_115] : memref<200704xf32, #tpu.memory_space<hbm>> -> memref<896xf32, #tpu.memory_space<hbm>>
      %dma_start3A_129 = tpu.memref_slice %arg4[%add3A_115] : memref<200704xf32, #tpu.memory_space<hbm>> -> memref<896xf32, #tpu.memory_space<hbm>>
      tpu.enqueue_dma source(%dma_start3A_129 : memref<896xf32, #tpu.memory_space<hbm>>) target(%arg13 : memref<896xf32, #tpu.memory_space<vmem>>) target_semaphore(%arg30 : memref<!tpu.dma_semaphore, #tpu.memory_space<semaphore_mem>>)
      %dma_start3A_130 = tpu.memref_slice %arg5[%add3A_115] : memref<200704xf32, #tpu.memory_space<hbm>> -> memref<896xf32, #tpu.memory_space<hbm>>
      %dma_start3A_131 = tpu.memref_slice %arg5[%add3A_115] : memref<200704xf32, #tpu.memory_space<hbm>> -> memref<896xf32, #tpu.memory_space<hbm>>
      tpu.enqueue_dma source(%dma_start3A_131 : memref<896xf32, #tpu.memory_space<hbm>>) target(%arg14 : memref<896xf32, #tpu.memory_space<vmem>>) target_semaphore(%arg30 : memref<!tpu.dma_semaphore, #tpu.memory_space<semaphore_mem>>)
      %dma_start3A_132 = tpu.memref_slice %arg2[%add3A_119] : memref<19267584xf32, #tpu.memory_space<hbm>> -> memref<896xf32, #tpu.memory_space<hbm>>
      %dma_start3A_133 = tpu.memref_slice %arg2[%add3A_119] : memref<19267584xf32, #tpu.memory_space<hbm>> -> memref<896xf32, #tpu.memory_space<hbm>>
      tpu.enqueue_dma source(%dma_start3A_133 : memref<896xf32, #tpu.memory_space<hbm>>) target(%arg15 : memref<896xf32, #tpu.memory_space<vmem>>) target_semaphore(%arg30 : memref<!tpu.dma_semaphore, #tpu.memory_space<semaphore_mem>>)
      %dma_start3A_134 = tpu.memref_slice %arg2[%add3A_125] : memref<19267584xf32, #tpu.memory_space<hbm>> -> memref<896xf32, #tpu.memory_space<hbm>>
      %dma_start3A_135 = tpu.memref_slice %arg2[%add3A_125] : memref<19267584xf32, #tpu.memory_space<hbm>> -> memref<896xf32, #tpu.memory_space<hbm>>
      tpu.enqueue_dma source(%dma_start3A_135 : memref<896xf32, #tpu.memory_space<hbm>>) target(%arg16 : memref<896xf32, #tpu.memory_space<vmem>>) target_semaphore(%arg30 : memref<!tpu.dma_semaphore, #tpu.memory_space<semaphore_mem>>)
      %mul3A_136 = arith.constant 50176 : i32
      %mul3A_137 = arith.muli %select_n3A_80, %mul3A_136 : i32
      %add3A_138 = arith.constant 1792 : i32
      %add3A_139 = arith.addi %mul3A_137, %add3A_138 : i32
      %mul3A_140 = arith.constant 50176 : i32
      %mul3A_141 = arith.muli %add3A_88, %mul3A_140 : i32
      %add3A_142 = arith.constant 1792 : i32
      %add3A_143 = arith.addi %mul3A_141, %add3A_142 : i32
      %add3A_144 = arith.constant 1 : i32
      %add3A_145 = arith.addi %add3A_88, %add3A_144 : i32
      %mul3A_146 = arith.constant 50176 : i32
      %mul3A_147 = arith.muli %add3A_145, %mul3A_146 : i32
      %add3A_148 = arith.constant 1792 : i32
      %add3A_149 = arith.addi %mul3A_147, %add3A_148 : i32
      %dma_start3A_150 = tpu.memref_slice %arg3[%add3A_139] : memref<200704xi32, #tpu.memory_space<hbm>> -> memref<896xi32, #tpu.memory_space<hbm>>
      %dma_start3A_151 = tpu.memref_slice %arg3[%add3A_139] : memref<200704xi32, #tpu.memory_space<hbm>> -> memref<896xi32, #tpu.memory_space<hbm>>
      tpu.enqueue_dma source(%dma_start3A_151 : memref<896xi32, #tpu.memory_space<hbm>>) target(%arg17 : memref<896xi32, #tpu.memory_space<vmem>>) target_semaphore(%arg31 : memref<!tpu.dma_semaphore, #tpu.memory_space<semaphore_mem>>)
      %dma_start3A_152 = tpu.memref_slice %arg4[%add3A_139] : memref<200704xf32, #tpu.memory_space<hbm>> -> memref<896xf32, #tpu.memory_space<hbm>>
      %dma_start3A_153 = tpu.memref_slice %arg4[%add3A_139] : memref<200704xf32, #tpu.memory_space<hbm>> -> memref<896xf32, #tpu.memory_space<hbm>>
      tpu.enqueue_dma source(%dma_start3A_153 : memref<896xf32, #tpu.memory_space<hbm>>) target(%arg18 : memref<896xf32, #tpu.memory_space<vmem>>) target_semaphore(%arg31 : memref<!tpu.dma_semaphore, #tpu.memory_space<semaphore_mem>>)
      %dma_start3A_154 = tpu.memref_slice %arg5[%add3A_139] : memref<200704xf32, #tpu.memory_space<hbm>> -> memref<896xf32, #tpu.memory_space<hbm>>
      %dma_start3A_155 = tpu.memref_slice %arg5[%add3A_139] : memref<200704xf32, #tpu.memory_space<hbm>> -> memref<896xf32, #tpu.memory_space<hbm>>
      tpu.enqueue_dma source(%dma_start3A_155 : memref<896xf32, #tpu.memory_space<hbm>>) target(%arg19 : memref<896xf32, #tpu.memory_space<vmem>>) target_semaphore(%arg31 : memref<!tpu.dma_semaphore, #tpu.memory_space<semaphore_mem>>)
      %dma_start3A_156 = tpu.memref_slice %arg2[%add3A_143] : memref<19267584xf32, #tpu.memory_space<hbm>> -> memref<896xf32, #tpu.memory_space<hbm>>
      %dma_start3A_157 = tpu.memref_slice %arg2[%add3A_143] : memref<19267584xf32, #tpu.memory_space<hbm>> -> memref<896xf32, #tpu.memory_space<hbm>>
      tpu.enqueue_dma source(%dma_start3A_157 : memref<896xf32, #tpu.memory_space<hbm>>) target(%arg20 : memref<896xf32, #tpu.memory_space<vmem>>) target_semaphore(%arg31 : memref<!tpu.dma_semaphore, #tpu.memory_space<semaphore_mem>>)
      %dma_start3A_158 = tpu.memref_slice %arg2[%add3A_149] : memref<19267584xf32, #tpu.memory_space<hbm>> -> memref<896xf32, #tpu.memory_space<hbm>>
      %dma_start3A_159 = tpu.memref_slice %arg2[%add3A_149] : memref<19267584xf32, #tpu.memory_space<hbm>> -> memref<896xf32, #tpu.memory_space<hbm>>
      tpu.enqueue_dma source(%dma_start3A_159 : memref<896xf32, #tpu.memory_space<hbm>>) target(%arg21 : memref<896xf32, #tpu.memory_space<vmem>>) target_semaphore(%arg31 : memref<!tpu.dma_semaphore, #tpu.memory_space<semaphore_mem>>)
      %mul3A_160 = arith.constant 50176 : i32
      %mul3A_161 = arith.muli %select_n3A_80, %mul3A_160 : i32
      %add3A_162 = arith.constant 2688 : i32
      %add3A_163 = arith.addi %mul3A_161, %add3A_162 : i32
      %mul3A_164 = arith.constant 50176 : i32
      %mul3A_165 = arith.muli %add3A_88, %mul3A_164 : i32
      %add3A_166 = arith.constant 2688 : i32
      %add3A_167 = arith.addi %mul3A_165, %add3A_166 : i32
      %add3A_168 = arith.constant 1 : i32
      %add3A_169 = arith.addi %add3A_88, %add3A_168 : i32
      %mul3A_170 = arith.constant 50176 : i32
      %mul3A_171 = arith.muli %add3A_169, %mul3A_170 : i32
      %add3A_172 = arith.constant 2688 : i32
      %add3A_173 = arith.addi %mul3A_171, %add3A_172 : i32
      %dma_start3A_174 = tpu.memref_slice %arg3[%add3A_163] : memref<200704xi32, #tpu.memory_space<hbm>> -> memref<896xi32, #tpu.memory_space<hbm>>
      %dma_start3A_175 = tpu.memref_slice %arg3[%add3A_163] : memref<200704xi32, #tpu.memory_space<hbm>> -> memref<896xi32, #tpu.memory_space<hbm>>
      tpu.enqueue_dma source(%dma_start3A_175 : memref<896xi32, #tpu.memory_space<hbm>>) target(%arg22 : memref<896xi32, #tpu.memory_space<vmem>>) target_semaphore(%arg32 : memref<!tpu.dma_semaphore, #tpu.memory_space<semaphore_mem>>)
      %dma_start3A_176 = tpu.memref_slice %arg4[%add3A_163] : memref<200704xf32, #tpu.memory_space<hbm>> -> memref<896xf32, #tpu.memory_space<hbm>>
      %dma_start3A_177 = tpu.memref_slice %arg4[%add3A_163] : memref<200704xf32, #tpu.memory_space<hbm>> -> memref<896xf32, #tpu.memory_space<hbm>>
      tpu.enqueue_dma source(%dma_start3A_177 : memref<896xf32, #tpu.memory_space<hbm>>) target(%arg23 : memref<896xf32, #tpu.memory_space<vmem>>) target_semaphore(%arg32 : memref<!tpu.dma_semaphore, #tpu.memory_space<semaphore_mem>>)
      %dma_start3A_178 = tpu.memref_slice %arg5[%add3A_163] : memref<200704xf32, #tpu.memory_space<hbm>> -> memref<896xf32, #tpu.memory_space<hbm>>
      %dma_start3A_179 = tpu.memref_slice %arg5[%add3A_163] : memref<200704xf32, #tpu.memory_space<hbm>> -> memref<896xf32, #tpu.memory_space<hbm>>
      tpu.enqueue_dma source(%dma_start3A_179 : memref<896xf32, #tpu.memory_space<hbm>>) target(%arg24 : memref<896xf32, #tpu.memory_space<vmem>>) target_semaphore(%arg32 : memref<!tpu.dma_semaphore, #tpu.memory_space<semaphore_mem>>)
      %dma_start3A_180 = tpu.memref_slice %arg2[%add3A_167] : memref<19267584xf32, #tpu.memory_space<hbm>> -> memref<896xf32, #tpu.memory_space<hbm>>
      %dma_start3A_181 = tpu.memref_slice %arg2[%add3A_167] : memref<19267584xf32, #tpu.memory_space<hbm>> -> memref<896xf32, #tpu.memory_space<hbm>>
      tpu.enqueue_dma source(%dma_start3A_181 : memref<896xf32, #tpu.memory_space<hbm>>) target(%arg25 : memref<896xf32, #tpu.memory_space<vmem>>) target_semaphore(%arg32 : memref<!tpu.dma_semaphore, #tpu.memory_space<semaphore_mem>>)
      %dma_start3A_182 = tpu.memref_slice %arg2[%add3A_173] : memref<19267584xf32, #tpu.memory_space<hbm>> -> memref<896xf32, #tpu.memory_space<hbm>>
      %dma_start3A_183 = tpu.memref_slice %arg2[%add3A_173] : memref<19267584xf32, #tpu.memory_space<hbm>> -> memref<896xf32, #tpu.memory_space<hbm>>
      tpu.enqueue_dma source(%dma_start3A_183 : memref<896xf32, #tpu.memory_space<hbm>>) target(%arg26 : memref<896xf32, #tpu.memory_space<vmem>>) target_semaphore(%arg32 : memref<!tpu.dma_semaphore, #tpu.memory_space<semaphore_mem>>)
      %gt3A = arith.constant 0 : i32
      %gt3A_184 = arith.cmpi sgt, %scan3A_52, %gt3A : i32
      %convert_element_type3A = arith.extui %gt3A_184 : i1 to i32
      %cond3A = arith.constant 0 : i32
      %cond3A_185 = arith.cmpi ne, %convert_element_type3A, %cond3A : i32
      scf.if %cond3A_185 {
        %sub3A_215 = arith.constant 1 : i32
        %sub3A_216 = arith.subi %scan3A_52, %sub3A_215 : i32
        %mul3A_217 = arith.constant 6 : i32
        %mul3A_218 = arith.muli %add3A, %mul3A_217 : i32
        %add3A_219 = arith.addi %mul3A_218, %sub3A_216 : i32
        %jit3A_220 = arith.constant 48 : i32
        %div3A_221 = arith.divsi %add3A_219, %jit3A_220 : i32
        %sign3A_222 = arith.constant 0 : i32
        %sign3A_223 = arith.cmpi sgt, %add3A_219, %sign3A_222 : i32
        %sign3A_224 = arith.extui %sign3A_223 : i1 to i32
        %sign3A_225 = arith.constant 0 : i32
        %sign3A_226 = arith.cmpi slt, %add3A_219, %sign3A_225 : i32
        %sign3A_227 = arith.extui %sign3A_226 : i1 to i32
        %sign3A_228 = arith.subi %sign3A_224, %sign3A_227 : i32
        %sign3A_229 = arith.constant 0 : i32
        %sign3A_230 = arith.cmpi sgt, %jit3A_220, %sign3A_229 : i32
        %sign3A_231 = arith.extui %sign3A_230 : i1 to i32
        %sign3A_232 = arith.constant 0 : i32
        %sign3A_233 = arith.cmpi slt, %jit3A_220, %sign3A_232 : i32
        %sign3A_234 = arith.extui %sign3A_233 : i1 to i32
        %sign3A_235 = arith.subi %sign3A_231, %sign3A_234 : i32
        %ne3A_236 = arith.cmpi ne, %sign3A_228, %sign3A_235 : i32
        %rem3A_237 = arith.remsi %add3A_219, %jit3A_220 : i32
        %ne3A_238 = arith.constant 0 : i32
        %ne3A_239 = arith.cmpi ne, %rem3A_237, %ne3A_238 : i32
        %and3A_240 = arith.andi %ne3A_236, %ne3A_239 : i1
        %sub3A_241 = arith.constant 1 : i32
        %sub3A_242 = arith.subi %div3A_221, %sub3A_241 : i32
        %select_n3A_243 = arith.select %and3A_240, %sub3A_242, %div3A_221 : i32
        %mul3A_244 = arith.constant 96 : i32
        %mul3A_245 = arith.muli %select_n3A_243, %mul3A_244 : i32
        %mul3A_246 = arith.constant 48 : i32
        %mul3A_247 = arith.muli %select_n3A_243, %mul3A_246 : i32
        %sub3A_248 = arith.subi %add3A_219, %mul3A_247 : i32
        %mul3A_249 = arith.constant 2 : i32
        %mul3A_250 = arith.muli %mul3A_249, %sub3A_248 : i32
        %add3A_251 = arith.addi %mul3A_245, %mul3A_250 : i32
        %mul3A_252 = arith.constant 50176 : i32
        %mul3A_253 = arith.muli %add3A_251, %mul3A_252 : i32
        %dma_wait3A_254 = arith.constant 0 : i32
        %dma_wait3A_255 = tpu.memref_slice %arg27[%dma_wait3A_254] : memref<50416xf32, #tpu.memory_space<vmem>> -> memref<50176xf32, #tpu.memory_space<vmem>>
        %dma_wait3A_256 = tpu.memref_slice %arg6[%mul3A_253] : memref<19267584xf32, #tpu.memory_space<hbm>> -> memref<50176xf32, #tpu.memory_space<hbm>>
        %dma_wait3A_257 = tpu.memref_slice %arg6[%mul3A_253] : memref<19267584xf32, #tpu.memory_space<hbm>> -> memref<50176xf32, #tpu.memory_space<hbm>>
        %dma_wait3A_258 = arith.constant 0 : i32
        %dma_wait3A_259 = tpu.memref_slice %arg27[%dma_wait3A_258] : memref<50416xf32, #tpu.memory_space<vmem>> -> memref<50176xf32, #tpu.memory_space<vmem>>
        tpu.wait_dma2 semaphore(%arg33 : memref<!tpu.dma_semaphore, #tpu.memory_space<semaphore_mem>>) src(%dma_wait3A_259 : memref<50176xf32, #tpu.memory_space<vmem>>) dst(%dma_wait3A_257 : memref<50176xf32, #tpu.memory_space<hbm>>)
        %add3A_260 = arith.constant 1 : i32
        %add3A_261 = arith.addi %add3A_251, %add3A_260 : i32
        %mul3A_262 = arith.constant 50176 : i32
        %mul3A_263 = arith.muli %add3A_261, %mul3A_262 : i32
        %dma_wait3A_264 = arith.constant 0 : i32
        %dma_wait3A_265 = tpu.memref_slice %arg28[%dma_wait3A_264] : memref<50416xf32, #tpu.memory_space<vmem>> -> memref<50176xf32, #tpu.memory_space<vmem>>
        %dma_wait3A_266 = tpu.memref_slice %arg6[%mul3A_263] : memref<19267584xf32, #tpu.memory_space<hbm>> -> memref<50176xf32, #tpu.memory_space<hbm>>
        %dma_wait3A_267 = tpu.memref_slice %arg6[%mul3A_263] : memref<19267584xf32, #tpu.memory_space<hbm>> -> memref<50176xf32, #tpu.memory_space<hbm>>
        %dma_wait3A_268 = arith.constant 0 : i32
        %dma_wait3A_269 = tpu.memref_slice %arg28[%dma_wait3A_268] : memref<50416xf32, #tpu.memory_space<vmem>> -> memref<50176xf32, #tpu.memory_space<vmem>>
        tpu.wait_dma2 semaphore(%arg33 : memref<!tpu.dma_semaphore, #tpu.memory_space<semaphore_mem>>) src(%dma_wait3A_269 : memref<50176xf32, #tpu.memory_space<vmem>>) dst(%dma_wait3A_267 : memref<50176xf32, #tpu.memory_space<hbm>>)
      } else {
      }
      %scan3A_186 = arith.constant 0 : i32
      %scan3A_187 = arith.constant 3136 : i32
      %scan3A_188 = arith.addi %scan3A_186, %scan3A_187 : i32
      %scan3A_189 = arith.constant 8 : i32
      scf.for %scan3A_215 = %scan3A_186 to %scan3A_188 step %scan3A_189  : i32 {
        %mul3A_216 = arith.constant 1 : i32
        %mul3A_217 = arith.muli %scan3A_215, %mul3A_216 : i32
        %add3A_218 = arith.constant 0 : i32
        %add3A_219 = arith.addi %add3A_218, %mul3A_217 : i32
        %broadcast_in_dim3A = arith.constant 0.000000e+00 : f32
        %broadcast_in_dim3A_220 = vector.broadcast %broadcast_in_dim3A : f32 to vector<16xf32>
        %mul3A_221 = arith.constant 16 : i32
        %mul3A_222 = arith.muli %add3A_219, %mul3A_221 : i32
        %swap3A = arith.index_cast %mul3A_222 : i32 to index
        %swap3A_223 = tpu.vector_load %arg27[%swap3A] {strides = array<i32>} : memref<50416xf32, #tpu.memory_space<vmem>>, vector<16xf32>,
        tpu.vector_store %arg27[%swap3A], %broadcast_in_dim3A_220 {strides = array<i32>} : memref<50416xf32, #tpu.memory_space<vmem>>, vector<16xf32>,
        %mul3A_224 = arith.constant 16 : i32
        %mul3A_225 = arith.muli %add3A_219, %mul3A_224 : i32
        %swap3A_226 = arith.index_cast %mul3A_225 : i32 to index
        %swap3A_227 = tpu.vector_load %arg28[%swap3A_226] {strides = array<i32>} : memref<50416xf32, #tpu.memory_space<vmem>>, vector<16xf32>,
        tpu.vector_store %arg28[%swap3A_226], %broadcast_in_dim3A_220 {strides = array<i32>} : memref<50416xf32, #tpu.memory_space<vmem>>, vector<16xf32>,
        %scan3A_228 = arith.constant 1 : i32
        %scan3A_229 = arith.addi %scan3A_215, %scan3A_228 : i32
        %mul3A_230 = arith.constant 1 : i32
        %mul3A_231 = arith.muli %scan3A_229, %mul3A_230 : i32
        %add3A_232 = arith.constant 0 : i32
        %add3A_233 = arith.addi %add3A_232, %mul3A_231 : i32
        %broadcast_in_dim3A_234 = arith.constant 0.000000e+00 : f32
        %broadcast_in_dim3A_235 = vector.broadcast %broadcast_in_dim3A_234 : f32 to vector<16xf32>
        %mul3A_236 = arith.constant 16 : i32
        %mul3A_237 = arith.muli %add3A_233, %mul3A_236 : i32
        %swap3A_238 = arith.index_cast %mul3A_237 : i32 to index
        %swap3A_239 = tpu.vector_load %arg27[%swap3A_238] {strides = array<i32>} : memref<50416xf32, #tpu.memory_space<vmem>>, vector<16xf32>,
        tpu.vector_store %arg27[%swap3A_238], %broadcast_in_dim3A_235 {strides = array<i32>} : memref<50416xf32, #tpu.memory_space<vmem>>, vector<16xf32>,
        %mul3A_240 = arith.constant 16 : i32
        %mul3A_241 = arith.muli %add3A_233, %mul3A_240 : i32
        %swap3A_242 = arith.index_cast %mul3A_241 : i32 to index
        %swap3A_243 = tpu.vector_load %arg28[%swap3A_242] {strides = array<i32>} : memref<50416xf32, #tpu.memory_space<vmem>>, vector<16xf32>,
        tpu.vector_store %arg28[%swap3A_242], %broadcast_in_dim3A_235 {strides = array<i32>} : memref<50416xf32, #tpu.memory_space<vmem>>, vector<16xf32>,
        %scan3A_244 = arith.constant 2 : i32
        %scan3A_245 = arith.addi %scan3A_215, %scan3A_244 : i32
        %mul3A_246 = arith.constant 1 : i32
        %mul3A_247 = arith.muli %scan3A_245, %mul3A_246 : i32
        %add3A_248 = arith.constant 0 : i32
        %add3A_249 = arith.addi %add3A_248, %mul3A_247 : i32
        %broadcast_in_dim3A_250 = arith.constant 0.000000e+00 : f32
        %broadcast_in_dim3A_251 = vector.broadcast %broadcast_in_dim3A_250 : f32 to vector<16xf32>
        %mul3A_252 = arith.constant 16 : i32
        %mul3A_253 = arith.muli %add3A_249, %mul3A_252 : i32
        %swap3A_254 = arith.index_cast %mul3A_253 : i32 to index
        %swap3A_255 = tpu.vector_load %arg27[%swap3A_254] {strides = array<i32>} : memref<50416xf32, #tpu.memory_space<vmem>>, vector<16xf32>,
        tpu.vector_store %arg27[%swap3A_254], %broadcast_in_dim3A_251 {strides = array<i32>} : memref<50416xf32, #tpu.memory_space<vmem>>, vector<16xf32>,
        %mul3A_256 = arith.constant 16 : i32
        %mul3A_257 = arith.muli %add3A_249, %mul3A_256 : i32
        %swap3A_258 = arith.index_cast %mul3A_257 : i32 to index
        %swap3A_259 = tpu.vector_load %arg28[%swap3A_258] {strides = array<i32>} : memref<50416xf32, #tpu.memory_space<vmem>>, vector<16xf32>,
        tpu.vector_store %arg28[%swap3A_258], %broadcast_in_dim3A_251 {strides = array<i32>} : memref<50416xf32, #tpu.memory_space<vmem>>, vector<16xf32>,
        %scan3A_260 = arith.constant 3 : i32
        %scan3A_261 = arith.addi %scan3A_215, %scan3A_260 : i32
        %mul3A_262 = arith.constant 1 : i32
        %mul3A_263 = arith.muli %scan3A_261, %mul3A_262 : i32
        %add3A_264 = arith.constant 0 : i32
        %add3A_265 = arith.addi %add3A_264, %mul3A_263 : i32
        %broadcast_in_dim3A_266 = arith.constant 0.000000e+00 : f32
        %broadcast_in_dim3A_267 = vector.broadcast %broadcast_in_dim3A_266 : f32 to vector<16xf32>
        %mul3A_268 = arith.constant 16 : i32
        %mul3A_269 = arith.muli %add3A_265, %mul3A_268 : i32
        %swap3A_270 = arith.index_cast %mul3A_269 : i32 to index
        %swap3A_271 = tpu.vector_load %arg27[%swap3A_270] {strides = array<i32>} : memref<50416xf32, #tpu.memory_space<vmem>>, vector<16xf32>,
        tpu.vector_store %arg27[%swap3A_270], %broadcast_in_dim3A_267 {strides = array<i32>} : memref<50416xf32, #tpu.memory_space<vmem>>, vector<16xf32>,
        %mul3A_272 = arith.constant 16 : i32
        %mul3A_273 = arith.muli %add3A_265, %mul3A_272 : i32
        %swap3A_274 = arith.index_cast %mul3A_273 : i32 to index
        %swap3A_275 = tpu.vector_load %arg28[%swap3A_274] {strides = array<i32>} : memref<50416xf32, #tpu.memory_space<vmem>>, vector<16xf32>,
        tpu.vector_store %arg28[%swap3A_274], %broadcast_in_dim3A_267 {strides = array<i32>} : memref<50416xf32, #tpu.memory_space<vmem>>, vector<16xf32>,
        %scan3A_276 = arith.constant 4 : i32
        %scan3A_277 = arith.addi %scan3A_215, %scan3A_276 : i32
        %mul3A_278 = arith.constant 1 : i32
        %mul3A_279 = arith.muli %scan3A_277, %mul3A_278 : i32
        %add3A_280 = arith.constant 0 : i32
        %add3A_281 = arith.addi %add3A_280, %mul3A_279 : i32
        %broadcast_in_dim3A_282 = arith.constant 0.000000e+00 : f32
        %broadcast_in_dim3A_283 = vector.broadcast %broadcast_in_dim3A_282 : f32 to vector<16xf32>
        %mul3A_284 = arith.constant 16 : i32
        %mul3A_285 = arith.muli %add3A_281, %mul3A_284 : i32
        %swap3A_286 = arith.index_cast %mul3A_285 : i32 to index
        %swap3A_287 = tpu.vector_load %arg27[%swap3A_286] {strides = array<i32>} : memref<50416xf32, #tpu.memory_space<vmem>>, vector<16xf32>,
        tpu.vector_store %arg27[%swap3A_286], %broadcast_in_dim3A_283 {strides = array<i32>} : memref<50416xf32, #tpu.memory_space<vmem>>, vector<16xf32>,
        %mul3A_288 = arith.constant 16 : i32
        %mul3A_289 = arith.muli %add3A_281, %mul3A_288 : i32
        %swap3A_290 = arith.index_cast %mul3A_289 : i32 to index
        %swap3A_291 = tpu.vector_load %arg28[%swap3A_290] {strides = array<i32>} : memref<50416xf32, #tpu.memory_space<vmem>>, vector<16xf32>,
        tpu.vector_store %arg28[%swap3A_290], %broadcast_in_dim3A_283 {strides = array<i32>} : memref<50416xf32, #tpu.memory_space<vmem>>, vector<16xf32>,
        %scan3A_292 = arith.constant 5 : i32
        %scan3A_293 = arith.addi %scan3A_215, %scan3A_292 : i32
        %mul3A_294 = arith.constant 1 : i32
        %mul3A_295 = arith.muli %scan3A_293, %mul3A_294 : i32
        %add3A_296 = arith.constant 0 : i32
        %add3A_297 = arith.addi %add3A_296, %mul3A_295 : i32
        %broadcast_in_dim3A_298 = arith.constant 0.000000e+00 : f32
        %broadcast_in_dim3A_299 = vector.broadcast %broadcast_in_dim3A_298 : f32 to vector<16xf32>
        %mul3A_300 = arith.constant 16 : i32
        %mul3A_301 = arith.muli %add3A_297, %mul3A_300 : i32
        %swap3A_302 = arith.index_cast %mul3A_301 : i32 to index
        %swap3A_303 = tpu.vector_load %arg27[%swap3A_302] {strides = array<i32>} : memref<50416xf32, #tpu.memory_space<vmem>>, vector<16xf32>,
        tpu.vector_store %arg27[%swap3A_302], %broadcast_in_dim3A_299 {strides = array<i32>} : memref<50416xf32, #tpu.memory_space<vmem>>, vector<16xf32>,
        %mul3A_304 = arith.constant 16 : i32
        %mul3A_305 = arith.muli %add3A_297, %mul3A_304 : i32
        %swap3A_306 = arith.index_cast %mul3A_305 : i32 to index
        %swap3A_307 = tpu.vector_load %arg28[%swap3A_306] {strides = array<i32>} : memref<50416xf32, #tpu.memory_space<vmem>>, vector<16xf32>,
        tpu.vector_store %arg28[%swap3A_306], %broadcast_in_dim3A_299 {strides = array<i32>} : memref<50416xf32, #tpu.memory_space<vmem>>, vector<16xf32>,
        %scan3A_308 = arith.constant 6 : i32
        %scan3A_309 = arith.addi %scan3A_215, %scan3A_308 : i32
        %mul3A_310 = arith.constant 1 : i32
        %mul3A_311 = arith.muli %scan3A_309, %mul3A_310 : i32
        %add3A_312 = arith.constant 0 : i32
        %add3A_313 = arith.addi %add3A_312, %mul3A_311 : i32
        %broadcast_in_dim3A_314 = arith.constant 0.000000e+00 : f32
        %broadcast_in_dim3A_315 = vector.broadcast %broadcast_in_dim3A_314 : f32 to vector<16xf32>
        %mul3A_316 = arith.constant 16 : i32
        %mul3A_317 = arith.muli %add3A_313, %mul3A_316 : i32
        %swap3A_318 = arith.index_cast %mul3A_317 : i32 to index
        %swap3A_319 = tpu.vector_load %arg27[%swap3A_318] {strides = array<i32>} : memref<50416xf32, #tpu.memory_space<vmem>>, vector<16xf32>,
        tpu.vector_store %arg27[%swap3A_318], %broadcast_in_dim3A_315 {strides = array<i32>} : memref<50416xf32, #tpu.memory_space<vmem>>, vector<16xf32>,
        %mul3A_320 = arith.constant 16 : i32
        %mul3A_321 = arith.muli %add3A_313, %mul3A_320 : i32
        %swap3A_322 = arith.index_cast %mul3A_321 : i32 to index
        %swap3A_323 = tpu.vector_load %arg28[%swap3A_322] {strides = array<i32>} : memref<50416xf32, #tpu.memory_space<vmem>>, vector<16xf32>,
        tpu.vector_store %arg28[%swap3A_322], %broadcast_in_dim3A_315 {strides = array<i32>} : memref<50416xf32, #tpu.memory_space<vmem>>, vector<16xf32>,
        %scan3A_324 = arith.constant 7 : i32
        %scan3A_325 = arith.addi %scan3A_215, %scan3A_324 : i32
        %mul3A_326 = arith.constant 1 : i32
        %mul3A_327 = arith.muli %scan3A_325, %mul3A_326 : i32
        %add3A_328 = arith.constant 0 : i32
        %add3A_329 = arith.addi %add3A_328, %mul3A_327 : i32
        %broadcast_in_dim3A_330 = arith.constant 0.000000e+00 : f32
        %broadcast_in_dim3A_331 = vector.broadcast %broadcast_in_dim3A_330 : f32 to vector<16xf32>
        %mul3A_332 = arith.constant 16 : i32
        %mul3A_333 = arith.muli %add3A_329, %mul3A_332 : i32
        %swap3A_334 = arith.index_cast %mul3A_333 : i32 to index
        %swap3A_335 = tpu.vector_load %arg27[%swap3A_334] {strides = array<i32>} : memref<50416xf32, #tpu.memory_space<vmem>>, vector<16xf32>,
        tpu.vector_store %arg27[%swap3A_334], %broadcast_in_dim3A_331 {strides = array<i32>} : memref<50416xf32, #tpu.memory_space<vmem>>, vector<16xf32>,
        %mul3A_336 = arith.constant 16 : i32
        %mul3A_337 = arith.muli %add3A_329, %mul3A_336 : i32
        %swap3A_338 = arith.index_cast %mul3A_337 : i32 to index
        %swap3A_339 = tpu.vector_load %arg28[%swap3A_338] {strides = array<i32>} : memref<50416xf32, #tpu.memory_space<vmem>>, vector<16xf32>,
        tpu.vector_store %arg28[%swap3A_338], %broadcast_in_dim3A_331 {strides = array<i32>} : memref<50416xf32, #tpu.memory_space<vmem>>, vector<16xf32>,
      }
      %scan3A_190 = arith.constant 3136 : i32
      %scan3A_191 = arith.constant 0 : i32
      %scan3A_192 = arith.constant 14 : i32
      %scan3A_193 = arith.addi %scan3A_191, %scan3A_192 : i32
      %scan3A_194 = arith.constant 1 : i32
      scf.for %scan3A_215 = %scan3A_191 to %scan3A_193 step %scan3A_194  : i32 {
        %mul3A_216 = arith.constant 4 : i32
        %mul3A_217 = arith.muli %scan3A_215, %mul3A_216 : i32
        %add3A_218 = arith.constant 0 : i32
        %add3A_219 = arith.addi %add3A_218, %mul3A_217 : i32
        %add3A_220 = arith.constant 0 : i32
        %add3A_221 = arith.addi %add3A_219, %add3A_220 : i32
        %dma_wait3A_222 = arith.constant 0 : i32
        %dma_wait3A_223 = tpu.memref_slice %arg27[%dma_wait3A_222] : memref<50416xf32, #tpu.memory_space<vmem>> -> memref<4480xf32, #tpu.memory_space<vmem>>
        %dma_wait3A_224 = arith.constant 0 : i32
        %dma_wait3A_225 = tpu.memref_slice %arg2[%dma_wait3A_224] : memref<19267584xf32, #tpu.memory_space<hbm>> -> memref<4480xf32, #tpu.memory_space<hbm>>
        %dma_wait3A_226 = arith.constant 0 : i32
        %dma_wait3A_227 = tpu.memref_slice %arg27[%dma_wait3A_226] : memref<50416xf32, #tpu.memory_space<vmem>> -> memref<4480xf32, #tpu.memory_space<vmem>>
        %dma_wait3A_228 = arith.constant 0 : i32
        %dma_wait3A_229 = tpu.memref_slice %arg2[%dma_wait3A_228] : memref<19267584xf32, #tpu.memory_space<hbm>> -> memref<4480xf32, #tpu.memory_space<hbm>>
        tpu.wait_dma2 semaphore(%arg29 : memref<!tpu.dma_semaphore, #tpu.memory_space<semaphore_mem>>) src(%dma_wait3A_229 : memref<4480xf32, #tpu.memory_space<hbm>>) dst(%dma_wait3A_227 : memref<4480xf32, #tpu.memory_space<vmem>>)
        %parallel_loop3A = arith.constant 0 : i32
        %parallel_loop3A_230 = arith.constant 56 : i32
        %parallel_loop3A_231 = arith.constant 1 : i32
        scf.for %parallel_loop3A_298 = %parallel_loop3A to %parallel_loop3A_230 step %parallel_loop3A_231  : i32 {
          %parallel_loop3A_299 = arith.constant 16 : i32
          %parallel_loop3A_300 = arith.muli %parallel_loop3A_298, %parallel_loop3A_299 : i32
          %parallel_loop3A_301 = arith.index_cast %parallel_loop3A_300 : i32 to index
          %parallel_loop3A_302 = tpu.vector_load %arg7[%parallel_loop3A_301] {strides = array<i32>} : memref<896xi32, #tpu.memory_space<vmem>>, vector<16xi32>,
          %parallel_loop3A_303 = arith.constant 1 : i32
          %parallel_loop3A_304 = vector.broadcast %parallel_loop3A_303 : i32 to vector<16xi32>
          %parallel_loop3A_305 = arith.addi %parallel_loop3A_302, %parallel_loop3A_304 : vector<16xi32>
          %parallel_loop3A_306 = arith.constant 224 : i32
          %parallel_loop3A_307 = vector.broadcast %parallel_loop3A_306 : i32 to vector<16xi32>
          %parallel_loop3A_308 = arith.addi %parallel_loop3A_302, %parallel_loop3A_307 : vector<16xi32>
          %parallel_loop3A_309 = arith.constant 225 : i32
          %parallel_loop3A_310 = vector.broadcast %parallel_loop3A_309 : i32 to vector<16xi32>
          %parallel_loop3A_311 = arith.addi %parallel_loop3A_302, %parallel_loop3A_310 : vector<16xi32>
          %parallel_loop3A_312 = arith.index_cast %parallel_loop3A_300 : i32 to index
          %parallel_loop3A_313 = tpu.vector_load %arg8[%parallel_loop3A_312] {strides = array<i32>} : memref<896xf32, #tpu.memory_space<vmem>>, vector<16xf32>,
          %parallel_loop3A_314 = arith.index_cast %parallel_loop3A_300 : i32 to index
          %parallel_loop3A_315 = tpu.vector_load %arg9[%parallel_loop3A_314] {strides = array<i32>} : memref<896xf32, #tpu.memory_space<vmem>>, vector<16xf32>,
          %parallel_loop3A_316 = arith.constant 1.000000e+00 : f32
          %parallel_loop3A_317 = vector.broadcast %parallel_loop3A_316 : f32 to vector<16xf32>
          %parallel_loop3A_318 = arith.subf %parallel_loop3A_317, %parallel_loop3A_313 : vector<16xf32>
          %parallel_loop3A_319 = arith.constant 1.000000e+00 : f32
          %parallel_loop3A_320 = vector.broadcast %parallel_loop3A_319 : f32 to vector<16xf32>
          %parallel_loop3A_321 = arith.subf %parallel_loop3A_320, %parallel_loop3A_315 : vector<16xf32>
          %parallel_loop3A_322 = arith.mulf %parallel_loop3A_318, %parallel_loop3A_321 : vector<16xf32>
          %parallel_loop3A_323 = arith.mulf %parallel_loop3A_313, %parallel_loop3A_321 : vector<16xf32>
          %parallel_loop3A_324 = arith.mulf %parallel_loop3A_318, %parallel_loop3A_315 : vector<16xf32>
          %parallel_loop3A_325 = arith.mulf %parallel_loop3A_313, %parallel_loop3A_315 : vector<16xf32>
          %parallel_loop3A_326 = arith.index_cast %parallel_loop3A_300 : i32 to index
          %parallel_loop3A_327 = tpu.vector_load %arg10[%parallel_loop3A_326] {strides = array<i32>} : memref<896xf32, #tpu.memory_space<vmem>>, vector<16xf32>,
          %parallel_loop3A_328 = arith.index_cast %parallel_loop3A_300 : i32 to index
          %parallel_loop3A_329 = tpu.vector_load %arg11[%parallel_loop3A_328] {strides = array<i32>} : memref<896xf32, #tpu.memory_space<vmem>>, vector<16xf32>,
          %parallel_loop3A_330 = arith.mulf %parallel_loop3A_327, %parallel_loop3A_322 : vector<16xf32>
          tpu.vector_store_idx %arg27[%parallel_loop3A_302], %parallel_loop3A_330 {add = true} : memref<50416xf32, #tpu.memory_space<vmem>>[vector<16xi32>], vector<16xf32>,
          %parallel_loop3A_331 = arith.mulf %parallel_loop3A_327, %parallel_loop3A_323 : vector<16xf32>
          tpu.vector_store_idx %arg27[%parallel_loop3A_305], %parallel_loop3A_331 {add = true} : memref<50416xf32, #tpu.memory_space<vmem>>[vector<16xi32>], vector<16xf32>,
          %parallel_loop3A_332 = arith.mulf %parallel_loop3A_327, %parallel_loop3A_324 : vector<16xf32>
          tpu.vector_store_idx %arg27[%parallel_loop3A_308], %parallel_loop3A_332 {add = true} : memref<50416xf32, #tpu.memory_space<vmem>>[vector<16xi32>], vector<16xf32>,
          %parallel_loop3A_333 = arith.mulf %parallel_loop3A_327, %parallel_loop3A_325 : vector<16xf32>
          tpu.vector_store_idx %arg27[%parallel_loop3A_311], %parallel_loop3A_333 {add = true} : memref<50416xf32, #tpu.memory_space<vmem>>[vector<16xi32>], vector<16xf32>,
          %parallel_loop3A_334 = arith.mulf %parallel_loop3A_329, %parallel_loop3A_322 : vector<16xf32>
          tpu.vector_store_idx %arg28[%parallel_loop3A_302], %parallel_loop3A_334 {add = true} : memref<50416xf32, #tpu.memory_space<vmem>>[vector<16xi32>], vector<16xf32>,
          %parallel_loop3A_335 = arith.mulf %parallel_loop3A_329, %parallel_loop3A_323 : vector<16xf32>
          tpu.vector_store_idx %arg28[%parallel_loop3A_305], %parallel_loop3A_335 {add = true} : memref<50416xf32, #tpu.memory_space<vmem>>[vector<16xi32>], vector<16xf32>,
          %parallel_loop3A_336 = arith.mulf %parallel_loop3A_329, %parallel_loop3A_324 : vector<16xf32>
          tpu.vector_store_idx %arg28[%parallel_loop3A_308], %parallel_loop3A_336 {add = true} : memref<50416xf32, #tpu.memory_space<vmem>>[vector<16xi32>], vector<16xf32>,
          %parallel_loop3A_337 = arith.mulf %parallel_loop3A_329, %parallel_loop3A_325 : vector<16xf32>
          tpu.vector_store_idx %arg28[%parallel_loop3A_311], %parallel_loop3A_337 {add = true} : memref<50416xf32, #tpu.memory_space<vmem>>[vector<16xi32>], vector<16xf32>,
        } {sc.loop_unroll_factor = 8 : i64, sc.parallel_access}
        %add3A_232 = arith.constant 4 : i32
        %add3A_233 = arith.addi %add3A_221, %add3A_232 : i32
        %lt3A = arith.constant 56 : i32
        %lt3A_234 = arith.cmpi slt, %add3A_233, %lt3A : i32
        %convert_element_type3A_235 = arith.extui %lt3A_234 : i1 to i32
        %cond3A_236 = arith.constant 0 : i32
        %cond3A_237 = arith.cmpi ne, %convert_element_type3A_235, %cond3A_236 : i32
        scf.if %cond3A_237 {
          %add3A_298 = arith.constant 4 : i32
          %add3A_299 = arith.addi %add3A_221, %add3A_298 : i32
          %mul3A_300 = arith.constant 896 : i32
          %mul3A_301 = arith.muli %add3A_299, %mul3A_300 : i32
          %mul3A_302 = arith.constant 50176 : i32
          %mul3A_303 = arith.muli %select_n3A_80, %mul3A_302 : i32
          %add3A_304 = arith.addi %mul3A_303, %mul3A_301 : i32
          %mul3A_305 = arith.constant 50176 : i32
          %mul3A_306 = arith.muli %add3A_88, %mul3A_305 : i32
          %add3A_307 = arith.addi %mul3A_306, %mul3A_301 : i32
          %add3A_308 = arith.constant 1 : i32
          %add3A_309 = arith.addi %add3A_88, %add3A_308 : i32
          %mul3A_310 = arith.constant 50176 : i32
          %mul3A_311 = arith.muli %add3A_309, %mul3A_310 : i32
          %add3A_312 = arith.addi %mul3A_311, %mul3A_301 : i32
          %dma_start3A_313 = tpu.memref_slice %arg3[%add3A_304] : memref<200704xi32, #tpu.memory_space<hbm>> -> memref<896xi32, #tpu.memory_space<hbm>>
          %dma_start3A_314 = tpu.memref_slice %arg3[%add3A_304] : memref<200704xi32, #tpu.memory_space<hbm>> -> memref<896xi32, #tpu.memory_space<hbm>>
          tpu.enqueue_dma source(%dma_start3A_314 : memref<896xi32, #tpu.memory_space<hbm>>) target(%arg7 : memref<896xi32, #tpu.memory_space<vmem>>) target_semaphore(%arg29 : memref<!tpu.dma_semaphore, #tpu.memory_space<semaphore_mem>>)
          %dma_start3A_315 = tpu.memref_slice %arg4[%add3A_304] : memref<200704xf32, #tpu.memory_space<hbm>> -> memref<896xf32, #tpu.memory_space<hbm>>
          %dma_start3A_316 = tpu.memref_slice %arg4[%add3A_304] : memref<200704xf32, #tpu.memory_space<hbm>> -> memref<896xf32, #tpu.memory_space<hbm>>
          tpu.enqueue_dma source(%dma_start3A_316 : memref<896xf32, #tpu.memory_space<hbm>>) target(%arg8 : memref<896xf32, #tpu.memory_space<vmem>>) target_semaphore(%arg29 : memref<!tpu.dma_semaphore, #tpu.memory_space<semaphore_mem>>)
          %dma_start3A_317 = tpu.memref_slice %arg5[%add3A_304] : memref<200704xf32, #tpu.memory_space<hbm>> -> memref<896xf32, #tpu.memory_space<hbm>>
          %dma_start3A_318 = tpu.memref_slice %arg5[%add3A_304] : memref<200704xf32, #tpu.memory_space<hbm>> -> memref<896xf32, #tpu.memory_space<hbm>>
          tpu.enqueue_dma source(%dma_start3A_318 : memref<896xf32, #tpu.memory_space<hbm>>) target(%arg9 : memref<896xf32, #tpu.memory_space<vmem>>) target_semaphore(%arg29 : memref<!tpu.dma_semaphore, #tpu.memory_space<semaphore_mem>>)
          %dma_start3A_319 = tpu.memref_slice %arg2[%add3A_307] : memref<19267584xf32, #tpu.memory_space<hbm>> -> memref<896xf32, #tpu.memory_space<hbm>>
          %dma_start3A_320 = tpu.memref_slice %arg2[%add3A_307] : memref<19267584xf32, #tpu.memory_space<hbm>> -> memref<896xf32, #tpu.memory_space<hbm>>
          tpu.enqueue_dma source(%dma_start3A_320 : memref<896xf32, #tpu.memory_space<hbm>>) target(%arg10 : memref<896xf32, #tpu.memory_space<vmem>>) target_semaphore(%arg29 : memref<!tpu.dma_semaphore, #tpu.memory_space<semaphore_mem>>)
          %dma_start3A_321 = tpu.memref_slice %arg2[%add3A_312] : memref<19267584xf32, #tpu.memory_space<hbm>> -> memref<896xf32, #tpu.memory_space<hbm>>
          %dma_start3A_322 = tpu.memref_slice %arg2[%add3A_312] : memref<19267584xf32, #tpu.memory_space<hbm>> -> memref<896xf32, #tpu.memory_space<hbm>>
          tpu.enqueue_dma source(%dma_start3A_322 : memref<896xf32, #tpu.memory_space<hbm>>) target(%arg11 : memref<896xf32, #tpu.memory_space<vmem>>) target_semaphore(%arg29 : memref<!tpu.dma_semaphore, #tpu.memory_space<semaphore_mem>>)
        } else {
        }
        %add3A_238 = arith.constant 1 : i32
        %add3A_239 = arith.addi %add3A_219, %add3A_238 : i32
        %dma_wait3A_240 = arith.constant 0 : i32
        %dma_wait3A_241 = tpu.memref_slice %arg27[%dma_wait3A_240] : memref<50416xf32, #tpu.memory_space<vmem>> -> memref<4480xf32, #tpu.memory_space<vmem>>
        %dma_wait3A_242 = arith.constant 0 : i32
        %dma_wait3A_243 = tpu.memref_slice %arg2[%dma_wait3A_242] : memref<19267584xf32, #tpu.memory_space<hbm>> -> memref<4480xf32, #tpu.memory_space<hbm>>
        %dma_wait3A_244 = arith.constant 0 : i32
        %dma_wait3A_245 = tpu.memref_slice %arg27[%dma_wait3A_244] : memref<50416xf32, #tpu.memory_space<vmem>> -> memref<4480xf32, #tpu.memory_space<vmem>>
        %dma_wait3A_246 = arith.constant 0 : i32
        %dma_wait3A_247 = tpu.memref_slice %arg2[%dma_wait3A_246] : memref<19267584xf32, #tpu.memory_space<hbm>> -> memref<4480xf32, #tpu.memory_space<hbm>>
        tpu.wait_dma2 semaphore(%arg30 : memref<!tpu.dma_semaphore, #tpu.memory_space<semaphore_mem>>) src(%dma_wait3A_247 : memref<4480xf32, #tpu.memory_space<hbm>>) dst(%dma_wait3A_245 : memref<4480xf32, #tpu.memory_space<vmem>>)
        %parallel_loop3A_248 = arith.constant 0 : i32
        %parallel_loop3A_249 = arith.constant 56 : i32
        %parallel_loop3A_250 = arith.constant 1 : i32
        scf.for %parallel_loop3A_298 = %parallel_loop3A_248 to %parallel_loop3A_249 step %parallel_loop3A_250  : i32 {
          %parallel_loop3A_299 = arith.constant 16 : i32
          %parallel_loop3A_300 = arith.muli %parallel_loop3A_298, %parallel_loop3A_299 : i32
          %parallel_loop3A_301 = arith.index_cast %parallel_loop3A_300 : i32 to index
          %parallel_loop3A_302 = tpu.vector_load %arg12[%parallel_loop3A_301] {strides = array<i32>} : memref<896xi32, #tpu.memory_space<vmem>>, vector<16xi32>,
          %parallel_loop3A_303 = arith.constant 1 : i32
          %parallel_loop3A_304 = vector.broadcast %parallel_loop3A_303 : i32 to vector<16xi32>
          %parallel_loop3A_305 = arith.addi %parallel_loop3A_302, %parallel_loop3A_304 : vector<16xi32>
          %parallel_loop3A_306 = arith.constant 224 : i32
          %parallel_loop3A_307 = vector.broadcast %parallel_loop3A_306 : i32 to vector<16xi32>
          %parallel_loop3A_308 = arith.addi %parallel_loop3A_302, %parallel_loop3A_307 : vector<16xi32>
          %parallel_loop3A_309 = arith.constant 225 : i32
          %parallel_loop3A_310 = vector.broadcast %parallel_loop3A_309 : i32 to vector<16xi32>
          %parallel_loop3A_311 = arith.addi %parallel_loop3A_302, %parallel_loop3A_310 : vector<16xi32>
          %parallel_loop3A_312 = arith.index_cast %parallel_loop3A_300 : i32 to index
          %parallel_loop3A_313 = tpu.vector_load %arg13[%parallel_loop3A_312] {strides = array<i32>} : memref<896xf32, #tpu.memory_space<vmem>>, vector<16xf32>,
          %parallel_loop3A_314 = arith.index_cast %parallel_loop3A_300 : i32 to index
          %parallel_loop3A_315 = tpu.vector_load %arg14[%parallel_loop3A_314] {strides = array<i32>} : memref<896xf32, #tpu.memory_space<vmem>>, vector<16xf32>,
          %parallel_loop3A_316 = arith.constant 1.000000e+00 : f32
          %parallel_loop3A_317 = vector.broadcast %parallel_loop3A_316 : f32 to vector<16xf32>
          %parallel_loop3A_318 = arith.subf %parallel_loop3A_317, %parallel_loop3A_313 : vector<16xf32>
          %parallel_loop3A_319 = arith.constant 1.000000e+00 : f32
          %parallel_loop3A_320 = vector.broadcast %parallel_loop3A_319 : f32 to vector<16xf32>
          %parallel_loop3A_321 = arith.subf %parallel_loop3A_320, %parallel_loop3A_315 : vector<16xf32>
          %parallel_loop3A_322 = arith.mulf %parallel_loop3A_318, %parallel_loop3A_321 : vector<16xf32>
          %parallel_loop3A_323 = arith.mulf %parallel_loop3A_313, %parallel_loop3A_321 : vector<16xf32>
          %parallel_loop3A_324 = arith.mulf %parallel_loop3A_318, %parallel_loop3A_315 : vector<16xf32>
          %parallel_loop3A_325 = arith.mulf %parallel_loop3A_313, %parallel_loop3A_315 : vector<16xf32>
          %parallel_loop3A_326 = arith.index_cast %parallel_loop3A_300 : i32 to index
          %parallel_loop3A_327 = tpu.vector_load %arg15[%parallel_loop3A_326] {strides = array<i32>} : memref<896xf32, #tpu.memory_space<vmem>>, vector<16xf32>,
          %parallel_loop3A_328 = arith.index_cast %parallel_loop3A_300 : i32 to index
          %parallel_loop3A_329 = tpu.vector_load %arg16[%parallel_loop3A_328] {strides = array<i32>} : memref<896xf32, #tpu.memory_space<vmem>>, vector<16xf32>,
          %parallel_loop3A_330 = arith.mulf %parallel_loop3A_327, %parallel_loop3A_322 : vector<16xf32>
          tpu.vector_store_idx %arg27[%parallel_loop3A_302], %parallel_loop3A_330 {add = true} : memref<50416xf32, #tpu.memory_space<vmem>>[vector<16xi32>], vector<16xf32>,
          %parallel_loop3A_331 = arith.mulf %parallel_loop3A_327, %parallel_loop3A_323 : vector<16xf32>
          tpu.vector_store_idx %arg27[%parallel_loop3A_305], %parallel_loop3A_331 {add = true} : memref<50416xf32, #tpu.memory_space<vmem>>[vector<16xi32>], vector<16xf32>,
          %parallel_loop3A_332 = arith.mulf %parallel_loop3A_327, %parallel_loop3A_324 : vector<16xf32>
          tpu.vector_store_idx %arg27[%parallel_loop3A_308], %parallel_loop3A_332 {add = true} : memref<50416xf32, #tpu.memory_space<vmem>>[vector<16xi32>], vector<16xf32>,
          %parallel_loop3A_333 = arith.mulf %parallel_loop3A_327, %parallel_loop3A_325 : vector<16xf32>
          tpu.vector_store_idx %arg27[%parallel_loop3A_311], %parallel_loop3A_333 {add = true} : memref<50416xf32, #tpu.memory_space<vmem>>[vector<16xi32>], vector<16xf32>,
          %parallel_loop3A_334 = arith.mulf %parallel_loop3A_329, %parallel_loop3A_322 : vector<16xf32>
          tpu.vector_store_idx %arg28[%parallel_loop3A_302], %parallel_loop3A_334 {add = true} : memref<50416xf32, #tpu.memory_space<vmem>>[vector<16xi32>], vector<16xf32>,
          %parallel_loop3A_335 = arith.mulf %parallel_loop3A_329, %parallel_loop3A_323 : vector<16xf32>
          tpu.vector_store_idx %arg28[%parallel_loop3A_305], %parallel_loop3A_335 {add = true} : memref<50416xf32, #tpu.memory_space<vmem>>[vector<16xi32>], vector<16xf32>,
          %parallel_loop3A_336 = arith.mulf %parallel_loop3A_329, %parallel_loop3A_324 : vector<16xf32>
          tpu.vector_store_idx %arg28[%parallel_loop3A_308], %parallel_loop3A_336 {add = true} : memref<50416xf32, #tpu.memory_space<vmem>>[vector<16xi32>], vector<16xf32>,
          %parallel_loop3A_337 = arith.mulf %parallel_loop3A_329, %parallel_loop3A_325 : vector<16xf32>
          tpu.vector_store_idx %arg28[%parallel_loop3A_311], %parallel_loop3A_337 {add = true} : memref<50416xf32, #tpu.memory_space<vmem>>[vector<16xi32>], vector<16xf32>,
        } {sc.loop_unroll_factor = 8 : i64, sc.parallel_access}
        %add3A_251 = arith.constant 4 : i32
        %add3A_252 = arith.addi %add3A_239, %add3A_251 : i32
        %lt3A_253 = arith.constant 56 : i32
        %lt3A_254 = arith.cmpi slt, %add3A_252, %lt3A_253 : i32
        %convert_element_type3A_255 = arith.extui %lt3A_254 : i1 to i32
        %cond3A_256 = arith.constant 0 : i32
        %cond3A_257 = arith.cmpi ne, %convert_element_type3A_255, %cond3A_256 : i32
        scf.if %cond3A_257 {
          %add3A_298 = arith.constant 4 : i32
          %add3A_299 = arith.addi %add3A_239, %add3A_298 : i32
          %mul3A_300 = arith.constant 896 : i32
          %mul3A_301 = arith.muli %add3A_299, %mul3A_300 : i32
          %mul3A_302 = arith.constant 50176 : i32
          %mul3A_303 = arith.muli %select_n3A_80, %mul3A_302 : i32
          %add3A_304 = arith.addi %mul3A_303, %mul3A_301 : i32
          %mul3A_305 = arith.constant 50176 : i32
          %mul3A_306 = arith.muli %add3A_88, %mul3A_305 : i32
          %add3A_307 = arith.addi %mul3A_306, %mul3A_301 : i32
          %add3A_308 = arith.constant 1 : i32
          %add3A_309 = arith.addi %add3A_88, %add3A_308 : i32
          %mul3A_310 = arith.constant 50176 : i32
          %mul3A_311 = arith.muli %add3A_309, %mul3A_310 : i32
          %add3A_312 = arith.addi %mul3A_311, %mul3A_301 : i32
          %dma_start3A_313 = tpu.memref_slice %arg3[%add3A_304] : memref<200704xi32, #tpu.memory_space<hbm>> -> memref<896xi32, #tpu.memory_space<hbm>>
          %dma_start3A_314 = tpu.memref_slice %arg3[%add3A_304] : memref<200704xi32, #tpu.memory_space<hbm>> -> memref<896xi32, #tpu.memory_space<hbm>>
          tpu.enqueue_dma source(%dma_start3A_314 : memref<896xi32, #tpu.memory_space<hbm>>) target(%arg12 : memref<896xi32, #tpu.memory_space<vmem>>) target_semaphore(%arg30 : memref<!tpu.dma_semaphore, #tpu.memory_space<semaphore_mem>>)
          %dma_start3A_315 = tpu.memref_slice %arg4[%add3A_304] : memref<200704xf32, #tpu.memory_space<hbm>> -> memref<896xf32, #tpu.memory_space<hbm>>
          %dma_start3A_316 = tpu.memref_slice %arg4[%add3A_304] : memref<200704xf32, #tpu.memory_space<hbm>> -> memref<896xf32, #tpu.memory_space<hbm>>
          tpu.enqueue_dma source(%dma_start3A_316 : memref<896xf32, #tpu.memory_space<hbm>>) target(%arg13 : memref<896xf32, #tpu.memory_space<vmem>>) target_semaphore(%arg30 : memref<!tpu.dma_semaphore, #tpu.memory_space<semaphore_mem>>)
          %dma_start3A_317 = tpu.memref_slice %arg5[%add3A_304] : memref<200704xf32, #tpu.memory_space<hbm>> -> memref<896xf32, #tpu.memory_space<hbm>>
          %dma_start3A_318 = tpu.memref_slice %arg5[%add3A_304] : memref<200704xf32, #tpu.memory_space<hbm>> -> memref<896xf32, #tpu.memory_space<hbm>>
          tpu.enqueue_dma source(%dma_start3A_318 : memref<896xf32, #tpu.memory_space<hbm>>) target(%arg14 : memref<896xf32, #tpu.memory_space<vmem>>) target_semaphore(%arg30 : memref<!tpu.dma_semaphore, #tpu.memory_space<semaphore_mem>>)
          %dma_start3A_319 = tpu.memref_slice %arg2[%add3A_307] : memref<19267584xf32, #tpu.memory_space<hbm>> -> memref<896xf32, #tpu.memory_space<hbm>>
          %dma_start3A_320 = tpu.memref_slice %arg2[%add3A_307] : memref<19267584xf32, #tpu.memory_space<hbm>> -> memref<896xf32, #tpu.memory_space<hbm>>
          tpu.enqueue_dma source(%dma_start3A_320 : memref<896xf32, #tpu.memory_space<hbm>>) target(%arg15 : memref<896xf32, #tpu.memory_space<vmem>>) target_semaphore(%arg30 : memref<!tpu.dma_semaphore, #tpu.memory_space<semaphore_mem>>)
          %dma_start3A_321 = tpu.memref_slice %arg2[%add3A_312] : memref<19267584xf32, #tpu.memory_space<hbm>> -> memref<896xf32, #tpu.memory_space<hbm>>
          %dma_start3A_322 = tpu.memref_slice %arg2[%add3A_312] : memref<19267584xf32, #tpu.memory_space<hbm>> -> memref<896xf32, #tpu.memory_space<hbm>>
          tpu.enqueue_dma source(%dma_start3A_322 : memref<896xf32, #tpu.memory_space<hbm>>) target(%arg16 : memref<896xf32, #tpu.memory_space<vmem>>) target_semaphore(%arg30 : memref<!tpu.dma_semaphore, #tpu.memory_space<semaphore_mem>>)
        } else {
        }
        %add3A_258 = arith.constant 2 : i32
        %add3A_259 = arith.addi %add3A_219, %add3A_258 : i32
        %dma_wait3A_260 = arith.constant 0 : i32
        %dma_wait3A_261 = tpu.memref_slice %arg27[%dma_wait3A_260] : memref<50416xf32, #tpu.memory_space<vmem>> -> memref<4480xf32, #tpu.memory_space<vmem>>
        %dma_wait3A_262 = arith.constant 0 : i32
        %dma_wait3A_263 = tpu.memref_slice %arg2[%dma_wait3A_262] : memref<19267584xf32, #tpu.memory_space<hbm>> -> memref<4480xf32, #tpu.memory_space<hbm>>
        %dma_wait3A_264 = arith.constant 0 : i32
        %dma_wait3A_265 = tpu.memref_slice %arg27[%dma_wait3A_264] : memref<50416xf32, #tpu.memory_space<vmem>> -> memref<4480xf32, #tpu.memory_space<vmem>>
        %dma_wait3A_266 = arith.constant 0 : i32
        %dma_wait3A_267 = tpu.memref_slice %arg2[%dma_wait3A_266] : memref<19267584xf32, #tpu.memory_space<hbm>> -> memref<4480xf32, #tpu.memory_space<hbm>>
        tpu.wait_dma2 semaphore(%arg31 : memref<!tpu.dma_semaphore, #tpu.memory_space<semaphore_mem>>) src(%dma_wait3A_267 : memref<4480xf32, #tpu.memory_space<hbm>>) dst(%dma_wait3A_265 : memref<4480xf32, #tpu.memory_space<vmem>>)
        %parallel_loop3A_268 = arith.constant 0 : i32
        %parallel_loop3A_269 = arith.constant 56 : i32
        %parallel_loop3A_270 = arith.constant 1 : i32
        scf.for %parallel_loop3A_298 = %parallel_loop3A_268 to %parallel_loop3A_269 step %parallel_loop3A_270  : i32 {
          %parallel_loop3A_299 = arith.constant 16 : i32
          %parallel_loop3A_300 = arith.muli %parallel_loop3A_298, %parallel_loop3A_299 : i32
          %parallel_loop3A_301 = arith.index_cast %parallel_loop3A_300 : i32 to index
          %parallel_loop3A_302 = tpu.vector_load %arg17[%parallel_loop3A_301] {strides = array<i32>} : memref<896xi32, #tpu.memory_space<vmem>>, vector<16xi32>,
          %parallel_loop3A_303 = arith.constant 1 : i32
          %parallel_loop3A_304 = vector.broadcast %parallel_loop3A_303 : i32 to vector<16xi32>
          %parallel_loop3A_305 = arith.addi %parallel_loop3A_302, %parallel_loop3A_304 : vector<16xi32>
          %parallel_loop3A_306 = arith.constant 224 : i32
          %parallel_loop3A_307 = vector.broadcast %parallel_loop3A_306 : i32 to vector<16xi32>
          %parallel_loop3A_308 = arith.addi %parallel_loop3A_302, %parallel_loop3A_307 : vector<16xi32>
          %parallel_loop3A_309 = arith.constant 225 : i32
          %parallel_loop3A_310 = vector.broadcast %parallel_loop3A_309 : i32 to vector<16xi32>
          %parallel_loop3A_311 = arith.addi %parallel_loop3A_302, %parallel_loop3A_310 : vector<16xi32>
          %parallel_loop3A_312 = arith.index_cast %parallel_loop3A_300 : i32 to index
          %parallel_loop3A_313 = tpu.vector_load %arg18[%parallel_loop3A_312] {strides = array<i32>} : memref<896xf32, #tpu.memory_space<vmem>>, vector<16xf32>,
          %parallel_loop3A_314 = arith.index_cast %parallel_loop3A_300 : i32 to index
          %parallel_loop3A_315 = tpu.vector_load %arg19[%parallel_loop3A_314] {strides = array<i32>} : memref<896xf32, #tpu.memory_space<vmem>>, vector<16xf32>,
          %parallel_loop3A_316 = arith.constant 1.000000e+00 : f32
          %parallel_loop3A_317 = vector.broadcast %parallel_loop3A_316 : f32 to vector<16xf32>
          %parallel_loop3A_318 = arith.subf %parallel_loop3A_317, %parallel_loop3A_313 : vector<16xf32>
          %parallel_loop3A_319 = arith.constant 1.000000e+00 : f32
          %parallel_loop3A_320 = vector.broadcast %parallel_loop3A_319 : f32 to vector<16xf32>
          %parallel_loop3A_321 = arith.subf %parallel_loop3A_320, %parallel_loop3A_315 : vector<16xf32>
          %parallel_loop3A_322 = arith.mulf %parallel_loop3A_318, %parallel_loop3A_321 : vector<16xf32>
          %parallel_loop3A_323 = arith.mulf %parallel_loop3A_313, %parallel_loop3A_321 : vector<16xf32>
          %parallel_loop3A_324 = arith.mulf %parallel_loop3A_318, %parallel_loop3A_315 : vector<16xf32>
          %parallel_loop3A_325 = arith.mulf %parallel_loop3A_313, %parallel_loop3A_315 : vector<16xf32>
          %parallel_loop3A_326 = arith.index_cast %parallel_loop3A_300 : i32 to index
          %parallel_loop3A_327 = tpu.vector_load %arg20[%parallel_loop3A_326] {strides = array<i32>} : memref<896xf32, #tpu.memory_space<vmem>>, vector<16xf32>,
          %parallel_loop3A_328 = arith.index_cast %parallel_loop3A_300 : i32 to index
          %parallel_loop3A_329 = tpu.vector_load %arg21[%parallel_loop3A_328] {strides = array<i32>} : memref<896xf32, #tpu.memory_space<vmem>>, vector<16xf32>,
          %parallel_loop3A_330 = arith.mulf %parallel_loop3A_327, %parallel_loop3A_322 : vector<16xf32>
          tpu.vector_store_idx %arg27[%parallel_loop3A_302], %parallel_loop3A_330 {add = true} : memref<50416xf32, #tpu.memory_space<vmem>>[vector<16xi32>], vector<16xf32>,
          %parallel_loop3A_331 = arith.mulf %parallel_loop3A_327, %parallel_loop3A_323 : vector<16xf32>
          tpu.vector_store_idx %arg27[%parallel_loop3A_305], %parallel_loop3A_331 {add = true} : memref<50416xf32, #tpu.memory_space<vmem>>[vector<16xi32>], vector<16xf32>,
          %parallel_loop3A_332 = arith.mulf %parallel_loop3A_327, %parallel_loop3A_324 : vector<16xf32>
          tpu.vector_store_idx %arg27[%parallel_loop3A_308], %parallel_loop3A_332 {add = true} : memref<50416xf32, #tpu.memory_space<vmem>>[vector<16xi32>], vector<16xf32>,
          %parallel_loop3A_333 = arith.mulf %parallel_loop3A_327, %parallel_loop3A_325 : vector<16xf32>
          tpu.vector_store_idx %arg27[%parallel_loop3A_311], %parallel_loop3A_333 {add = true} : memref<50416xf32, #tpu.memory_space<vmem>>[vector<16xi32>], vector<16xf32>,
          %parallel_loop3A_334 = arith.mulf %parallel_loop3A_329, %parallel_loop3A_322 : vector<16xf32>
          tpu.vector_store_idx %arg28[%parallel_loop3A_302], %parallel_loop3A_334 {add = true} : memref<50416xf32, #tpu.memory_space<vmem>>[vector<16xi32>], vector<16xf32>,
          %parallel_loop3A_335 = arith.mulf %parallel_loop3A_329, %parallel_loop3A_323 : vector<16xf32>
          tpu.vector_store_idx %arg28[%parallel_loop3A_305], %parallel_loop3A_335 {add = true} : memref<50416xf32, #tpu.memory_space<vmem>>[vector<16xi32>], vector<16xf32>,
          %parallel_loop3A_336 = arith.mulf %parallel_loop3A_329, %parallel_loop3A_324 : vector<16xf32>
          tpu.vector_store_idx %arg28[%parallel_loop3A_308], %parallel_loop3A_336 {add = true} : memref<50416xf32, #tpu.memory_space<vmem>>[vector<16xi32>], vector<16xf32>,
          %parallel_loop3A_337 = arith.mulf %parallel_loop3A_329, %parallel_loop3A_325 : vector<16xf32>
          tpu.vector_store_idx %arg28[%parallel_loop3A_311], %parallel_loop3A_337 {add = true} : memref<50416xf32, #tpu.memory_space<vmem>>[vector<16xi32>], vector<16xf32>,
        } {sc.loop_unroll_factor = 8 : i64, sc.parallel_access}
        %add3A_271 = arith.constant 4 : i32
        %add3A_272 = arith.addi %add3A_259, %add3A_271 : i32
        %lt3A_273 = arith.constant 56 : i32
        %lt3A_274 = arith.cmpi slt, %add3A_272, %lt3A_273 : i32
        %convert_element_type3A_275 = arith.extui %lt3A_274 : i1 to i32
        %cond3A_276 = arith.constant 0 : i32
        %cond3A_277 = arith.cmpi ne, %convert_element_type3A_275, %cond3A_276 : i32
        scf.if %cond3A_277 {
          %add3A_298 = arith.constant 4 : i32
          %add3A_299 = arith.addi %add3A_259, %add3A_298 : i32
          %mul3A_300 = arith.constant 896 : i32
          %mul3A_301 = arith.muli %add3A_299, %mul3A_300 : i32
          %mul3A_302 = arith.constant 50176 : i32
          %mul3A_303 = arith.muli %select_n3A_80, %mul3A_302 : i32
          %add3A_304 = arith.addi %mul3A_303, %mul3A_301 : i32
          %mul3A_305 = arith.constant 50176 : i32
          %mul3A_306 = arith.muli %add3A_88, %mul3A_305 : i32
          %add3A_307 = arith.addi %mul3A_306, %mul3A_301 : i32
          %add3A_308 = arith.constant 1 : i32
          %add3A_309 = arith.addi %add3A_88, %add3A_308 : i32
          %mul3A_310 = arith.constant 50176 : i32
          %mul3A_311 = arith.muli %add3A_309, %mul3A_310 : i32
          %add3A_312 = arith.addi %mul3A_311, %mul3A_301 : i32
          %dma_start3A_313 = tpu.memref_slice %arg3[%add3A_304] : memref<200704xi32, #tpu.memory_space<hbm>> -> memref<896xi32, #tpu.memory_space<hbm>>
          %dma_start3A_314 = tpu.memref_slice %arg3[%add3A_304] : memref<200704xi32, #tpu.memory_space<hbm>> -> memref<896xi32, #tpu.memory_space<hbm>>
          tpu.enqueue_dma source(%dma_start3A_314 : memref<896xi32, #tpu.memory_space<hbm>>) target(%arg17 : memref<896xi32, #tpu.memory_space<vmem>>) target_semaphore(%arg31 : memref<!tpu.dma_semaphore, #tpu.memory_space<semaphore_mem>>)
          %dma_start3A_315 = tpu.memref_slice %arg4[%add3A_304] : memref<200704xf32, #tpu.memory_space<hbm>> -> memref<896xf32, #tpu.memory_space<hbm>>
          %dma_start3A_316 = tpu.memref_slice %arg4[%add3A_304] : memref<200704xf32, #tpu.memory_space<hbm>> -> memref<896xf32, #tpu.memory_space<hbm>>
          tpu.enqueue_dma source(%dma_start3A_316 : memref<896xf32, #tpu.memory_space<hbm>>) target(%arg18 : memref<896xf32, #tpu.memory_space<vmem>>) target_semaphore(%arg31 : memref<!tpu.dma_semaphore, #tpu.memory_space<semaphore_mem>>)
          %dma_start3A_317 = tpu.memref_slice %arg5[%add3A_304] : memref<200704xf32, #tpu.memory_space<hbm>> -> memref<896xf32, #tpu.memory_space<hbm>>
          %dma_start3A_318 = tpu.memref_slice %arg5[%add3A_304] : memref<200704xf32, #tpu.memory_space<hbm>> -> memref<896xf32, #tpu.memory_space<hbm>>
          tpu.enqueue_dma source(%dma_start3A_318 : memref<896xf32, #tpu.memory_space<hbm>>) target(%arg19 : memref<896xf32, #tpu.memory_space<vmem>>) target_semaphore(%arg31 : memref<!tpu.dma_semaphore, #tpu.memory_space<semaphore_mem>>)
          %dma_start3A_319 = tpu.memref_slice %arg2[%add3A_307] : memref<19267584xf32, #tpu.memory_space<hbm>> -> memref<896xf32, #tpu.memory_space<hbm>>
          %dma_start3A_320 = tpu.memref_slice %arg2[%add3A_307] : memref<19267584xf32, #tpu.memory_space<hbm>> -> memref<896xf32, #tpu.memory_space<hbm>>
          tpu.enqueue_dma source(%dma_start3A_320 : memref<896xf32, #tpu.memory_space<hbm>>) target(%arg20 : memref<896xf32, #tpu.memory_space<vmem>>) target_semaphore(%arg31 : memref<!tpu.dma_semaphore, #tpu.memory_space<semaphore_mem>>)
          %dma_start3A_321 = tpu.memref_slice %arg2[%add3A_312] : memref<19267584xf32, #tpu.memory_space<hbm>> -> memref<896xf32, #tpu.memory_space<hbm>>
          %dma_start3A_322 = tpu.memref_slice %arg2[%add3A_312] : memref<19267584xf32, #tpu.memory_space<hbm>> -> memref<896xf32, #tpu.memory_space<hbm>>
          tpu.enqueue_dma source(%dma_start3A_322 : memref<896xf32, #tpu.memory_space<hbm>>) target(%arg21 : memref<896xf32, #tpu.memory_space<vmem>>) target_semaphore(%arg31 : memref<!tpu.dma_semaphore, #tpu.memory_space<semaphore_mem>>)
        } else {
        }
        %add3A_278 = arith.constant 3 : i32
        %add3A_279 = arith.addi %add3A_219, %add3A_278 : i32
        %dma_wait3A_280 = arith.constant 0 : i32
        %dma_wait3A_281 = tpu.memref_slice %arg27[%dma_wait3A_280] : memref<50416xf32, #tpu.memory_space<vmem>> -> memref<4480xf32, #tpu.memory_space<vmem>>
        %dma_wait3A_282 = arith.constant 0 : i32
        %dma_wait3A_283 = tpu.memref_slice %arg2[%dma_wait3A_282] : memref<19267584xf32, #tpu.memory_space<hbm>> -> memref<4480xf32, #tpu.memory_space<hbm>>
        %dma_wait3A_284 = arith.constant 0 : i32
        %dma_wait3A_285 = tpu.memref_slice %arg27[%dma_wait3A_284] : memref<50416xf32, #tpu.memory_space<vmem>> -> memref<4480xf32, #tpu.memory_space<vmem>>
        %dma_wait3A_286 = arith.constant 0 : i32
        %dma_wait3A_287 = tpu.memref_slice %arg2[%dma_wait3A_286] : memref<19267584xf32, #tpu.memory_space<hbm>> -> memref<4480xf32, #tpu.memory_space<hbm>>
        tpu.wait_dma2 semaphore(%arg32 : memref<!tpu.dma_semaphore, #tpu.memory_space<semaphore_mem>>) src(%dma_wait3A_287 : memref<4480xf32, #tpu.memory_space<hbm>>) dst(%dma_wait3A_285 : memref<4480xf32, #tpu.memory_space<vmem>>)
        %parallel_loop3A_288 = arith.constant 0 : i32
        %parallel_loop3A_289 = arith.constant 56 : i32
        %parallel_loop3A_290 = arith.constant 1 : i32
        scf.for %parallel_loop3A_298 = %parallel_loop3A_288 to %parallel_loop3A_289 step %parallel_loop3A_290  : i32 {
          %parallel_loop3A_299 = arith.constant 16 : i32
          %parallel_loop3A_300 = arith.muli %parallel_loop3A_298, %parallel_loop3A_299 : i32
          %parallel_loop3A_301 = arith.index_cast %parallel_loop3A_300 : i32 to index
          %parallel_loop3A_302 = tpu.vector_load %arg22[%parallel_loop3A_301] {strides = array<i32>} : memref<896xi32, #tpu.memory_space<vmem>>, vector<16xi32>,
          %parallel_loop3A_303 = arith.constant 1 : i32
          %parallel_loop3A_304 = vector.broadcast %parallel_loop3A_303 : i32 to vector<16xi32>
          %parallel_loop3A_305 = arith.addi %parallel_loop3A_302, %parallel_loop3A_304 : vector<16xi32>
          %parallel_loop3A_306 = arith.constant 224 : i32
          %parallel_loop3A_307 = vector.broadcast %parallel_loop3A_306 : i32 to vector<16xi32>
          %parallel_loop3A_308 = arith.addi %parallel_loop3A_302, %parallel_loop3A_307 : vector<16xi32>
          %parallel_loop3A_309 = arith.constant 225 : i32
          %parallel_loop3A_310 = vector.broadcast %parallel_loop3A_309 : i32 to vector<16xi32>
          %parallel_loop3A_311 = arith.addi %parallel_loop3A_302, %parallel_loop3A_310 : vector<16xi32>
          %parallel_loop3A_312 = arith.index_cast %parallel_loop3A_300 : i32 to index
          %parallel_loop3A_313 = tpu.vector_load %arg23[%parallel_loop3A_312] {strides = array<i32>} : memref<896xf32, #tpu.memory_space<vmem>>, vector<16xf32>,
          %parallel_loop3A_314 = arith.index_cast %parallel_loop3A_300 : i32 to index
          %parallel_loop3A_315 = tpu.vector_load %arg24[%parallel_loop3A_314] {strides = array<i32>} : memref<896xf32, #tpu.memory_space<vmem>>, vector<16xf32>,
          %parallel_loop3A_316 = arith.constant 1.000000e+00 : f32
          %parallel_loop3A_317 = vector.broadcast %parallel_loop3A_316 : f32 to vector<16xf32>
          %parallel_loop3A_318 = arith.subf %parallel_loop3A_317, %parallel_loop3A_313 : vector<16xf32>
          %parallel_loop3A_319 = arith.constant 1.000000e+00 : f32
          %parallel_loop3A_320 = vector.broadcast %parallel_loop3A_319 : f32 to vector<16xf32>
          %parallel_loop3A_321 = arith.subf %parallel_loop3A_320, %parallel_loop3A_315 : vector<16xf32>
          %parallel_loop3A_322 = arith.mulf %parallel_loop3A_318, %parallel_loop3A_321 : vector<16xf32>
          %parallel_loop3A_323 = arith.mulf %parallel_loop3A_313, %parallel_loop3A_321 : vector<16xf32>
          %parallel_loop3A_324 = arith.mulf %parallel_loop3A_318, %parallel_loop3A_315 : vector<16xf32>
          %parallel_loop3A_325 = arith.mulf %parallel_loop3A_313, %parallel_loop3A_315 : vector<16xf32>
          %parallel_loop3A_326 = arith.index_cast %parallel_loop3A_300 : i32 to index
          %parallel_loop3A_327 = tpu.vector_load %arg25[%parallel_loop3A_326] {strides = array<i32>} : memref<896xf32, #tpu.memory_space<vmem>>, vector<16xf32>,
          %parallel_loop3A_328 = arith.index_cast %parallel_loop3A_300 : i32 to index
          %parallel_loop3A_329 = tpu.vector_load %arg26[%parallel_loop3A_328] {strides = array<i32>} : memref<896xf32, #tpu.memory_space<vmem>>, vector<16xf32>,
          %parallel_loop3A_330 = arith.mulf %parallel_loop3A_327, %parallel_loop3A_322 : vector<16xf32>
          tpu.vector_store_idx %arg27[%parallel_loop3A_302], %parallel_loop3A_330 {add = true} : memref<50416xf32, #tpu.memory_space<vmem>>[vector<16xi32>], vector<16xf32>,
          %parallel_loop3A_331 = arith.mulf %parallel_loop3A_327, %parallel_loop3A_323 : vector<16xf32>
          tpu.vector_store_idx %arg27[%parallel_loop3A_305], %parallel_loop3A_331 {add = true} : memref<50416xf32, #tpu.memory_space<vmem>>[vector<16xi32>], vector<16xf32>,
          %parallel_loop3A_332 = arith.mulf %parallel_loop3A_327, %parallel_loop3A_324 : vector<16xf32>
          tpu.vector_store_idx %arg27[%parallel_loop3A_308], %parallel_loop3A_332 {add = true} : memref<50416xf32, #tpu.memory_space<vmem>>[vector<16xi32>], vector<16xf32>,
          %parallel_loop3A_333 = arith.mulf %parallel_loop3A_327, %parallel_loop3A_325 : vector<16xf32>
          tpu.vector_store_idx %arg27[%parallel_loop3A_311], %parallel_loop3A_333 {add = true} : memref<50416xf32, #tpu.memory_space<vmem>>[vector<16xi32>], vector<16xf32>,
          %parallel_loop3A_334 = arith.mulf %parallel_loop3A_329, %parallel_loop3A_322 : vector<16xf32>
          tpu.vector_store_idx %arg28[%parallel_loop3A_302], %parallel_loop3A_334 {add = true} : memref<50416xf32, #tpu.memory_space<vmem>>[vector<16xi32>], vector<16xf32>,
          %parallel_loop3A_335 = arith.mulf %parallel_loop3A_329, %parallel_loop3A_323 : vector<16xf32>
          tpu.vector_store_idx %arg28[%parallel_loop3A_305], %parallel_loop3A_335 {add = true} : memref<50416xf32, #tpu.memory_space<vmem>>[vector<16xi32>], vector<16xf32>,
          %parallel_loop3A_336 = arith.mulf %parallel_loop3A_329, %parallel_loop3A_324 : vector<16xf32>
          tpu.vector_store_idx %arg28[%parallel_loop3A_308], %parallel_loop3A_336 {add = true} : memref<50416xf32, #tpu.memory_space<vmem>>[vector<16xi32>], vector<16xf32>,
          %parallel_loop3A_337 = arith.mulf %parallel_loop3A_329, %parallel_loop3A_325 : vector<16xf32>
          tpu.vector_store_idx %arg28[%parallel_loop3A_311], %parallel_loop3A_337 {add = true} : memref<50416xf32, #tpu.memory_space<vmem>>[vector<16xi32>], vector<16xf32>,
        } {sc.loop_unroll_factor = 8 : i64, sc.parallel_access}
        %add3A_291 = arith.constant 4 : i32
        %add3A_292 = arith.addi %add3A_279, %add3A_291 : i32
        %lt3A_293 = arith.constant 56 : i32
        %lt3A_294 = arith.cmpi slt, %add3A_292, %lt3A_293 : i32
        %convert_element_type3A_295 = arith.extui %lt3A_294 : i1 to i32
        %cond3A_296 = arith.constant 0 : i32
        %cond3A_297 = arith.cmpi ne, %convert_element_type3A_295, %cond3A_296 : i32
        scf.if %cond3A_297 {
          %add3A_298 = arith.constant 4 : i32
          %add3A_299 = arith.addi %add3A_279, %add3A_298 : i32
          %mul3A_300 = arith.constant 896 : i32
          %mul3A_301 = arith.muli %add3A_299, %mul3A_300 : i32
          %mul3A_302 = arith.constant 50176 : i32
          %mul3A_303 = arith.muli %select_n3A_80, %mul3A_302 : i32
          %add3A_304 = arith.addi %mul3A_303, %mul3A_301 : i32
          %mul3A_305 = arith.constant 50176 : i32
          %mul3A_306 = arith.muli %add3A_88, %mul3A_305 : i32
          %add3A_307 = arith.addi %mul3A_306, %mul3A_301 : i32
          %add3A_308 = arith.constant 1 : i32
          %add3A_309 = arith.addi %add3A_88, %add3A_308 : i32
          %mul3A_310 = arith.constant 50176 : i32
          %mul3A_311 = arith.muli %add3A_309, %mul3A_310 : i32
          %add3A_312 = arith.addi %mul3A_311, %mul3A_301 : i32
          %dma_start3A_313 = tpu.memref_slice %arg3[%add3A_304] : memref<200704xi32, #tpu.memory_space<hbm>> -> memref<896xi32, #tpu.memory_space<hbm>>
          %dma_start3A_314 = tpu.memref_slice %arg3[%add3A_304] : memref<200704xi32, #tpu.memory_space<hbm>> -> memref<896xi32, #tpu.memory_space<hbm>>
          tpu.enqueue_dma source(%dma_start3A_314 : memref<896xi32, #tpu.memory_space<hbm>>) target(%arg22 : memref<896xi32, #tpu.memory_space<vmem>>) target_semaphore(%arg32 : memref<!tpu.dma_semaphore, #tpu.memory_space<semaphore_mem>>)
          %dma_start3A_315 = tpu.memref_slice %arg4[%add3A_304] : memref<200704xf32, #tpu.memory_space<hbm>> -> memref<896xf32, #tpu.memory_space<hbm>>
          %dma_start3A_316 = tpu.memref_slice %arg4[%add3A_304] : memref<200704xf32, #tpu.memory_space<hbm>> -> memref<896xf32, #tpu.memory_space<hbm>>
          tpu.enqueue_dma source(%dma_start3A_316 : memref<896xf32, #tpu.memory_space<hbm>>) target(%arg23 : memref<896xf32, #tpu.memory_space<vmem>>) target_semaphore(%arg32 : memref<!tpu.dma_semaphore, #tpu.memory_space<semaphore_mem>>)
          %dma_start3A_317 = tpu.memref_slice %arg5[%add3A_304] : memref<200704xf32, #tpu.memory_space<hbm>> -> memref<896xf32, #tpu.memory_space<hbm>>
          %dma_start3A_318 = tpu.memref_slice %arg5[%add3A_304] : memref<200704xf32, #tpu.memory_space<hbm>> -> memref<896xf32, #tpu.memory_space<hbm>>
          tpu.enqueue_dma source(%dma_start3A_318 : memref<896xf32, #tpu.memory_space<hbm>>) target(%arg24 : memref<896xf32, #tpu.memory_space<vmem>>) target_semaphore(%arg32 : memref<!tpu.dma_semaphore, #tpu.memory_space<semaphore_mem>>)
          %dma_start3A_319 = tpu.memref_slice %arg2[%add3A_307] : memref<19267584xf32, #tpu.memory_space<hbm>> -> memref<896xf32, #tpu.memory_space<hbm>>
          %dma_start3A_320 = tpu.memref_slice %arg2[%add3A_307] : memref<19267584xf32, #tpu.memory_space<hbm>> -> memref<896xf32, #tpu.memory_space<hbm>>
          tpu.enqueue_dma source(%dma_start3A_320 : memref<896xf32, #tpu.memory_space<hbm>>) target(%arg25 : memref<896xf32, #tpu.memory_space<vmem>>) target_semaphore(%arg32 : memref<!tpu.dma_semaphore, #tpu.memory_space<semaphore_mem>>)
          %dma_start3A_321 = tpu.memref_slice %arg2[%add3A_312] : memref<19267584xf32, #tpu.memory_space<hbm>> -> memref<896xf32, #tpu.memory_space<hbm>>
          %dma_start3A_322 = tpu.memref_slice %arg2[%add3A_312] : memref<19267584xf32, #tpu.memory_space<hbm>> -> memref<896xf32, #tpu.memory_space<hbm>>
          tpu.enqueue_dma source(%dma_start3A_322 : memref<896xf32, #tpu.memory_space<hbm>>) target(%arg26 : memref<896xf32, #tpu.memory_space<vmem>>) target_semaphore(%arg32 : memref<!tpu.dma_semaphore, #tpu.memory_space<semaphore_mem>>)
        } else {
        }
      }
      %scan3A_195 = arith.constant 14 : i32
      %mul3A_196 = arith.constant 50176 : i32
      %mul3A_197 = arith.muli %add3A_88, %mul3A_196 : i32
      %dma_start3A_198 = arith.constant 0 : i32
      %dma_start3A_199 = tpu.memref_slice %arg27[%dma_start3A_198] : memref<50416xf32, #tpu.memory_space<vmem>> -> memref<50176xf32, #tpu.memory_space<vmem>>
      %dma_start3A_200 = tpu.memref_slice %arg6[%mul3A_197] : memref<19267584xf32, #tpu.memory_space<hbm>> -> memref<50176xf32, #tpu.memory_space<hbm>>
      %dma_start3A_201 = tpu.memref_slice %arg6[%mul3A_197] : memref<19267584xf32, #tpu.memory_space<hbm>> -> memref<50176xf32, #tpu.memory_space<hbm>>
      %dma_start3A_202 = arith.constant 0 : i32
      %dma_start3A_203 = tpu.memref_slice %arg27[%dma_start3A_202] : memref<50416xf32, #tpu.memory_space<vmem>> -> memref<50176xf32, #tpu.memory_space<vmem>>
      tpu.enqueue_dma source(%dma_start3A_203 : memref<50176xf32, #tpu.memory_space<vmem>>) target(%dma_start3A_201 : memref<50176xf32, #tpu.memory_space<hbm>>) target_semaphore(%arg33 : memref<!tpu.dma_semaphore, #tpu.memory_space<semaphore_mem>>)
      %add3A_204 = arith.constant 1 : i32
      %add3A_205 = arith.addi %add3A_88, %add3A_204 : i32
      %mul3A_206 = arith.constant 50176 : i32
      %mul3A_207 = arith.muli %add3A_205, %mul3A_206 : i32
      %dma_start3A_208 = arith.constant 0 : i32
      %dma_start3A_209 = tpu.memref_slice %arg28[%dma_start3A_208] : memref<50416xf32, #tpu.memory_space<vmem>> -> memref<50176xf32, #tpu.memory_space<vmem>>
      %dma_start3A_210 = tpu.memref_slice %arg6[%mul3A_207] : memref<19267584xf32, #tpu.memory_space<hbm>> -> memref<50176xf32, #tpu.memory_space<hbm>>
      %dma_start3A_211 = tpu.memref_slice %arg6[%mul3A_207] : memref<19267584xf32, #tpu.memory_space<hbm>> -> memref<50176xf32, #tpu.memory_space<hbm>>
      %dma_start3A_212 = arith.constant 0 : i32
      %dma_start3A_213 = tpu.memref_slice %arg28[%dma_start3A_212] : memref<50416xf32, #tpu.memory_space<vmem>> -> memref<50176xf32, #tpu.memory_space<vmem>>
      tpu.enqueue_dma source(%dma_start3A_213 : memref<50176xf32, #tpu.memory_space<vmem>>) target(%dma_start3A_211 : memref<50176xf32, #tpu.memory_space<hbm>>) target_semaphore(%arg33 : memref<!tpu.dma_semaphore, #tpu.memory_space<semaphore_mem>>)
      %scan3A_214 = arith.constant 0 : i32
      scf.yield %scan3A_214 : i32
    }
    %scan3A_6 = arith.constant 6 : i32
    %mul3A_7 = arith.constant 6 : i32
    %mul3A_8 = arith.muli %add3A, %mul3A_7 : i32
    %add3A_9 = arith.constant 5 : i32
    %add3A_10 = arith.addi %mul3A_8, %add3A_9 : i32
    %jit3A = arith.constant 48 : i32
    %div3A = arith.divsi %add3A_10, %jit3A : i32
    %sign3A = arith.constant 0 : i32
    %sign3A_11 = arith.cmpi sgt, %add3A_10, %sign3A : i32
    %sign3A_12 = arith.extui %sign3A_11 : i1 to i32
    %sign3A_13 = arith.constant 0 : i32
    %sign3A_14 = arith.cmpi slt, %add3A_10, %sign3A_13 : i32
    %sign3A_15 = arith.extui %sign3A_14 : i1 to i32
    %sign3A_16 = arith.subi %sign3A_12, %sign3A_15 : i32
    %sign3A_17 = arith.constant 0 : i32
    %sign3A_18 = arith.cmpi sgt, %jit3A, %sign3A_17 : i32
    %sign3A_19 = arith.extui %sign3A_18 : i1 to i32
    %sign3A_20 = arith.constant 0 : i32
    %sign3A_21 = arith.cmpi slt, %jit3A, %sign3A_20 : i32
    %sign3A_22 = arith.extui %sign3A_21 : i1 to i32
    %sign3A_23 = arith.subi %sign3A_19, %sign3A_22 : i32
    %ne3A = arith.cmpi ne, %sign3A_16, %sign3A_23 : i32
    %rem3A = arith.remsi %add3A_10, %jit3A : i32
    %ne3A_24 = arith.constant 0 : i32
    %ne3A_25 = arith.cmpi ne, %rem3A, %ne3A_24 : i32
    %and3A = arith.andi %ne3A, %ne3A_25 : i1
    %sub3A = arith.constant 1 : i32
    %sub3A_26 = arith.subi %div3A, %sub3A : i32
    %select_n3A = arith.select %and3A, %sub3A_26, %div3A : i32
    %mul3A_27 = arith.constant 96 : i32
    %mul3A_28 = arith.muli %select_n3A, %mul3A_27 : i32
    %mul3A_29 = arith.constant 48 : i32
    %mul3A_30 = arith.muli %select_n3A, %mul3A_29 : i32
    %sub3A_31 = arith.subi %add3A_10, %mul3A_30 : i32
    %mul3A_32 = arith.constant 2 : i32
    %mul3A_33 = arith.muli %mul3A_32, %sub3A_31 : i32
    %add3A_34 = arith.addi %mul3A_28, %mul3A_33 : i32
    %mul3A_35 = arith.constant 50176 : i32
    %mul3A_36 = arith.muli %add3A_34, %mul3A_35 : i32
    %dma_wait3A = arith.constant 0 : i32
    %dma_wait3A_37 = tpu.memref_slice %arg27[%dma_wait3A] : memref<50416xf32, #tpu.memory_space<vmem>> -> memref<50176xf32, #tpu.memory_space<vmem>>
    %dma_wait3A_38 = tpu.memref_slice %arg6[%mul3A_36] : memref<19267584xf32, #tpu.memory_space<hbm>> -> memref<50176xf32, #tpu.memory_space<hbm>>
    %dma_wait3A_39 = tpu.memref_slice %arg6[%mul3A_36] : memref<19267584xf32, #tpu.memory_space<hbm>> -> memref<50176xf32, #tpu.memory_space<hbm>>
    %dma_wait3A_40 = arith.constant 0 : i32
    %dma_wait3A_41 = tpu.memref_slice %arg27[%dma_wait3A_40] : memref<50416xf32, #tpu.memory_space<vmem>> -> memref<50176xf32, #tpu.memory_space<vmem>>
    tpu.wait_dma2 semaphore(%arg33 : memref<!tpu.dma_semaphore, #tpu.memory_space<semaphore_mem>>) src(%dma_wait3A_41 : memref<50176xf32, #tpu.memory_space<vmem>>) dst(%dma_wait3A_39 : memref<50176xf32, #tpu.memory_space<hbm>>)
    %add3A_42 = arith.constant 1 : i32
    %add3A_43 = arith.addi %add3A_34, %add3A_42 : i32
    %mul3A_44 = arith.constant 50176 : i32
    %mul3A_45 = arith.muli %add3A_43, %mul3A_44 : i32
    %dma_wait3A_46 = arith.constant 0 : i32
    %dma_wait3A_47 = tpu.memref_slice %arg28[%dma_wait3A_46] : memref<50416xf32, #tpu.memory_space<vmem>> -> memref<50176xf32, #tpu.memory_space<vmem>>
    %dma_wait3A_48 = tpu.memref_slice %arg6[%mul3A_45] : memref<19267584xf32, #tpu.memory_space<hbm>> -> memref<50176xf32, #tpu.memory_space<hbm>>
    %dma_wait3A_49 = tpu.memref_slice %arg6[%mul3A_45] : memref<19267584xf32, #tpu.memory_space<hbm>> -> memref<50176xf32, #tpu.memory_space<hbm>>
    %dma_wait3A_50 = arith.constant 0 : i32
    %dma_wait3A_51 = tpu.memref_slice %arg28[%dma_wait3A_50] : memref<50416xf32, #tpu.memory_space<vmem>> -> memref<50176xf32, #tpu.memory_space<vmem>>
    tpu.wait_dma2 semaphore(%arg33 : memref<!tpu.dma_semaphore, #tpu.memory_space<semaphore_mem>>) src(%dma_wait3A_51 : memref<50176xf32, #tpu.memory_space<vmem>>) dst(%dma_wait3A_49 : memref<50176xf32, #tpu.memory_space<hbm>>)
    return
  }
}

module attributes {stable_mosaic.version = 14 : i64} {
  func.func @_weights_tc(%arg0: memref<4x224x224xf32, #tpu.memory_space<vmem>>, %arg1: memref<4x224x224xf32, #tpu.memory_space<vmem>>, %arg2: memref<4x224x224xi32, #tpu.memory_space<vmem>>, %arg3: memref<4x224x224xf32, #tpu.memory_space<vmem>>, %arg4: memref<4x224x224xf32, #tpu.memory_space<vmem>>) attributes {dimension_semantics = [], scalar_prefetch = 0 : i64, scratch_operands = 0 : i64, tpu.core_type = #tpu.core_type<tc>} {
    %get3A = arith.constant 0 : index
    %get3A_0 = arith.constant 0 : index
    %get3A_1 = arith.constant 0 : index
    %get3A_2 = vector.load %arg0[%get3A, %get3A_0, %get3A_1] : memref<4x224x224xf32, #tpu.memory_space<vmem>>, vector<4x224x224xf32>
    %get3A_3 = arith.constant 0 : index
    %get3A_4 = arith.constant 0 : index
    %get3A_5 = arith.constant 0 : index
    %get3A_6 = vector.load %arg1[%get3A_3, %get3A_4, %get3A_5] : memref<4x224x224xf32, #tpu.memory_space<vmem>>, vector<4x224x224xf32>
    %iota3A = tpu.iota {dimensions = array<i32: 2>} : vector<4x224x224xi32>
    %convert_element_type3A = arith.sitofp %iota3A : vector<4x224x224xi32> to vector<4x224x224xf32>
    %iota3A_7 = tpu.iota {dimensions = array<i32: 1>} : vector<4x224x224xi32>
    %convert_element_type3A_8 = arith.sitofp %iota3A_7 : vector<4x224x224xi32> to vector<4x224x224xf32>
    %add3A = arith.addf %convert_element_type3A, %get3A_2 : vector<4x224x224xf32>
    %add3A_9 = arith.addf %convert_element_type3A_8, %get3A_6 : vector<4x224x224xf32>
    %floor3A = math.floor %add3A : vector<4x224x224xf32>
    %convert_element_type3A_10 = arith.fptosi %floor3A : vector<4x224x224xf32> to vector<4x224x224xi32>
    %floor3A_11 = math.floor %add3A_9 : vector<4x224x224xf32>
    %convert_element_type3A_12 = arith.fptosi %floor3A_11 : vector<4x224x224xf32> to vector<4x224x224xi32>
    %ge3A = arith.constant 0 : i32
    %ge3A_13 = vector.broadcast %ge3A : i32 to vector<4x224x224xi32>
    %ge3A_14 = arith.cmpi sge, %convert_element_type3A_10, %ge3A_13 : vector<4x224x224xi32>
    %add3A_15 = arith.constant 1 : i32
    %add3A_16 = vector.broadcast %add3A_15 : i32 to vector<4x224x224xi32>
    %add3A_17 = arith.addi %convert_element_type3A_10, %add3A_16 : vector<4x224x224xi32>
    %lt3A = arith.constant 224 : i32
    %lt3A_18 = vector.broadcast %lt3A : i32 to vector<4x224x224xi32>
    %lt3A_19 = arith.cmpi slt, %add3A_17, %lt3A_18 : vector<4x224x224xi32>
    %and3A = arith.andi %ge3A_14, %lt3A_19 : vector<4x224x224xi1>
    %ge3A_20 = arith.constant 0 : i32
    %ge3A_21 = vector.broadcast %ge3A_20 : i32 to vector<4x224x224xi32>
    %ge3A_22 = arith.cmpi sge, %convert_element_type3A_12, %ge3A_21 : vector<4x224x224xi32>
    %and3A_23 = arith.andi %and3A, %ge3A_22 : vector<4x224x224xi1>
    %add3A_24 = arith.constant 1 : i32
    %add3A_25 = vector.broadcast %add3A_24 : i32 to vector<4x224x224xi32>
    %add3A_26 = arith.addi %convert_element_type3A_12, %add3A_25 : vector<4x224x224xi32>
    %lt3A_27 = arith.constant 224 : i32
    %lt3A_28 = vector.broadcast %lt3A_27 : i32 to vector<4x224x224xi32>
    %lt3A_29 = arith.cmpi slt, %add3A_26, %lt3A_28 : vector<4x224x224xi32>
    %and3A_30 = arith.andi %and3A_23, %lt3A_29 : vector<4x224x224xi1>
    %convert_element_type3A_31 = arith.sitofp %convert_element_type3A_10 : vector<4x224x224xi32> to vector<4x224x224xf32>
    %sub3A = arith.subf %add3A, %convert_element_type3A_31 : vector<4x224x224xf32>
    %swap3A = arith.constant 0 : index
    %swap3A_32 = arith.constant 0 : index
    %swap3A_33 = arith.constant 0 : index
    %swap3A_34 = vector.load %arg3[%swap3A, %swap3A_32, %swap3A_33] : memref<4x224x224xf32, #tpu.memory_space<vmem>>, vector<4x224x224xf32>
    tpu.vector_store %arg3[%swap3A, %swap3A_32, %swap3A_33], %sub3A {strides = array<i32>} : memref<4x224x224xf32, #tpu.memory_space<vmem>>, vector<4x224x224xf32>,
    %convert_element_type3A_35 = arith.sitofp %convert_element_type3A_12 : vector<4x224x224xi32> to vector<4x224x224xf32>
    %sub3A_36 = arith.subf %add3A_9, %convert_element_type3A_35 : vector<4x224x224xf32>
    %swap3A_37 = arith.constant 0 : index
    %swap3A_38 = arith.constant 0 : index
    %swap3A_39 = arith.constant 0 : index
    %swap3A_40 = vector.load %arg4[%swap3A_37, %swap3A_38, %swap3A_39] : memref<4x224x224xf32, #tpu.memory_space<vmem>>, vector<4x224x224xf32>
    tpu.vector_store %arg4[%swap3A_37, %swap3A_38, %swap3A_39], %sub3A_36 {strides = array<i32>} : memref<4x224x224xf32, #tpu.memory_space<vmem>>, vector<4x224x224xf32>,
    %mul3A = arith.constant 224 : i32
    %mul3A_41 = vector.broadcast %mul3A : i32 to vector<4x224x224xi32>
    %mul3A_42 = arith.muli %convert_element_type3A_12, %mul3A_41 : vector<4x224x224xi32>
    %add3A_43 = arith.addi %mul3A_42, %convert_element_type3A_10 : vector<4x224x224xi32>
    %jit3A = arith.constant 50176 : i32
    %broadcast_in_dim3A = vector.broadcast %jit3A : i32 to vector<4x224x224xi32>
    %select_n3A = arith.select %and3A_30, %add3A_43, %broadcast_in_dim3A : vector<4x224x224xi1>, vector<4x224x224xi32>
    %swap3A_44 = arith.constant 0 : index
    %swap3A_45 = arith.constant 0 : index
    %swap3A_46 = arith.constant 0 : index
    %swap3A_47 = vector.load %arg2[%swap3A_44, %swap3A_45, %swap3A_46] : memref<4x224x224xi32, #tpu.memory_space<vmem>>, vector<4x224x224xi32>
    tpu.vector_store %arg2[%swap3A_44, %swap3A_45, %swap3A_46], %select_n3A {strides = array<i32>} : memref<4x224x224xi32, #tpu.memory_space<vmem>>, vector<4x224x224xi32>,
    return
  }
}

</mosaic_0001>

<sc_bundles>
// kernel: kernel.4.cloned.1.call-start
scs
__scs_entry_jumppad:
0x0: {  	(pc) =	sbr.rel $0x88, $3  }
0x1: {  	(tag) =	ssettag $0x0;
	lr =	simm.s32 $0x1  }
0x2: {  	[smem:$0x3F9F] =	sst lr;
	_ =	strace $0xD0000000  }
0x3: {  	_ = 	snop  }
0x4: {  	_ = 	snop  }
0x5: {  	_ = 	snop  }
0x6: {  	_ = 	snop  }
0x7: {  	_ = 	snop  }
__scs_overlays_trampoline_lowered:
0x8: {  	[smem:$0x3FAE] =	sst s0  }
0x9: {  	[smem:$0x3FAF] =	sst s1  }
0xa: {  	[smem:$0x3FB0] =	sst s2  }
0xb: {  	[smem:$0x3FB1] =	sst s3  }
0xc: {  	[smem:$0x3FB2] =	sst s4  }
0xd: {  	[smem:$0x3FB3] =	sst s5  }
0xe: {  	[smem:$0x3FB4] =	sst s6  }
0xf: {  	[smem:$0x3FB5] =	sst s7  }
0x10: {  	[smem:$0x3FB6] =	sst s8  }
0x11: {  	[smem:$0x3FB7] =	sst s9;
	s0 =	simm.s32 @!p0 $0x0  }
0x12: {  	s1 =	sld [smem:$0x3F9D];
	s0 =	simm.s32 @p0 $0x1  }
0x13: {  	[smem:$0x3FB8] =	sst s0;
	s0 =	simm.s32 @!p1 $0x0  }
0x14: {  	s2 =	sld [smem:$0x3F9C];
	s0 =	simm.s32 @p1 $0x1  }
0x15: {  	[smem:$0x3FB9] =	sst s0;
	s0 =	simm.s32 @!p2 $0x0  }
0x16: {  	s3 =	sld [smem:$0x3FDB];
	s0 =	simm.s32 @p2 $0x1  }
0x17: {  	s4 =	simm.s32 $0x1BF5;
	[smem:$0x3FBB] =	sst s0  }
0x18: {  	s0 =	sld [smem:$0x3F9E];
	_ =	swait.ge [sflag:s4], $0x0  }
0x19: {  	s7 =	sld [smem:$0x3F9F]  }
0x1a: {  	s8 =	sadd.s32 $0xFFFFE003, lr  }
0x1b: {  	s9 =	sadd.s32 $0xFFFFFEF7, lr;
	s5 =	simm.s32 $0xFFFFFFFF;
	p2 =	slt.u32 s8, $0xFFFFF086  }
0x1c: {  	p1 =	slt.u32 s9, $0xF7A;
	s5 =	simm.s32 @!p2 $0x0  }
0x1d: {  	s5 =	simm.s32 @p1 $0x1;
	p0 =	seq.s32 s7, s2  }
0x1e: {  	s7 =	smul.u32 @!p0 $0xF7A, s2;
	p2 =	seq.s32 @!p0 s5, $0x0  }
0x1f: {  	s9 =	smul.u32 $0xF7A, s1;
	s8 =	simm.s32 @!p0 $0x1BF5;
	p2 =	por !p2, p0  }
0x20: {  	[sflag:s8] =	ssyncset.s32 @!p0 $0xFFFFF086;
	s6 =	sadd.s32 @!p0 s3, s7;
	s7 =	simm.s32 @!p0 $0x108  }
0x21: {  	s3 =	sadd.s32 s3, s9;
	s6 =	sadd.s32 @!p0 $0x88, s6;
	s7 =	simm.s32 @p2 $0x1082  }
0x22: {  	[simem:s7], [sflag:s8] =	dma.local @!p0 [hbm:s6], $0xF7A  }
0x23: {  	s9 =	sor.u32 $0xD0000000, s2;
	s6 =	simm.s32 $0x108;
	_ =	swait.ge @!p0 [sflag:s8], $0x0  }
0x24: {  	s3 =	sadd.s32 $0x88, s3;
	s6 =	simm.s32 @!p1 $0x1082;
	[sflag:s4] =	ssyncset.s32 $0xFFFFF086  }
0x25: {  	[simem:s6], [sflag:s4] =	dma.local [hbm:s3], $0xF7A  }
0x26: {  	[smem:$0x3F9F] =	sst s1;
	(tag) =	ssettag s2;
	_ =	strace s9  }
0x27: {  	s1 =	sld [smem:$0x3FAF]  }
0x28: {  	s2 =	sld [smem:$0x3FB0]  }
0x29: {  	s4 =	sld [smem:$0x3FB2]  }
0x2a: {  	p0 =	seq.s32 s5, $0x0;
	s5 =	sld [smem:$0x3FB3]  }
0x2b: {  	s6 =	sld [smem:$0x3FB4]  }
0x2c: {  	s7 =	sld [smem:$0x3FB5]  }
0x2d: {  	s3 =	simm.s32 $0x108;
	s8 =	sld [smem:$0x3FB6]  }
0x2e: {  	s3 =	simm.s32 @!p0 $0x1082;
	s9 =	sld [smem:$0x3FB7]  }
0x2f: {  	lr =	sadd.s32 s0, s3;
	s0 =	sld [smem:$0x3FAE]  }
0x30: {  	s3 =	sld [smem:$0x3FB1]  }
0x31: {  	[smem:$0x3FBA] =	sst s10  }
0x32: {  	s10 =	sld [smem:$0x3FB8];
	_ =	sdelay $0x3  }
0x33: {  	p0 =	seq.s32 s10, $0x1;
	s10 =	sld [smem:$0x3FBA];
	_ =	sdelay $0x3  }
0x34: {  	[smem:$0x3FBA] =	sst s10  }
0x35: {  	s10 =	sld [smem:$0x3FB9];
	_ =	sdelay $0x3  }
0x36: {  	p1 =	seq.s32 s10, $0x1;
	s10 =	sld [smem:$0x3FBA];
	_ =	sdelay $0x3  }
0x37: {  	[smem:$0x3FBA] =	sst s10  }
0x38: {  	s10 =	sld [smem:$0x3FBB]  }
0x39: {  	_ = 	snop;
	(pc) =	sbr.ind lr, $3  }
0x3a: {  	_ = 	snop  }
0x3b: {  	_ = 	snop  }
0x3c: {  	p2 =	seq.s32 s10, $0x1;
	s10 =	sld [smem:$0x3FBA]  }
0x3d: {  	_ =	shalt  }
0x3e: {  	_ =	shalt  }
0x3f: {  	_ =	shalt  }
0x40: {  	_ =	shalt  }
0x41: {  	_ =	shalt  }
0x42: {  	_ =	shalt  }
0x43: {  	_ =	shalt  }
0x44: {  	_ =	shalt  }
0x45: {  	_ =	shalt  }
0x46: {  	_ =	shalt  }
0x47: {  	_ =	shalt  }
0x48: {  	_ =	shalt  }
0x49: {  	_ =	shalt  }
0x4a: {  	_ =	shalt  }
0x4b: {  	_ =	shalt  }
0x4c: {  	_ =	shalt  }
0x4d: {  	_ =	shalt  }
0x4e: {  	_ =	shalt  }
0x4f: {  	_ =	shalt  }
0x50: {  	_ =	shalt  }
0x51: {  	_ =	shalt  }
0x52: {  	_ =	shalt  }
0x53: {  	_ =	shalt  }
0x54: {  	_ =	shalt  }
0x55: {  	_ =	shalt  }
0x56: {  	_ =	shalt  }
0x57: {  	_ =	shalt  }
0x58: {  	_ =	shalt  }
0x59: {  	_ =	shalt  }
0x5a: {  	_ =	shalt  }
0x5b: {  	_ =	shalt  }
0x5c: {  	_ =	shalt  }
0x5d: {  	_ =	shalt  }
0x5e: {  	_ =	shalt  }
0x5f: {  	_ =	shalt  }
0x60: {  	_ =	shalt  }
0x61: {  	_ =	shalt  }
0x62: {  	_ =	shalt  }
0x63: {  	_ =	shalt  }
0x64: {  	_ =	shalt  }
0x65: {  	_ =	shalt  }
0x66: {  	_ =	shalt  }
0x67: {  	_ =	shalt  }
0x68: {  	_ =	shalt  }
0x69: {  	_ =	shalt  }
0x6a: {  	_ =	shalt  }
0x6b: {  	_ =	shalt  }
0x6c: {  	_ =	shalt  }
0x6d: {  	_ =	shalt  }
0x6e: {  	_ =	shalt  }
0x6f: {  	_ =	shalt  }
0x70: {  	_ =	shalt  }
0x71: {  	_ =	shalt  }
0x72: {  	_ =	shalt  }
0x73: {  	_ =	shalt  }
0x74: {  	_ =	shalt  }
0x75: {  	_ =	shalt  }
0x76: {  	_ =	shalt  }
0x77: {  	_ =	shalt  }
0x78: {  	_ =	shalt  }
0x79: {  	_ =	shalt  }
0x7a: {  	_ =	shalt  }
0x7b: {  	_ =	shalt  }
0x7c: {  	_ =	shalt  }
0x7d: {  	_ =	shalt  }
0x7e: {  	_ =	shalt  }
0x7f: {  	_ =	shalt  }
0x80: {  	_ =	shalt  }
0x81: {  	_ =	shalt  }
0x82: {  	_ =	shalt  }
0x83: {  	_ =	shalt  }
0x84: {  	_ =	shalt  }
0x85: {  	_ =	shalt  }
0x86: {  	_ =	shalt  }
0x87: {  	_ =	shalt  }
.Lfunc_end0:
.L_simem_size_0:
called_computation_lowered:
.L_overlay_start_0:
0x88: {  	s2 =	sld [smem:$0x3FD9]  }
0x89: {  	s3 =	sld [smem:$0x3FFE];
	_ =	sdelay $0x1  }
0x8a: {  	s1 =	srdreg.scid  }
0x8b: {  	s0 =	sand.u32 $0x1, s1  }
0x8c: {  	s17 =	sshll.u32 s0, $0xA;
	s2 =	sadd.s32 s3, s2  }
0x8d: {  	s2 =	sadd.s32 s2, s17  }
0x8e: {  	[smem:$0x3FC6] =	sst s2  }
0x8f: {  	_ = 	snop  }
0x90: {  	s2 =	sld [smem:$0x3FD0];
	(tm) =	ssettm $0x1  }
0x91: {  	s18 =	sld [smem:$0x3FFB];
	_ =	sdelay $0x3  }
0x92: {  	_ =	strace s18  }
0x93: {  	s3 =	sld [smem:$0x3FFC];
	_ =	sdelay $0x3  }
0x94: {  	_ =	strace s3  }
0x95: {  	s3 =	sld [smem:$0x3FFD];
	_ =	sdelay $0x3  }
0x96: {  	_ =	strace s3  }
0x97: {  	_ =	strace $0x8FFFFFFF  }
0x98: {  	s19 =	sld [smem:$0x3FDB];
	_ =	sdelay $0x1  }
0x99: {  	s4 =	simm.s32 $_scs_section_size  }
0x9a: {  	s5 =	simm.s32 $_size__tile_overlayer_lowered;
	s6 =	simm.s32 $_tile_overlayer_lowered  }
0x9b: {  	s22 =	simm.s32 $0x1BFF;
	s21 =	sshll.u32 s6, $0x1;
	s3 =	sadd.s32 s4, s19  }
0x9c: {  	s7 =	simm.s32 $0x0;
	s20 =	sshll.u32 s5, $0x1;
	s5 =	sadd.s32 s21, s3  }
0x9d: {  	[timem:s7], [sflag:s22] =	dma.local [hbm:s5], s20  }
0x9e: {  	_ =	swait.ge [sflag:s22], s20  }
0x9f: {  	s4 =	ssub.s32 $0x0, s20;
	[sflag:s22] =	ssyncset.done $0x0  }
0xa0: {  	[sflag:s22] =	ssyncadd.s32 s4;
	_ =	sdelay $0x1  }
0xa1: {  	s23 =	simm.s32 $0x1B8B  }
0xa2: {  	_ =	swait.ge [sflag:s23], $0x1  }
0xa3: {  	[sflag:s23] =	ssyncset.done $0x0  }
0xa4: {  	s25 =	simm.s32 $0x1B8E;
	s24 =	sld [smem:$0x3FFE];
	[sflag:s23] =	ssyncadd.s32 $0xFFFFFFFF  }
0xa5: {  	s26 =	simm.s32 $execute0_lowered;
	[smem:$0x3FD2] =	sst s25  }
0xa6: {  	s5 =	sshll.u32 s26, $0x1;
	_ =	strace $0x80000046;
	[dreg:$0x1] =	wrdreg $0xFFFFFFFF  }
0xa7: {  	s28 =	simm.s32 $_size_execute0_lowered;
	s3 =	sadd.s32 s3, s5;
	[dreg:$0x0] =	wrdreg $0x0  }
0xa8: {  	s5 =	sshll.u32 s28, $0x1;
	[dreg:$0x2] =	wrdreg s3  }
0xa9: {  	[dreg:$0x3] =	wrdreg s5  }
0xaa: {  	[dreg:$0x4] =	wrdreg $0xC0  }
0xab: {  	_ =	task [dreg:s7], $0x5FFFF  }
0xac: {  	[dreg:$0x1] =	wrdreg $0xFFFFFFFF  }
0xad: {  	[dreg:$0x0] =	wrdreg $0x60  }
0xae: {  	[dreg:$0x2] =	wrdreg s2  }
0xaf: {  	[dreg:$0x3] =	wrdreg s24  }
0xb0: {  	[dreg:$0x4] =	wrdreg $0x9  }
0xb1: {  	_ =	task.clear_ibuf [dreg:s7], $0x5FFFF;
	_ =	strace $0x90000046  }
0xb2: {  	s29 =	simm.s32 $0x9;
	_ =	strace $0x80000048  }
0xb3: {  	_ =	swait.ge [sflag:s29], $0x1  }
0xb4: {  	[sflag:s29] =	ssyncadd.s32 $0xFFFFFFFF  }
0xb5: {  	_ =	strace $0x90000048  }
0xb6: {  	_ =	sfence  }
0xb7: {  	s30 =	sld [smem:$0x0];
	_ =	sdelay $0x2  }
0xb8: {  	s31 =	sshll.u32 s1, $0xD;
	s1 =	sshrl.u32 s1, $0x2  }
0xb9: {  	s3 =	sand.u32 $0x4000, s31;
	s1 =	sadd.s32 s1, s30  }
0xba: {  	s0 =	sor.u32 s3, s0;
	s1 =	sshll.u32 s1, $0x11  }
0xbb: {  	s0 =	sor.u32 s1, s0  }
0xbc: {  	s0 =	sadd.s32 $0x8F2B, s0  }
0xbd: {  	[sflag:s0] =	ssyncadd.remote.s32 $0x1  }
0xbe: {  	_ =	sfence.sel $0xFFFF  }
0xbf: {  	[dreg:$0x0] =	wrdreg $0xFFFFFFFF;
	(pc) =	sbr.abs _section_cstart, $3  }
0xc0: {  	[dreg:$0x1] =	wrdreg $0xFFFFFFFF  }
0xc1: {  	_ =	task.clear_ibuf [dreg:s7], $0x2FFFF;
	_ =	strace $0x9FFFFFFF  }
0xc2: {  	(tm) =	ssettm $0x7FFFFFFF  }
0xc3: {  	_ =	shalt  }
tec
execute0_lowered:
.L_overlay_start_1:
0x0: {  	(tag) =	ssettag $0x1  }
0x1: {  	s1 =	rddreg [dreg:$0x0]  }
0x2: {  	s0 =	rddreg [dreg:$0x1];
	s2 =	simm.s32 $0x0;
	s3 =	srdreg.scid  }
0x3: {  	s6 =	stileid.u32;
	s28 =	simm.s32 $0x3800;
	s29 =	simm.s32 $0x3B80  }
0x4: {  	s30 =	simm.s32 $0x3F00;
	s31 =	simm.s32 $0x4280;
	s11 =	simm.s32 $0x10B00  }
0x5: {  	s12 =	simm.s32 $0x2;
	s13 =	simm.s32 $0x3;
	s14 =	simm.s32 $0x4  }
0x6: {  	s10 =	simm.s32 $0x0;
	[smem:$0x7FF] =	sst s2;
	s4 =	sadd.s32 $0xA00, s0  }
0x7: {  	s3 =	sand.u32 $0x1, s3;
	s5 =	sadd.s32 $0x6C00, s0;
	s7 =	sshll.u32 s6, $0x1  }
0x8: {  	s6 =	sadd.s32 $0xCE00, s0;
	s25 =	sadd.s32 $0x70, s1;
	s26 =	sadd.s32 $0xE0, s1  }
0x9: {  	_ =	strace $0x80000047;
	s8 =	ssub.s32 $0x2, s3;
	s3 =	sor.u32 s3, s7  }
0xa: {  	[dreg:$0x4] =	wrdreg s25;
	s9 =	sshrl.u32 s8, $0x1;
	s3 =	smul.u32 $0x6, s3  }
0xb: {  	s7 =	sadd.s32 $0x13000, s0;
	[dreg:$0x5] =	wrdreg s26;
	s24 =	ssub.s32 s8, s9  }
0xc: {  	s26 =	simm.s32 $0x3480;
	[dreg:$0x3] =	wrdreg s3;
	s0 =	smax.u32 s24, $0x1  }
0xd: {  	v0 =	vimm.f32 $0.0e+00;
	s3 =	simm.s32 $0x4600;
	[dreg:$0x6] =	wrdreg s0;
	s0 =	simm.s32 $0x1  }
.LBB2_1:
0xe: {  	[dreg:$0x7] =	wrdreg s10;
	s15 =	simm.s32 $0x0  }
.LBB2_2:
0xf: {  	s8 =	rddreg [dreg:$0x3]  }
0x10: {  	s8 =	sadd.s32 s8, s15  }
0x11: {  	s9 =	smulhi.u32 $0xAAAAAAAB, s8;
	_ =	sdelay $0x1  }
0x12: {  	s9 =	sshrl.u32 s9, $0x5  }
0x13: {  	s16 =	smul.u32 $0xC400, s9  }
0x14: {  	s10 =	smul.u32 $0x7FFFFFD0, s9  }
0x15: {  	s21 =	sshrl.u32 s16, $0x3  }
0x16: {  	s9 =	smul.u32 $0x498000, s9;
	s8 =	sadd.s32 s8, s10;
	s22 =	sadd.s32 s4, s21  }
0x17: {  	[tilespmem:s2], [sflag:$0x1] =	stream.linear.gather [hbm4b:s22+s2], $0x380, $0x38;
	[tilespmem:$0x1D000] =	vst v63  }
0x18: {  	s17 =	simm.s32 $0x380;
	s8 =	smul.u32 $0x18800, s8;
	s23 =	sadd.s32 s5, s21  }
0x19: {  	[tilespmem:s17], [sflag:$0x1] =	stream.linear.gather [hbm4b:s23+s2], $0x380, $0x38;
	[tilespmem:$0x1D000] =	vst v63  }
0x1a: {  	s17 =	sadd.s32 s9, s8  }
0x1b: {  	s25 =	simm.s32 $0x700;
	s24 =	sadd.s32 s6, s21;
	s18 =	sshrl.u32 s17, $0x3  }
0x1c: {  	[tilespmem:s25], [sflag:$0x1] =	stream.linear.gather [hbm4b:s24+s2], $0x380, $0x38;
	[tilespmem:$0x1D000] =	vst v63  }
0x1d: {  	s19 =	simm.s32 $0xA80;
	s20 =	sadd.s32 $0xC400, s17;
	s10 =	sadd.s32 s1, s18  }
0x1e: {  	[tilespmem:s19], [sflag:$0x1] =	stream.linear.gather [hbm4b:s10+s2], $0x380, $0x38;
	[tilespmem:$0x1D000] =	vst v63  }
0x1f: {  	s19 =	sshrl.u32 s20, $0x3  }
0x20: {  	s23 =	simm.s32 $0xE00;
	s8 =	sor.u32 $0x70, s21;
	s22 =	sadd.s32 s1, s19  }
0x21: {  	[tilespmem:s23], [sflag:$0x1] =	stream.linear.gather [hbm4b:s22+s2], $0x380, $0x38;
	[tilespmem:$0x1D000] =	vst v63  }
0x22: {  	s24 =	sadd.s32 s4, s8;
	s25 =	simm.s32 $0x1180  }
0x23: {  	[tilespmem:s25], [sflag:$0x2] =	stream.linear.gather [hbm4b:s24+s2], $0x380, $0x38;
	[tilespmem:$0x1D000] =	vst v63  }
0x24: {  	s10 =	rddreg [dreg:$0x4];
	s22 =	sadd.s32 s5, s8;
	s23 =	simm.s32 $0x1500  }
0x25: {  	[tilespmem:s23], [sflag:$0x2] =	stream.linear.gather [hbm4b:s22+s2], $0x380, $0x38;
	[tilespmem:$0x1D000] =	vst v63  }
0x26: {  	s8 =	sadd.s32 s6, s8;
	s24 =	simm.s32 $0x1880;
	s25 =	sadd.s32 $0xC780, s17  }
0x27: {  	[tilespmem:s24], [sflag:$0x2] =	stream.linear.gather [hbm4b:s8+s2], $0x380, $0x38;
	[tilespmem:$0x1D000] =	vst v63  }
0x28: {  	s9 =	sadd.s32 s18, s10;
	s22 =	simm.s32 $0x1C00;
	s8 =	sshrl.u32 s25, $0x3  }
0x29: {  	[tilespmem:s22], [sflag:$0x2] =	stream.linear.gather [hbm4b:s9+s2], $0x380, $0x38;
	[tilespmem:$0x1D000] =	vst v63  }
0x2a: {  	s23 =	simm.s32 $0x1F80;
	s8 =	sadd.s32 s1, s8  }
0x2b: {  	[tilespmem:s23], [sflag:$0x2] =	stream.linear.gather [hbm4b:s8+s2], $0x380, $0x38;
	[tilespmem:$0x1D000] =	vst v63  }
0x2c: {  	s8 =	sadd.s32 $0xE0, s21  }
0x2d: {  	s25 =	simm.s32 $0x2300;
	s24 =	sadd.s32 s4, s8  }
0x2e: {  	[tilespmem:s25], [sflag:$0x3] =	stream.linear.gather [hbm4b:s24+s2], $0x380, $0x38;
	[tilespmem:$0x1D000] =	vst v63  }
0x2f: {  	s10 =	rddreg [dreg:$0x5];
	s23 =	simm.s32 $0x2680;
	s22 =	sadd.s32 s5, s8  }
0x30: {  	[tilespmem:s23], [sflag:$0x3] =	stream.linear.gather [hbm4b:s22+s2], $0x380, $0x38;
	[tilespmem:$0x1D000] =	vst v63  }
0x31: {  	s8 =	sadd.s32 s6, s8;
	s24 =	simm.s32 $0x2A00;
	s25 =	sadd.s32 $0xCB00, s17  }
0x32: {  	[tilespmem:s24], [sflag:$0x3] =	stream.linear.gather [hbm4b:s8+s2], $0x380, $0x38;
	[tilespmem:$0x1D000] =	vst v63  }
0x33: {  	s9 =	sadd.s32 s18, s10;
	s22 =	simm.s32 $0x2D80;
	s8 =	sshrl.u32 s25, $0x3  }
0x34: {  	[tilespmem:s22], [sflag:$0x3] =	stream.linear.gather [hbm4b:s9+s2], $0x380, $0x38;
	[tilespmem:$0x1D000] =	vst v63  }
0x35: {  	s23 =	simm.s32 $0x3100;
	s24 =	sadd.s32 $0x150, s21;
	s8 =	sadd.s32 s1, s8  }
0x36: {  	[tilespmem:s23], [sflag:$0x3] =	stream.linear.gather [hbm4b:s8+s2], $0x380, $0x38;
	[tilespmem:$0x1D000] =	vst v63  }
0x37: {  	s25 =	sadd.s32 s4, s24  }
0x38: {  	[tilespmem:s26], [sflag:$0x4] =	stream.linear.gather [hbm4b:s25+s2], $0x380, $0x38;
	[tilespmem:$0x1D000] =	vst v63  }
0x39: {  	s21 =	sadd.s32 $0xA80, s17;
	s10 =	sadd.s32 s5, s24  }
0x3a: {  	[tilespmem:s28], [sflag:$0x4] =	stream.linear.gather [hbm4b:s10+s2], $0x380, $0x38;
	[tilespmem:$0x1D000] =	vst v63  }
0x3b: {  	s22 =	sshrl.u32 s21, $0x3;
	s8 =	sadd.s32 s6, s24;
	s23 =	sadd.s32 $0xCE80, s17  }
0x3c: {  	[tilespmem:s29], [sflag:$0x4] =	stream.linear.gather [hbm4b:s8+s2], $0x380, $0x38;
	[tilespmem:$0x1D000] =	vst v63  }
0x3d: {  	s24 =	sshrl.u32 s23, $0x3;
	s8 =	sadd.s32 s1, s22  }
0x3e: {  	[tilespmem:s30], [sflag:$0x4] =	stream.linear.gather [hbm4b:s8+s2], $0x380, $0x38;
	[tilespmem:$0x1D000] =	vst v63  }
0x3f: {  	p0 =	seq.s32 s15, $0x0;
	s8 =	sadd.s32 s1, s24  }
0x40: {  	[tilespmem:s31], [sflag:$0x4] =	stream.linear.gather [hbm4b:s8+s2], $0x380, $0x38;
	[tilespmem:$0x1D000] =	vst v63  }
0x41: {  	s8 =	simm.s32 @!p0 $0x5  }
0x42: {  	_ =	swait.ge @!p0 [sflag:s8], $0xC400  }
0x43: {  	[sflag:s8] =	ssyncset.done @!p0 $0x0  }
0x44: {  	[sflag:s8] =	ssyncadd.s32 @!p0 $0xFFFF3C00  }
0x45: {  	_ =	swait.ge @!p0 [sflag:s8], $0xC400  }
0x46: {  	[sflag:s8] =	ssyncset.done @!p0 $0x0  }
0x47: {  	s25 =	simm.s32 $0x4640;
	[sflag:s8] =	ssyncadd.s32 @!p0 $0xFFFF3C00  }
0x48: {  	s8 =	simm.s32 $0x10B40;
	[tilespmem:s25+$0xFFFFFFC0] =	vst v0  }
0x49: {  	[tilespmem:s8+$0xFFFFFFC0] =	vst v0  }
0x4a: {  	[tilespmem:s25+$0xFFFFFFD0] =	vst v0  }
0x4b: {  	[tilespmem:s8+$0xFFFFFFD0] =	vst v0  }
0x4c: {  	[tilespmem:s25+$0xFFFFFFE0] =	vst v0  }
0x4d: {  	[tilespmem:s8+$0xFFFFFFE0] =	vst v0  }
0x4e: {  	[tilespmem:s25+$0xFFFFFFF0] =	vst v0  }
0x4f: {  	[tilespmem:s8+$0xFFFFFFF0] =	vst v0  }
0x50: {  	[tilespmem:s25+$0x0] =	vst v0  }
0x51: {  	[tilespmem:s8+$0x0] =	vst v0  }
0x52: {  	[tilespmem:s25+$0x10] =	vst v0  }
0x53: {  	[tilespmem:s8+$0x10] =	vst v0  }
0x54: {  	[tilespmem:s25+$0x20] =	vst v0  }
0x55: {  	[tilespmem:s8+$0x20] =	vst v0  }
0x56: {  	[tilespmem:s25+$0x30] =	vst v0  }
0x57: {  	s9 =	simm.s32 $0x0;
	s10 =	simm.s32 $0x46C0;
	[tilespmem:s8+$0x30] =	vst v0  }
.LBB2_3:
0x58: {  	[tilespmem:s10+$0xFFFFFFC0] =	vst v0;
	s8 =	sadd.s32 $0x80, s8  }
0x59: {  	[tilespmem:s8+$0xFFFFFFC0] =	vst v0  }
0x5a: {  	[tilespmem:s10+$0xFFFFFFD0] =	vst v0  }
0x5b: {  	[tilespmem:s8+$0xFFFFFFD0] =	vst v0  }
0x5c: {  	[tilespmem:s10+$0xFFFFFFE0] =	vst v0  }
0x5d: {  	[tilespmem:s8+$0xFFFFFFE0] =	vst v0  }
0x5e: {  	[tilespmem:s10+$0xFFFFFFF0] =	vst v0  }
0x5f: {  	[tilespmem:s8+$0xFFFFFFF0] =	vst v0  }
0x60: {  	[tilespmem:s10+$0x0] =	vst v0  }
0x61: {  	s9 =	sadd.s32 $0x8, s9;
	[tilespmem:s8+$0x0] =	vst v0  }
0x62: {  	p0 =	slt.u32 s9, $0xC38;
	[tilespmem:s10+$0x10] =	vst v0  }
.Ltmp0:
0x63: {  	[tilespmem:s8+$0x10] =	vst v0;
	(pc) =	sbr.rel @p0 .LBB2_3-.Ltmp0, $4  }
0x64: {  	[tilespmem:s10+$0x20] =	vst v0  }
0x65: {  	[tilespmem:s8+$0x20] =	vst v0  }
0x66: {  	[tilespmem:s10+$0x30] =	vst v0  }
0x67: {  	s21 =	simm.s32 $0x0;
	s10 =	sadd.s32 $0x80, s10;
	[tilespmem:s8+$0x30] =	vst v0  }
.Ltmp1:
0x68: {  	_ = 	snop;
	(pc) =	sbr.rel .LBB2_4-.Ltmp1, $1  }
0x69: {  	_ =	sdelay $0x3  }
.LBB2_13:
0x6a: {  	s8 =	smul.u32 $0xE00, s21;
	_ =	sdelay $0x1  }
0x6b: {  	s8 =	sadd.s32 $0x1880, s8  }
0x6c: {  	s9 =	sadd.s32 s16, s8  }
0x6d: {  	s9 =	sshrl.u32 s9, $0x3  }
0x6e: {  	s10 =	sadd.s32 s4, s9  }
0x6f: {  	[tilespmem:s26], [sflag:$0x4] =	stream.linear.gather [hbm4b:s10+s2], $0x380, $0x38;
	[tilespmem:$0x1D000] =	vst v63  }
0x70: {  	s24 =	sadd.s32 s17, s8;
	s23 =	sadd.s32 s5, s9  }
0x71: {  	[tilespmem:s28], [sflag:$0x4] =	stream.linear.gather [hbm4b:s23+s2], $0x380, $0x38;
	[tilespmem:$0x1D000] =	vst v63  }
0x72: {  	s8 =	sadd.s32 s20, s8;
	s25 =	sshrl.u32 s24, $0x3;
	s9 =	sadd.s32 s6, s9  }
0x73: {  	[tilespmem:s29], [sflag:$0x4] =	stream.linear.gather [hbm4b:s9+s2], $0x380, $0x38;
	[tilespmem:$0x1D000] =	vst v63  }
0x74: {  	s8 =	sshrl.u32 s8, $0x3;
	s9 =	sadd.s32 s1, s25  }
0x75: {  	[tilespmem:s30], [sflag:$0x4] =	stream.linear.gather [hbm4b:s9+s2], $0x380, $0x38;
	[tilespmem:$0x1D000] =	vst v63  }
0x76: {  	s21 =	sadd.s32 $0x1, s21;
	s8 =	sadd.s32 s1, s8  }
0x77: {  	[tilespmem:s31], [sflag:$0x4] =	stream.linear.gather [hbm4b:s8+s2], $0x380, $0x38;
	[tilespmem:$0x1D000] =	vst v63  }
.LBB2_4:
0x78: {  	_ =	swait.ge [sflag:s0], $0x1180  }
0x79: {  	[sflag:s0] =	ssyncset.done $0x0  }
0x7a: {  	s8 =	simm.s32 $0x3C0;
	[sflag:s0] =	ssyncadd.s32 $0xFFFFEE80  }
0x7b: {  	s22 =	simm.s32 $0x740;
	v1 =	vld [tilespmem:s8+$0x30]  }
0x7c: {  	s23 =	simm.s32 $0x40;
	v2 =	vld [tilespmem:s22+$0x30]  }
0x7d: {  	s24 =	simm.s32 $0xAC0;
	v3 =	vld [tilespmem:s23+$0x30]  }
0x7e: {  	v4 =	vld [tilespmem:s24+$0x30]  }
0x7f: {  	v7 =	vld [tilespmem:s8+$0xFFFFFFC0]  }
0x80: {  	v8 =	vld [tilespmem:s22+$0xFFFFFFC0]  }
0x81: {  	s25 =	simm.s32 $0xE40;
	v11 =	vld [tilespmem:s8+$0xFFFFFFD0]  }
0x82: {  	v13 =	vld [tilespmem:s25+$0x30]  }
0x83: {  	v16 =	vld [tilespmem:s22+$0xFFFFFFD0]  }
0x84: {  	v26 =	vld [tilespmem:s24+$0xFFFFFFC0]  }
0x85: {  	v28 =	vld [tilespmem:s8+$0xFFFFFFE0]  }
0x86: {  	v33 =	vld [tilespmem:s25+$0xFFFFFFC0]  }
0x87: {  	v36 =	vld [tilespmem:s24+$0xFFFFFFD0]  }
0x88: {  	v38 =	vld [tilespmem:s23+$0xFFFFFFD0]  }
0x89: {  	v40 =	vld [tilespmem:s8+$0xFFFFFFF0]  }
0x8a: {  	v43 =	vld [tilespmem:s22+$0xFFFFFFF0];
	v5 =	vsub.f32 $1.000000000e+00, v1;
	v6 =	vsub.f32 $1.000000000e+00, v2  }
0x8b: {  	v50 =	vld [tilespmem:s24+$0xFFFFFFE0]  }
0x8c: {  	v51 =	vld [tilespmem:s23+$0xFFFFFFE0];
	v9 =	vadd.s32 $0x1, v3;
	v10 =	vmul.f32 v6, v5  }
0x8d: {  	v55 =	vld [tilespmem:s8+$0x0];
	v12 =	vadd.s32 $0xE0, v3;
	v6 =	vmul.f32 v6, v1  }
0x8e: {  	v57 =	vld [tilespmem:s22+$0x0];
	v14 =	vadd.s32 $0xE1, v3;
	v5 =	vmul.f32 v2, v5;
	v15 =	vmul.f32 v10, v4  }
0x8f: {  	v60 =	vld [tilespmem:s25+$0xFFFFFFE0];
	v1 =	vmul.f32 v2, v1;
	v2 =	vmul.f32 v6, v4  }
0x90: {  	v24 =	vmul.f32 v5, v4;
	[tilespmem:v3+s3+$0x0] =	vst.idx.add.f32.msk $0xffff, v15  }
0x91: {  	[tilespmem:v9+s3+$0x0] =	vst.idx.add.f32.msk $0xffff, v2;
	v2 =	vmul.f32 v1, v4  }
0x92: {  	[tilespmem:v12+s3+$0x0] =	vst.idx.add.f32.msk $0xffff, v24  }
0x93: {  	[tilespmem:v14+s3+$0x0] =	vst.idx.add.f32.msk $0xffff, v2  }
0x94: {  	v25 =	vmul.f32 v10, v13;
	v2 =	vld [tilespmem:s23+$0xFFFFFFC0]  }
0x95: {  	v63 =	vld [tilespmem:s24+$0xFFFFFFF0]  }
0x96: {  	v27 =	vsub.f32 $1.000000000e+00, v7;
	v29 =	vsub.f32 $1.000000000e+00, v8;
	[tilespmem:v3+s11+$0x0] =	vst.idx.add.f32.msk $0xffff, v25;
	v3 =	vmul.f32 v6, v13  }
0x97: {  	v21 =	vld [tilespmem:s23+$0xFFFFFFF0];
	v5 =	vmul.f32 v13, v5  }
0x98: {  	v30 =	vmul.f32 v29, v27;
	v1 =	vmul.f32 v13, v1;
	[tilespmem:v9+s11+$0x0] =	vst.idx.add.f32.msk $0xffff, v3  }
0x99: {  	v15 =	vmul.f32 v29, v7;
	[tilespmem:v12+s11+$0x0] =	vst.idx.add.f32.msk $0xffff, v5  }
0x9a: {  	v7 =	vmul.f32 v8, v7;
	v31 =	vadd.s32 $0x1, v2;
	[tilespmem:v14+s11+$0x0] =	vst.idx.add.f32.msk $0xffff, v1;
	v1 =	vmul.f32 v30, v26  }
0x9b: {  	v37 =	vmul.f32 v30, v33;
	v34 =	vmul.f32 v15, v26;
	v24 =	vld [tilespmem:s8+$0x10];
	v32 =	vadd.s32 $0xE0, v2  }
0x9c: {  	v4 =	vmul.f32 v7, v26;
	v6 =	vmul.f32 v8, v27;
	[tilespmem:v2+s3+$0x0] =	vst.idx.add.f32.msk $0xffff, v1;
	v1 =	vadd.s32 $0xE1, v2  }
0x9d: {  	v39 =	vmul.f32 v15, v33;
	v7 =	vmul.f32 v33, v7;
	v3 =	vld [tilespmem:s22+$0xFFFFFFE0]  }
0x9e: {  	v35 =	vmul.f32 v6, v26;
	v6 =	vmul.f32 v33, v6;
	v33 =	vld [tilespmem:s23+$0x0]  }
0x9f: {  	[tilespmem:v31+s3+$0x0] =	vst.idx.add.f32.msk $0xffff, v34  }
0xa0: {  	[tilespmem:v32+s3+$0x0] =	vst.idx.add.f32.msk $0xffff, v35  }
0xa1: {  	[tilespmem:v1+s3+$0x0] =	vst.idx.add.f32.msk $0xffff, v4  }
0xa2: {  	[tilespmem:v2+s11+$0x0] =	vst.idx.add.f32.msk $0xffff, v37  }
0xa3: {  	v41 =	vsub.f32 $1.000000000e+00, v16;
	v2 =	vsub.f32 $1.000000000e+00, v11;
	[tilespmem:v31+s11+$0x0] =	vst.idx.add.f32.msk $0xffff, v39  }
0xa4: {  	[tilespmem:v32+s11+$0x0] =	vst.idx.add.f32.msk $0xffff, v6  }
0xa5: {  	v44 =	vadd.s32 $0x1, v38;
	v42 =	vmul.f32 v41, v2;
	[tilespmem:v1+s11+$0x0] =	vst.idx.add.f32.msk $0xffff, v7  }
0xa6: {  	v46 =	vadd.s32 $0xE0, v38;
	v15 =	vmul.f32 v41, v11;
	v1 =	vmul.f32 v16, v2;
	v2 =	vld [tilespmem:s25+$0xFFFFFFD0]  }
0xa7: {  	v48 =	vadd.s32 $0xE1, v38;
	v26 =	vld [tilespmem:s22+$0x10];
	v45 =	vmul.f32 v42, v36  }
0xa8: {  	v47 =	vmul.f32 v15, v36;
	v34 =	vld [tilespmem:s24+$0x0];
	v11 =	vmul.f32 v16, v11  }
0xa9: {  	v49 =	vmul.f32 v1, v36;
	[tilespmem:v38+s3+$0x0] =	vst.idx.add.f32.msk $0xffff, v45  }
0xaa: {  	v14 =	vmul.f32 v11, v36;
	[tilespmem:v44+s3+$0x0] =	vst.idx.add.f32.msk $0xffff, v47  }
0xab: {  	v53 =	vsub.f32 $1.000000000e+00, v28;
	v54 =	vsub.f32 $1.000000000e+00, v3;
	[tilespmem:v46+s3+$0x0] =	vst.idx.add.f32.msk $0xffff, v49;
	v4 =	vmul.f32 v42, v2  }
0xac: {  	v52 =	vmul.f32 v15, v2;
	[tilespmem:v48+s3+$0x0] =	vst.idx.add.f32.msk $0xffff, v14  }
0xad: {  	v56 =	vmul.f32 v54, v53;
	v1 =	vmul.f32 v2, v1;
	[tilespmem:v38+s11+$0x0] =	vst.idx.add.f32.msk $0xffff, v4  }
0xae: {  	v2 =	vmul.f32 v2, v11;
	[tilespmem:v44+s11+$0x0] =	vst.idx.add.f32.msk $0xffff, v52  }
0xaf: {  	v58 =	vadd.s32 $0x1, v51;
	[tilespmem:v46+s11+$0x0] =	vst.idx.add.f32.msk $0xffff, v1;
	v1 =	vmul.f32 v56, v50  }
0xb0: {  	v59 =	vadd.s32 $0xE0, v51;
	v9 =	vmul.f32 v54, v28;
	[tilespmem:v48+s11+$0x0] =	vst.idx.add.f32.msk $0xffff, v2  }
0xb1: {  	v2 =	vmul.f32 v3, v53;
	[tilespmem:v51+s3+$0x0] =	vst.idx.add.f32.msk $0xffff, v1;
	v1 =	vadd.s32 $0xE1, v51  }
0xb2: {  	v61 =	vmul.f32 v9, v50;
	v37 =	vld [tilespmem:s22+$0x20];
	v3 =	vmul.f32 v3, v28  }
0xb3: {  	v32 =	vld [tilespmem:s8+$0x20];
	v62 =	vmul.f32 v2, v50  }
0xb4: {  	[tilespmem:v58+s3+$0x0] =	vst.idx.add.f32.msk $0xffff, v61;
	v7 =	vmul.f32 v3, v50  }
0xb5: {  	v20 =	vmul.f32 v56, v60;
	[tilespmem:v59+s3+$0x0] =	vst.idx.add.f32.msk $0xffff, v62  }
0xb6: {  	v23 =	vsub.f32 $1.000000000e+00, v40;
	v25 =	vsub.f32 $1.000000000e+00, v43;
	v22 =	vmul.f32 v9, v60;
	[tilespmem:v1+s3+$0x0] =	vst.idx.add.f32.msk $0xffff, v7  }
0xb7: {  	v2 =	vmul.f32 v60, v2;
	[tilespmem:v51+s11+$0x0] =	vst.idx.add.f32.msk $0xffff, v20  }
0xb8: {  	v27 =	vmul.f32 v25, v23;
	v3 =	vmul.f32 v60, v3;
	[tilespmem:v58+s11+$0x0] =	vst.idx.add.f32.msk $0xffff, v22  }
0xb9: {  	[tilespmem:v59+s11+$0x0] =	vst.idx.add.f32.msk $0xffff, v2  }
0xba: {  	v28 =	vadd.s32 $0x1, v21;
	v2 =	vmul.f32 v27, v63;
	[tilespmem:v1+s11+$0x0] =	vst.idx.add.f32.msk $0xffff, v3  }
0xbb: {  	v29 =	vadd.s32 $0xE0, v21;
	v16 =	vmul.f32 v25, v40;
	v3 =	vld [tilespmem:s25+$0xFFFFFFF0]  }
0xbc: {  	v1 =	vmul.f32 v43, v23;
	[tilespmem:v21+s3+$0x0] =	vst.idx.add.f32.msk $0xffff, v2;
	v2 =	vadd.s32 $0xE1, v21  }
0xbd: {  	v8 =	vmul.f32 v43, v40;
	v30 =	vmul.f32 v16, v63;
	v44 =	vld [tilespmem:s24+$0x10]  }
0xbe: {  	v52 =	vld [tilespmem:s24+$0x20];
	v31 =	vmul.f32 v1, v63  }
0xbf: {  	v5 =	vmul.f32 v8, v63;
	[tilespmem:v28+s3+$0x0] =	vst.idx.add.f32.msk $0xffff, v30  }
0xc0: {  	[tilespmem:v29+s3+$0x0] =	vst.idx.add.f32.msk $0xffff, v31;
	v11 =	vmul.f32 v27, v3  }
0xc1: {  	v35 =	vsub.f32 $1.000000000e+00, v55;
	v36 =	vsub.f32 $1.000000000e+00, v57;
	v16 =	vmul.f32 v16, v3;
	[tilespmem:v2+s3+$0x0] =	vst.idx.add.f32.msk $0xffff, v5  }
0xc2: {  	v1 =	vmul.f32 v3, v1;
	[tilespmem:v21+s11+$0x0] =	vst.idx.add.f32.msk $0xffff, v11  }
0xc3: {  	v38 =	vmul.f32 v36, v35;
	v3 =	vmul.f32 v3, v8;
	[tilespmem:v28+s11+$0x0] =	vst.idx.add.f32.msk $0xffff, v16  }
0xc4: {  	[tilespmem:v29+s11+$0x0] =	vst.idx.add.f32.msk $0xffff, v1  }
0xc5: {  	v39 =	vadd.s32 $0x1, v33;
	v1 =	vmul.f32 v38, v34;
	[tilespmem:v2+s11+$0x0] =	vst.idx.add.f32.msk $0xffff, v3  }
0xc6: {  	v40 =	vadd.s32 $0xE0, v33;
	v12 =	vmul.f32 v36, v55;
	v3 =	vld [tilespmem:s25+$0x0]  }
0xc7: {  	v2 =	vmul.f32 v57, v35;
	[tilespmem:v33+s3+$0x0] =	vst.idx.add.f32.msk $0xffff, v1;
	v1 =	vadd.s32 $0xE1, v33  }
0xc8: {  	v41 =	vmul.f32 v12, v34;
	v14 =	vmul.f32 v57, v55;
	v48 =	vld [tilespmem:s25+$0x10]  }
0xc9: {  	v43 =	vld [tilespmem:s23+$0x10];
	v42 =	vmul.f32 v2, v34  }
0xca: {  	v5 =	vmul.f32 v14, v34;
	[tilespmem:v39+s3+$0x0] =	vst.idx.add.f32.msk $0xffff, v41  }
0xcb: {  	[tilespmem:v40+s3+$0x0] =	vst.idx.add.f32.msk $0xffff, v42;
	v16 =	vmul.f32 v38, v3  }
0xcc: {  	v45 =	vsub.f32 $1.000000000e+00, v24;
	v46 =	vsub.f32 $1.000000000e+00, v26;
	v12 =	vmul.f32 v12, v3;
	[tilespmem:v1+s3+$0x0] =	vst.idx.add.f32.msk $0xffff, v5  }
0xcd: {  	v2 =	vmul.f32 v3, v2;
	[tilespmem:v33+s11+$0x0] =	vst.idx.add.f32.msk $0xffff, v16  }
0xce: {  	v47 =	vmul.f32 v46, v45;
	v49 =	vadd.s32 $0x1, v43;
	v3 =	vmul.f32 v3, v14;
	[tilespmem:v39+s11+$0x0] =	vst.idx.add.f32.msk $0xffff, v12  }
0xcf: {  	v13 =	vmul.f32 v46, v24;
	v51 =	vadd.s32 $0xE0, v43;
	[tilespmem:v40+s11+$0x0] =	vst.idx.add.f32.msk $0xffff, v2  }
0xd0: {  	v5 =	vmul.f32 v26, v45;
	v2 =	vmul.f32 v47, v44;
	[tilespmem:v1+s11+$0x0] =	vst.idx.add.f32.msk $0xffff, v3;
	v3 =	vadd.s32 $0xE1, v43  }
0xd1: {  	v50 =	vld [tilespmem:s23+$0x20];
	v7 =	vmul.f32 v26, v24;
	v1 =	vmul.f32 v13, v44  }
0xd2: {  	[tilespmem:v43+s3+$0x0] =	vst.idx.add.f32.msk $0xffff, v2;
	v2 =	vmul.f32 v5, v44  }
0xd3: {  	[tilespmem:v49+s3+$0x0] =	vst.idx.add.f32.msk $0xffff, v1;
	v1 =	vmul.f32 v7, v44  }
0xd4: {  	[tilespmem:v51+s3+$0x0] =	vst.idx.add.f32.msk $0xffff, v2  }
0xd5: {  	v8 =	vmul.f32 v47, v48;
	v2 =	vsub.f32 $1.000000000e+00, v32;
	[tilespmem:v3+s3+$0x0] =	vst.idx.add.f32.msk $0xffff, v1;
	v1 =	vsub.f32 $1.000000000e+00, v37  }
0xd6: {  	v56 =	vld [tilespmem:s25+$0x20];
	v13 =	vmul.f32 v13, v48  }
0xd7: {  	v54 =	vadd.s32 $0x1, v50;
	v5 =	vmul.f32 v48, v5;
	[tilespmem:v43+s11+$0x0] =	vst.idx.add.f32.msk $0xffff, v8;
	v53 =	vmul.f32 v1, v2  }
0xd8: {  	v57 =	vadd.s32 $0xE0, v50;
	v7 =	vmul.f32 v48, v7;
	[tilespmem:v49+s11+$0x0] =	vst.idx.add.f32.msk $0xffff, v13;
	v55 =	vmul.f32 v1, v32  }
0xd9: {  	v44 =	vadd.s32 $0xE1, v50;
	v0 =	vmul.f32 v37, v2;
	[tilespmem:v51+s11+$0x0] =	vst.idx.add.f32.msk $0xffff, v5;
	v58 =	vmul.f32 v53, v52  }
0xda: {  	[tilespmem:v3+s11+$0x0] =	vst.idx.add.f32.msk $0xffff, v7;
	v3 =	vmul.f32 v37, v32;
	v59 =	vmul.f32 v55, v52  }
0xdb: {  	v60 =	vmul.f32 v0, v52;
	[tilespmem:v50+s3+$0x0] =	vst.idx.add.f32.msk $0xffff, v58  }
0xdc: {  	v61 =	vmul.f32 v3, v52;
	[tilespmem:v54+s3+$0x0] =	vst.idx.add.f32.msk $0xffff, v59  }
0xdd: {  	v62 =	vmul.f32 v53, v56;
	[tilespmem:v57+s3+$0x0] =	vst.idx.add.f32.msk $0xffff, v60  }
0xde: {  	v63 =	vmul.f32 v55, v56;
	[tilespmem:v44+s3+$0x0] =	vst.idx.add.f32.msk $0xffff, v61  }
0xdf: {  	v0 =	vmul.f32 v56, v0;
	[tilespmem:v50+s11+$0x0] =	vst.idx.add.f32.msk $0xffff, v62  }
0xe0: {  	[tilespmem:v54+s11+$0x0] =	vst.idx.add.f32.msk $0xffff, v63  }
0xe1: {  	s9 =	simm.s32 $0x440;
	s8 =	simm.s32 $0x0;
	v1 =	vmul.f32 v56, v3;
	[tilespmem:v57+s11+$0x0] =	vst.idx.add.f32.msk $0xffff, v0  }
.LBB2_5:
0xe2: {  	v3 =	vld [tilespmem:s9+$0x30]  }
0xe3: {  	v5 =	vld [tilespmem:s9+$0xFFFFFFC0]  }
0xe4: {  	v9 =	vld [tilespmem:s9+$0xFFFFFFD0]  }
0xe5: {  	v14 =	vld [tilespmem:s9+$0xFFFFFFE0]  }
0xe6: {  	v24 =	vld [tilespmem:s9+$0xFFFFFFF0]  }
0xe7: {  	v51 =	vld [tilespmem:s9+$0x0]  }
0xe8: {  	s22 =	sadd.s32 $0x80, s22;
	v53 =	vld [tilespmem:s9+$0x10]  }
0xe9: {  	s23 =	sadd.s32 $0x80, s23;
	v4 =	vld [tilespmem:s22+$0x30]  }
0xea: {  	v6 =	vld [tilespmem:s23+$0x30]  }
0xeb: {  	s24 =	sadd.s32 $0x80, s24;
	v7 =	vld [tilespmem:s22+$0xFFFFFFC0]  }
0xec: {  	v8 =	vld [tilespmem:s24+$0x30]  }
0xed: {  	s25 =	sadd.s32 $0x80, s25;
	v13 =	vld [tilespmem:s22+$0xFFFFFFD0]  }
0xee: {  	v19 =	vld [tilespmem:s25+$0x30]  }
0xef: {  	v20 =	vld [tilespmem:s22+$0xFFFFFFE0]  }
0xf0: {  	v52 =	vld [tilespmem:s22+$0x0]  }
0xf1: {  	v54 =	vld [tilespmem:s22+$0x10];
	v10 =	vsub.f32 $1.000000000e+00, v3;
	v11 =	vsub.f32 $1.000000000e+00, v4  }
0xf2: {  	v57 =	vld [tilespmem:s22+$0x20];
	v23 =	vsub.f32 $1.000000000e+00, v9  }
0xf3: {  	v31 =	vld [tilespmem:s24+$0xFFFFFFD0];
	v56 =	vsub.f32 $1.000000000e+00, v51;
	v16 =	vmul.f32 v11, v10;
	v10 =	vmul.f32 v4, v10  }
0xf4: {  	v33 =	vld [tilespmem:s25+$0xFFFFFFD0];
	v15 =	vadd.s32 $0x1, v6;
	v26 =	vsub.f32 $1.000000000e+00, v13;
	v11 =	vmul.f32 v11, v3  }
0xf5: {  	v35 =	vld [tilespmem:s24+$0xFFFFFFE0];
	v18 =	vadd.s32 $0xE0, v6;
	v22 =	vmul.f32 v16, v8;
	v42 =	vmul.f32 v10, v8  }
0xf6: {  	v37 =	vld [tilespmem:s25+$0xFFFFFFE0];
	v21 =	vadd.s32 $0xE1, v6;
	v46 =	vmul.f32 v16, v19;
	v16 =	vmul.f32 v26, v23  }
0xf7: {  	v58 =	vsub.f32 $1.000000000e+00, v52;
	v50 =	vmul.f32 v19, v10;
	v10 =	vmul.f32 v13, v23;
	v23 =	vld [tilespmem:s24+$0xFFFFFFF0]  }
0xf8: {  	v3 =	vmul.f32 v4, v3;
	v41 =	vmul.f32 v11, v8;
	[tilespmem:v6+s3+$0x0] =	vst.idx.add.f32.msk $0xffff, v22  }
0xf9: {  	v29 =	vmul.f32 v52, v56;
	v22 =	vmul.f32 v58, v56;
	v56 =	vld [tilespmem:s23+$0xFFFFFFD0]  }
0xfa: {  	v43 =	vmul.f32 v3, v8;
	[tilespmem:v15+s3+$0x0] =	vst.idx.add.f32.msk $0xffff, v41  }
0xfb: {  	[tilespmem:v18+s3+$0x0] =	vst.idx.add.f32.msk $0xffff, v42  }
0xfc: {  	v48 =	vmul.f32 v11, v19;
	[tilespmem:v21+s3+$0x0] =	vst.idx.add.f32.msk $0xffff, v43  }
0xfd: {  	[tilespmem:v6+s11+$0x0] =	vst.idx.add.f32.msk $0xffff, v46  }
0xfe: {  	v12 =	vsub.f32 $1.000000000e+00, v5;
	v3 =	vmul.f32 v19, v3;
	[tilespmem:v15+s11+$0x0] =	vst.idx.add.f32.msk $0xffff, v48  }
0xff: {  	v30 =	vsub.f32 $1.000000000e+00, v53;
	v17 =	vsub.f32 $1.000000000e+00, v7;
	[tilespmem:v18+s11+$0x0] =	vst.idx.add.f32.msk $0xffff, v50  }
0x100: {  	v40 =	vmul.f32 v7, v5;
	v45 =	vmul.f32 v7, v12;
	[tilespmem:v21+s11+$0x0] =	vst.idx.add.f32.msk $0xffff, v3  }
0x101: {  	v47 =	vsub.f32 $1.000000000e+00, v20;
	v34 =	vmul.f32 v54, v30;
	v25 =	vmul.f32 v17, v12;
	v3 =	vld [tilespmem:s22+$0xFFFFFFF0]  }
0x102: {  	v17 =	vmul.f32 v17, v5;
	v32 =	vmul.f32 v58, v51;
	v8 =	vld [tilespmem:s23+$0x10]  }
0x103: {  	v27 =	vsub.f32 $1.000000000e+00, v14;
	v26 =	vmul.f32 v26, v9;
	v19 =	vmul.f32 v47, v14;
	v58 =	vld [tilespmem:s23+$0xFFFFFFE0]  }
0x104: {  	v59 =	vsub.f32 $1.000000000e+00, v54;
	v11 =	vmul.f32 v54, v53;
	v41 =	vld [tilespmem:s25+$0xFFFFFFF0];
	v42 =	vmul.f32 v20, v14  }
0x105: {  	v49 =	vsub.f32 $1.000000000e+00, v24;
	v43 =	vld [tilespmem:s24+$0x0];
	v6 =	vmul.f32 v13, v9;
	v46 =	vmul.f32 v16, v31  }
0x106: {  	v9 =	vmul.f32 v52, v51;
	v13 =	vmul.f32 v59, v53;
	v52 =	vld [tilespmem:s24+$0x20];
	v55 =	vsub.f32 $1.000000000e+00, v3  }
0x107: {  	v15 =	vmul.f32 v47, v27;
	v63 =	vadd.s32 $0x1, v56;
	v18 =	vmul.f32 v20, v27;
	[tilespmem:v56+s3+$0x0] =	vst.idx.add.f32.msk $0xffff, v46  }
0x108: {  	v46 =	vadd.s32 $0x1, v58;
	v7 =	vmul.f32 v3, v24;
	v20 =	vmul.f32 v55, v24;
	v24 =	vld [tilespmem:s25+$0xFFFFFFC0]  }
0x109: {  	v5 =	vadd.s32 $0xE0, v56;
	v53 =	vmul.f32 v15, v35;
	v21 =	vmul.f32 v3, v49;
	v3 =	vld [tilespmem:s9+$0x20]  }
0x10a: {  	v30 =	vmul.f32 v59, v30;
	v59 =	vld [tilespmem:s23+$0xFFFFFFF0];
	v47 =	vmul.f32 v26, v31  }
0x10b: {  	v54 =	vmul.f32 v19, v35;
	v4 =	vadd.s32 $0xE1, v56;
	[tilespmem:v58+s3+$0x0] =	vst.idx.add.f32.msk $0xffff, v53  }
0x10c: {  	[tilespmem:v63+s3+$0x0] =	vst.idx.add.f32.msk $0xffff, v47;
	v28 =	vmul.f32 v55, v49;
	v49 =	vmul.f32 v10, v31  }
0x10d: {  	[tilespmem:v46+s3+$0x0] =	vst.idx.add.f32.msk $0xffff, v54;
	v0 =	vmul.f32 v24, v45  }
0x10e: {  	v36 =	vsub.f32 $1.000000000e+00, v57;
	v31 =	vmul.f32 v6, v31;
	[tilespmem:v5+s3+$0x0] =	vst.idx.add.f32.msk $0xffff, v49;
	v60 =	vsub.f32 $1.000000000e+00, v3  }
0x10f: {  	v55 =	vld [tilespmem:s25+$0x20];
	[tilespmem:$0x1FF60] =	vst v0;
	v0 =	vmul.f32 v16, v33  }
0x110: {  	v12 =	vmul.f32 v57, v3;
	[tilespmem:v4+s3+$0x0] =	vst.idx.add.f32.msk $0xffff, v31;
	v14 =	vmul.f32 v36, v60  }
0x111: {  	v51 =	vadd.s32 $0xE0, v58;
	v36 =	vmul.f32 v36, v3;
	v3 =	vld [tilespmem:s23+$0x20];
	[tilespmem:$0x1FF70] =	vst v0;
	v0 =	vmul.f32 v26, v33  }
0x112: {  	v38 =	vmul.f32 v57, v60;
	v60 =	vmul.f32 v28, v23;
	[tilespmem:v44+s11+$0x0] =	vst.idx.add.f32.msk $0xffff, v1  }
0x113: {  	v27 =	vld [tilespmem:s24+$0xFFFFFFC0];
	v47 =	vadd.s32 $0xE1, v58;
	[tilespmem:$0x1FF80] =	vst v0;
	v0 =	vmul.f32 v33, v10  }
0x114: {  	v57 =	vmul.f32 v18, v35;
	[tilespmem:v59+s3+$0x0] =	vst.idx.add.f32.msk $0xffff, v60  }
0x115: {  	v48 =	vld [tilespmem:s24+$0x10];
	[tilespmem:$0x1FF90] =	vst v0;
	v0 =	vmul.f32 v28, v41  }
0x116: {  	v35 =	vmul.f32 v42, v35;
	[tilespmem:v51+s3+$0x0] =	vst.idx.add.f32.msk $0xffff, v57  }
0x117: {  	v50 =	vld [tilespmem:s25+$0x10];
	[tilespmem:$0x1FFA0] =	vst v0;
	v0 =	vmul.f32 v22, v43  }
0x118: {  	v15 =	vmul.f32 v15, v37;
	[tilespmem:v47+s3+$0x0] =	vst.idx.add.f32.msk $0xffff, v35  }
0x119: {  	v62 =	vmul.f32 v45, v27;
	v45 =	vld [tilespmem:s25+$0x0];
	[tilespmem:$0x1FFB0] =	vst v0;
	v0 =	vmul.f32 v32, v43  }
0x11a: {  	v19 =	vmul.f32 v19, v37;
	[tilespmem:v58+s11+$0x0] =	vst.idx.add.f32.msk $0xffff, v15  }
0x11b: {  	v1 =	vmul.f32 v13, v48;
	[tilespmem:$0x1FFC0] =	vst v0;
	v0 =	vld [tilespmem:s23+$0xFFFFFFC0]  }
0x11c: {  	v18 =	vmul.f32 v37, v18;
	[tilespmem:v46+s11+$0x0] =	vst.idx.add.f32.msk $0xffff, v19  }
0x11d: {  	v37 =	vmul.f32 v37, v42;
	[tilespmem:$0x1FFE0] =	vst v1;
	v10 =	vld [tilespmem:s23+$0x0]  }
0x11e: {  	v49 =	vmul.f32 v14, v52;
	[tilespmem:v51+s11+$0x0] =	vst.idx.add.f32.msk $0xffff, v18  }
0x11f: {  	v1 =	vmul.f32 v36, v52;
	[tilespmem:v47+s11+$0x0] =	vst.idx.add.f32.msk $0xffff, v37  }
0x120: {  	v2 =	vmul.f32 v22, v45;
	[tilespmem:v3+s3+$0x0] =	vst.idx.add.f32.msk $0xffff, v49;
	v44 =	vadd.s32 $0x1, v0  }
0x121: {  	[tilespmem:$0x1FFF0] =	vst v1;
	v57 =	vld [tilespmem:$0x1FF90];
	v22 =	vmul.f32 v30, v48;
	v1 =	vadd.s32 $0xE0, v0  }
0x122: {  	v39 =	vmul.f32 v25, v27;
	[tilespmem:$0x1FFD0] =	vst v2;
	v58 =	vld [tilespmem:$0x1FFA0]  }
0x123: {  	v61 =	vmul.f32 v17, v27;
	[tilespmem:v8+s3+$0x0] =	vst.idx.add.f32.msk $0xffff, v22;
	v2 =	vadd.s32 $0xE1, v0  }
0x124: {  	[tilespmem:v0+s3+$0x0] =	vst.idx.add.f32.msk $0xffff, v39  }
0x125: {  	v53 =	vmul.f32 v34, v48;
	v27 =	vmul.f32 v40, v27;
	[tilespmem:v44+s3+$0x0] =	vst.idx.add.f32.msk $0xffff, v61  }
0x126: {  	v6 =	vmul.f32 v33, v6;
	v25 =	vmul.f32 v25, v24;
	v39 =	vadd.s32 $0x1, v59;
	[tilespmem:v1+s3+$0x0] =	vst.idx.add.f32.msk $0xffff, v62  }
0x127: {  	v16 =	vmul.f32 v20, v23;
	v60 =	vmul.f32 v38, v52;
	v33 =	vadd.s32 $0xE0, v59;
	v62 =	vld [tilespmem:$0x1FFC0]  }
0x128: {  	v14 =	vmul.f32 v14, v55;
	v36 =	vmul.f32 v36, v55;
	v61 =	vadd.s32 $0xE1, v59;
	[tilespmem:v2+s3+$0x0] =	vst.idx.add.f32.msk $0xffff, v27  }
0x129: {  	v38 =	vmul.f32 v55, v38;
	v26 =	vmul.f32 v21, v23;
	[tilespmem:v0+s11+$0x0] =	vst.idx.add.f32.msk $0xffff, v25  }
0x12a: {  	v25 =	vmul.f32 v11, v48;
	v48 =	vmul.f32 v55, v12;
	v55 =	vld [tilespmem:$0x1FF70]  }
0x12b: {  	v23 =	vmul.f32 v7, v23;
	[tilespmem:v39+s3+$0x0] =	vst.idx.add.f32.msk $0xffff, v16  }
0x12c: {  	[tilespmem:v33+s3+$0x0] =	vst.idx.add.f32.msk $0xffff, v26  }
0x12d: {  	v28 =	vmul.f32 v20, v41;
	[tilespmem:v61+s3+$0x0] =	vst.idx.add.f32.msk $0xffff, v23  }
0x12e: {  	[tilespmem:v59+s11+$0x0] =	vst.idx.add.f32.msk $0xffff, v58  }
0x12f: {  	[tilespmem:v39+s11+$0x0] =	vst.idx.add.f32.msk $0xffff, v28  }
0x130: {  	v21 =	vmul.f32 v41, v21;
	[tilespmem:v56+s11+$0x0] =	vst.idx.add.f32.msk $0xffff, v55  }
0x131: {  	v7 =	vmul.f32 v41, v7;
	v56 =	vld [tilespmem:$0x1FF80]  }
0x132: {  	[tilespmem:v33+s11+$0x0] =	vst.idx.add.f32.msk $0xffff, v21  }
0x133: {  	v34 =	vmul.f32 v50, v34;
	[tilespmem:v61+s11+$0x0] =	vst.idx.add.f32.msk $0xffff, v7  }
0x134: {  	v17 =	vmul.f32 v17, v24;
	v13 =	vmul.f32 v13, v50;
	v61 =	vld [tilespmem:$0x1FFB0]  }
0x135: {  	v30 =	vmul.f32 v30, v50;
	v41 =	vadd.s32 $0x1, v10;
	v11 =	vmul.f32 v50, v11;
	v50 =	vld [tilespmem:$0x1FF60]  }
0x136: {  	v27 =	vadd.s32 $0xE0, v10;
	[tilespmem:v44+s11+$0x0] =	vst.idx.add.f32.msk $0xffff, v17  }
0x137: {  	v0 =	vadd.s32 $0xE1, v10;
	[tilespmem:v63+s11+$0x0] =	vst.idx.add.f32.msk $0xffff, v56  }
0x138: {  	v63 =	vld [tilespmem:$0x1FFD0]  }
0x139: {  	v20 =	vmul.f32 v29, v43;
	[tilespmem:v10+s3+$0x0] =	vst.idx.add.f32.msk $0xffff, v61  }
0x13a: {  	v42 =	vmul.f32 v9, v43;
	[tilespmem:v41+s3+$0x0] =	vst.idx.add.f32.msk $0xffff, v62  }
0x13b: {  	[tilespmem:v27+s3+$0x0] =	vst.idx.add.f32.msk $0xffff, v20  }
0x13c: {  	v32 =	vmul.f32 v32, v45;
	[tilespmem:v0+s3+$0x0] =	vst.idx.add.f32.msk $0xffff, v42  }
0x13d: {  	v29 =	vmul.f32 v45, v29;
	[tilespmem:v10+s11+$0x0] =	vst.idx.add.f32.msk $0xffff, v63  }
0x13e: {  	v9 =	vmul.f32 v45, v9;
	[tilespmem:v41+s11+$0x0] =	vst.idx.add.f32.msk $0xffff, v32  }
0x13f: {  	[tilespmem:v27+s11+$0x0] =	vst.idx.add.f32.msk $0xffff, v29  }
0x140: {  	[tilespmem:v0+s11+$0x0] =	vst.idx.add.f32.msk $0xffff, v9  }
0x141: {  	v24 =	vmul.f32 v24, v40;
	v17 =	vadd.s32 $0x1, v8;
	v0 =	vld [tilespmem:$0x1FFE0]  }
0x142: {  	[tilespmem:v1+s11+$0x0] =	vst.idx.add.f32.msk $0xffff, v50  }
0x143: {  	v1 =	vadd.s32 $0xE0, v8;
	[tilespmem:v2+s11+$0x0] =	vst.idx.add.f32.msk $0xffff, v24  }
0x144: {  	v43 =	vmul.f32 v12, v52;
	v52 =	vadd.s32 $0xE1, v8;
	[tilespmem:v5+s11+$0x0] =	vst.idx.add.f32.msk $0xffff, v57  }
0x145: {  	[tilespmem:v4+s11+$0x0] =	vst.idx.add.f32.msk $0xffff, v6  }
0x146: {  	[tilespmem:v17+s3+$0x0] =	vst.idx.add.f32.msk $0xffff, v0  }
0x147: {  	v0 =	vld [tilespmem:$0x1FFF0]  }
0x148: {  	v54 =	vadd.s32 $0x1, v3;
	[tilespmem:v1+s3+$0x0] =	vst.idx.add.f32.msk $0xffff, v53  }
0x149: {  	[tilespmem:v52+s3+$0x0] =	vst.idx.add.f32.msk $0xffff, v25  }
0x14a: {  	v2 =	vadd.s32 $0xE0, v3;
	[tilespmem:v8+s11+$0x0] =	vst.idx.add.f32.msk $0xffff, v30  }
0x14b: {  	v44 =	vadd.s32 $0xE1, v3;
	[tilespmem:v17+s11+$0x0] =	vst.idx.add.f32.msk $0xffff, v13  }
0x14c: {  	[tilespmem:v1+s11+$0x0] =	vst.idx.add.f32.msk $0xffff, v34  }
0x14d: {  	s8 =	sadd.s32 $0x8, s8;
	[tilespmem:v54+s3+$0x0] =	vst.idx.add.f32.msk $0xffff, v0  }
0x14e: {  	p0 =	slt.u32 s8, $0x30;
	[tilespmem:v52+s11+$0x0] =	vst.idx.add.f32.msk $0xffff, v11  }
.Ltmp2:
0x14f: {  	[tilespmem:v2+s3+$0x0] =	vst.idx.add.f32.msk $0xffff, v60;
	(pc) =	sbr.rel @p0 .LBB2_5-.Ltmp2, $4  }
0x150: {  	[tilespmem:v44+s3+$0x0] =	vst.idx.add.f32.msk $0xffff, v43  }
0x151: {  	[tilespmem:v3+s11+$0x0] =	vst.idx.add.f32.msk $0xffff, v14  }
0x152: {  	[tilespmem:v54+s11+$0x0] =	vst.idx.add.f32.msk $0xffff, v36  }
0x153: {  	s9 =	sadd.s32 $0x80, s9;
	v1 =	vmov v48;
	[tilespmem:v2+s11+$0x0] =	vst.idx.add.f32.msk $0xffff, v38  }
0x154: {  	p0 =	seq.s32 s21, $0xD  }
0x155: {  	s22 =	smul.u32 @!p0 $0xE00, s21;
	_ =	sdelay $0x1  }
0x156: {  	s8 =	sadd.s32 @!p0 $0xE00, s22  }
0x157: {  	s9 =	sadd.s32 @!p0 s16, s8  }
0x158: {  	s9 =	sshrl.u32 @!p0 s9, $0x3  }
0x159: {  	[tilespmem:v44+s11+$0x0] =	vst.idx.add.f32.msk $0xffff, v1;
	s23 =	simm.s32 @!p0 $0x0;
	s10 =	sadd.s32 @!p0 s4, s9  }
0x15a: {  	[tilespmem:s23], [sflag:$0x1] =	stream.linear.gather @!p0 [hbm4b:s10+s23], $0x380, $0x38;
	[tilespmem:$0x1D000] =	vst v63  }
0x15b: {  	s24 =	simm.s32 @!p0 $0x380;
	s10 =	sadd.s32 @!p0 s5, s9  }
0x15c: {  	[tilespmem:s24], [sflag:$0x1] =	stream.linear.gather @!p0 [hbm4b:s10+s23], $0x380, $0x38;
	[tilespmem:$0x1D000] =	vst v63  }
0x15d: {  	s9 =	sadd.s32 @!p0 s6, s9;
	s10 =	sadd.s32 @!p0 s17, s8;
	s24 =	simm.s32 @!p0 $0x700  }
0x15e: {  	[tilespmem:s24], [sflag:$0x1] =	stream.linear.gather @!p0 [hbm4b:s9+s23], $0x380, $0x38;
	[tilespmem:$0x1D000] =	vst v63  }
0x15f: {  	s8 =	sadd.s32 @!p0 s20, s8;
	s9 =	sshrl.u32 @!p0 s10, $0x3  }
0x160: {  	s8 =	sshrl.u32 @!p0 s8, $0x3;
	s10 =	simm.s32 @!p0 $0xA80;
	s9 =	sadd.s32 @!p0 s1, s9  }
0x161: {  	[tilespmem:s10], [sflag:$0x1] =	stream.linear.gather @!p0 [hbm4b:s9+s23], $0x380, $0x38;
	[tilespmem:$0x1D000] =	vst v63  }
0x162: {  	s8 =	sadd.s32 @!p0 s1, s8;
	s9 =	simm.s32 @!p0 $0xE00  }
0x163: {  	[tilespmem:s9], [sflag:$0x1] =	stream.linear.gather @!p0 [hbm4b:s8+s23], $0x380, $0x38;
	[tilespmem:$0x1D000] =	vst v63  }
0x164: {  	_ =	swait.ge [sflag:s12], $0x1180  }
0x165: {  	[sflag:s12] =	ssyncset.done $0x0  }
0x166: {  	s10 =	simm.s32 $0x1540;
	[sflag:s12] =	ssyncadd.s32 $0xFFFFEE80  }
0x167: {  	s23 =	simm.s32 $0x18C0;
	v0 =	vld [tilespmem:s10+$0x30]  }
0x168: {  	s24 =	simm.s32 $0x11C0;
	v1 =	vld [tilespmem:s23+$0x30]  }
0x169: {  	s25 =	simm.s32 $0x1C40;
	v2 =	vld [tilespmem:s24+$0x30]  }
0x16a: {  	v3 =	vld [tilespmem:s25+$0x30]  }
0x16b: {  	v6 =	vld [tilespmem:s10+$0xFFFFFFC0]  }
0x16c: {  	v7 =	vld [tilespmem:s23+$0xFFFFFFC0]  }
0x16d: {  	s8 =	simm.s32 $0x1FC0;
	v10 =	vld [tilespmem:s10+$0xFFFFFFD0]  }
0x16e: {  	v12 =	vld [tilespmem:s8+$0x30]  }
0x16f: {  	v15 =	vld [tilespmem:s23+$0xFFFFFFD0]  }
0x170: {  	v35 =	vld [tilespmem:s10+$0xFFFFFFE0]  }
0x171: {  	v40 =	vld [tilespmem:s8+$0xFFFFFFC0]  }
0x172: {  	v43 =	vld [tilespmem:s25+$0xFFFFFFD0]  }
0x173: {  	v45 =	vld [tilespmem:s24+$0xFFFFFFD0]  }
0x174: {  	v46 =	vld [tilespmem:s10+$0xFFFFFFF0];
	v4 =	vsub.f32 $1.000000000e+00, v0;
	v5 =	vsub.f32 $1.000000000e+00, v1  }
0x175: {  	v48 =	vld [tilespmem:s23+$0xFFFFFFF0]  }
0x176: {  	v55 =	vld [tilespmem:s25+$0xFFFFFFE0];
	v8 =	vadd.s32 $0x1, v2;
	v9 =	vmul.f32 v5, v4  }
0x177: {  	v56 =	vld [tilespmem:s24+$0xFFFFFFE0];
	v11 =	vadd.s32 $0xE0, v2;
	v5 =	vmul.f32 v5, v0  }
0x178: {  	v59 =	vld [tilespmem:s10+$0x0];
	v13 =	vadd.s32 $0xE1, v2;
	v4 =	vmul.f32 v1, v4;
	v14 =	vmul.f32 v9, v3  }
0x179: {  	v61 =	vld [tilespmem:s23+$0x0];
	v0 =	vmul.f32 v1, v0;
	v1 =	vmul.f32 v5, v3  }
0x17a: {  	v33 =	vmul.f32 v4, v3;
	[tilespmem:v2+s3+$0x0] =	vst.idx.add.f32.msk $0xffff, v14  }
0x17b: {  	[tilespmem:v8+s3+$0x0] =	vst.idx.add.f32.msk $0xffff, v1;
	v1 =	vmul.f32 v0, v3  }
0x17c: {  	[tilespmem:v11+s3+$0x0] =	vst.idx.add.f32.msk $0xffff, v33  }
0x17d: {  	v3 =	vmul.f32 v9, v12;
	[tilespmem:v13+s3+$0x0] =	vst.idx.add.f32.msk $0xffff, v1  }
0x17e: {  	v1 =	vld [tilespmem:s24+$0xFFFFFFC0]  }
0x17f: {  	[tilespmem:v2+s11+$0x0] =	vst.idx.add.f32.msk $0xffff, v3  }
0x180: {  	v3 =	vld [tilespmem:s25+$0xFFFFFFC0]  }
0x181: {  	v19 =	vld [tilespmem:s25+$0xFFFFFFF0];
	v34 =	vsub.f32 $1.000000000e+00, v6;
	v36 =	vsub.f32 $1.000000000e+00, v7;
	v2 =	vmul.f32 v5, v12  }
0x182: {  	v21 =	vld [tilespmem:s24+$0xFFFFFFF0];
	v4 =	vmul.f32 v12, v4  }
0x183: {  	v37 =	vmul.f32 v36, v34;
	v0 =	vmul.f32 v12, v0;
	[tilespmem:v8+s11+$0x0] =	vst.idx.add.f32.msk $0xffff, v2  }
0x184: {  	[tilespmem:v11+s11+$0x0] =	vst.idx.add.f32.msk $0xffff, v4  }
0x185: {  	v38 =	vadd.s32 $0x1, v1;
	[tilespmem:v13+s11+$0x0] =	vst.idx.add.f32.msk $0xffff, v0;
	v0 =	vmul.f32 v37, v3  }
0x186: {  	v24 =	vld [tilespmem:s10+$0x10];
	v14 =	vmul.f32 v36, v6;
	v39 =	vadd.s32 $0xE0, v1  }
0x187: {  	v5 =	vmul.f32 v7, v34;
	[tilespmem:v1+s3+$0x0] =	vst.idx.add.f32.msk $0xffff, v0;
	v0 =	vadd.s32 $0xE1, v1  }
0x188: {  	v26 =	vld [tilespmem:s23+$0x10];
	v6 =	vmul.f32 v7, v6;
	v41 =	vmul.f32 v14, v3  }
0x189: {  	v31 =	vld [tilespmem:s10+$0x20];
	v42 =	vmul.f32 v5, v3  }
0x18a: {  	v3 =	vmul.f32 v6, v3;
	[tilespmem:v38+s3+$0x0] =	vst.idx.add.f32.msk $0xffff, v41  }
0x18b: {  	v44 =	vmul.f32 v37, v40;
	[tilespmem:v39+s3+$0x0] =	vst.idx.add.f32.msk $0xffff, v42  }
0x18c: {  	[tilespmem:v0+s3+$0x0] =	vst.idx.add.f32.msk $0xffff, v3;
	v3 =	vmul.f32 v14, v40  }
0x18d: {  	v5 =	vmul.f32 v40, v5;
	[tilespmem:v1+s11+$0x0] =	vst.idx.add.f32.msk $0xffff, v44  }
0x18e: {  	v47 =	vsub.f32 $1.000000000e+00, v15;
	v6 =	vmul.f32 v40, v6;
	v1 =	vsub.f32 $1.000000000e+00, v10;
	[tilespmem:v38+s11+$0x0] =	vst.idx.add.f32.msk $0xffff, v3  }
0x18f: {  	[tilespmem:v39+s11+$0x0] =	vst.idx.add.f32.msk $0xffff, v5  }
0x190: {  	v49 =	vadd.s32 $0x1, v45;
	v3 =	vmul.f32 v47, v1;
	[tilespmem:v0+s11+$0x0] =	vst.idx.add.f32.msk $0xffff, v6  }
0x191: {  	v51 =	vadd.s32 $0xE0, v45;
	v14 =	vmul.f32 v47, v10;
	v0 =	vmul.f32 v15, v1;
	v1 =	vld [tilespmem:s8+$0xFFFFFFD0]  }
0x192: {  	v32 =	vld [tilespmem:s24+$0x0];
	v53 =	vadd.s32 $0xE1, v45;
	v50 =	vmul.f32 v3, v43  }
0x193: {  	v2 =	vld [tilespmem:s23+$0xFFFFFFE0];
	v10 =	vmul.f32 v15, v10;
	v52 =	vmul.f32 v14, v43  }
0x194: {  	v54 =	vmul.f32 v0, v43;
	[tilespmem:v45+s3+$0x0] =	vst.idx.add.f32.msk $0xffff, v50  }
0x195: {  	v13 =	vmul.f32 v10, v43;
	[tilespmem:v49+s3+$0x0] =	vst.idx.add.f32.msk $0xffff, v52  }
0x196: {  	[tilespmem:v51+s3+$0x0] =	vst.idx.add.f32.msk $0xffff, v54;
	v3 =	vmul.f32 v3, v1  }
0x197: {  	[tilespmem:v53+s3+$0x0] =	vst.idx.add.f32.msk $0xffff, v13  }
0x198: {  	v58 =	vsub.f32 $1.000000000e+00, v2;
	v57 =	vmul.f32 v14, v1;
	[tilespmem:v45+s11+$0x0] =	vst.idx.add.f32.msk $0xffff, v3;
	v3 =	vsub.f32 $1.000000000e+00, v35  }
0x199: {  	v33 =	vld [tilespmem:s25+$0x0];
	v0 =	vmul.f32 v1, v0  }
0x19a: {  	v1 =	vmul.f32 v1, v10;
	[tilespmem:v49+s11+$0x0] =	vst.idx.add.f32.msk $0xffff, v57;
	v60 =	vmul.f32 v58, v3  }
0x19b: {  	[tilespmem:v51+s11+$0x0] =	vst.idx.add.f32.msk $0xffff, v0  }
0x19c: {  	v62 =	vadd.s32 $0x1, v56;
	[tilespmem:v53+s11+$0x0] =	vst.idx.add.f32.msk $0xffff, v1;
	v0 =	vmul.f32 v60, v55  }
0x19d: {  	v63 =	vadd.s32 $0xE0, v56;
	v8 =	vmul.f32 v58, v35;
	v1 =	vmul.f32 v2, v3;
	v3 =	vld [tilespmem:s8+$0xFFFFFFE0]  }
0x19e: {  	[tilespmem:v56+s3+$0x0] =	vst.idx.add.f32.msk $0xffff, v0;
	v0 =	vadd.s32 $0xE1, v56  }
0x19f: {  	v41 =	vld [tilespmem:s24+$0x10];
	v17 =	vmul.f32 v8, v55;
	v2 =	vmul.f32 v2, v35  }
0x1a0: {  	v42 =	vld [tilespmem:s25+$0x10];
	v18 =	vmul.f32 v1, v55  }
0x1a1: {  	v6 =	vmul.f32 v2, v55;
	[tilespmem:v62+s3+$0x0] =	vst.idx.add.f32.msk $0xffff, v17  }
0x1a2: {  	[tilespmem:v63+s3+$0x0] =	vst.idx.add.f32.msk $0xffff, v18;
	v20 =	vmul.f32 v60, v3  }
0x1a3: {  	v23 =	vsub.f32 $1.000000000e+00, v46;
	v25 =	vsub.f32 $1.000000000e+00, v48;
	v22 =	vmul.f32 v8, v3;
	[tilespmem:v0+s3+$0x0] =	vst.idx.add.f32.msk $0xffff, v6  }
0x1a4: {  	v1 =	vmul.f32 v3, v1;
	[tilespmem:v56+s11+$0x0] =	vst.idx.add.f32.msk $0xffff, v20  }
0x1a5: {  	v27 =	vmul.f32 v25, v23;
	v2 =	vmul.f32 v3, v2;
	[tilespmem:v62+s11+$0x0] =	vst.idx.add.f32.msk $0xffff, v22  }
0x1a6: {  	[tilespmem:v63+s11+$0x0] =	vst.idx.add.f32.msk $0xffff, v1  }
0x1a7: {  	v3 =	vadd.s32 $0x1, v21;
	v1 =	vmul.f32 v27, v19;
	[tilespmem:v0+s11+$0x0] =	vst.idx.add.f32.msk $0xffff, v2  }
0x1a8: {  	v28 =	vadd.s32 $0xE0, v21;
	v15 =	vmul.f32 v25, v46;
	v2 =	vld [tilespmem:s8+$0xFFFFFFF0]  }
0x1a9: {  	v0 =	vmul.f32 v48, v23;
	[tilespmem:v21+s3+$0x0] =	vst.idx.add.f32.msk $0xffff, v1;
	v1 =	vadd.s32 $0xE1, v21  }
0x1aa: {  	v7 =	vmul.f32 v48, v46;
	v46 =	vld [tilespmem:s8+$0x10];
	v29 =	vmul.f32 v15, v19  }
0x1ab: {  	v53 =	vld [tilespmem:s8+$0x20];
	v30 =	vmul.f32 v0, v19  }
0x1ac: {  	v4 =	vmul.f32 v7, v19;
	[tilespmem:v3+s3+$0x0] =	vst.idx.add.f32.msk $0xffff, v29  }
0x1ad: {  	[tilespmem:v28+s3+$0x0] =	vst.idx.add.f32.msk $0xffff, v30;
	v10 =	vmul.f32 v27, v2  }
0x1ae: {  	v34 =	vsub.f32 $1.000000000e+00, v59;
	v35 =	vsub.f32 $1.000000000e+00, v61;
	v15 =	vmul.f32 v15, v2;
	[tilespmem:v1+s3+$0x0] =	vst.idx.add.f32.msk $0xffff, v4  }
0x1af: {  	v0 =	vmul.f32 v2, v0;
	[tilespmem:v21+s11+$0x0] =	vst.idx.add.f32.msk $0xffff, v10  }
0x1b0: {  	v36 =	vmul.f32 v35, v34;
	v2 =	vmul.f32 v2, v7;
	[tilespmem:v3+s11+$0x0] =	vst.idx.add.f32.msk $0xffff, v15  }
0x1b1: {  	[tilespmem:v28+s11+$0x0] =	vst.idx.add.f32.msk $0xffff, v0  }
0x1b2: {  	v37 =	vadd.s32 $0x1, v32;
	v0 =	vmul.f32 v36, v33;
	[tilespmem:v1+s11+$0x0] =	vst.idx.add.f32.msk $0xffff, v2  }
0x1b3: {  	v38 =	vadd.s32 $0xE0, v32;
	v11 =	vmul.f32 v35, v59;
	v2 =	vld [tilespmem:s8+$0x0]  }
0x1b4: {  	v1 =	vmul.f32 v61, v34;
	[tilespmem:v32+s3+$0x0] =	vst.idx.add.f32.msk $0xffff, v0;
	v0 =	vadd.s32 $0xE1, v32  }
0x1b5: {  	v13 =	vmul.f32 v61, v59;
	v39 =	vmul.f32 v11, v33;
	v48 =	vld [tilespmem:s24+$0x20]  }
0x1b6: {  	v3 =	vld [tilespmem:s23+$0x20];
	v40 =	vmul.f32 v1, v33  }
0x1b7: {  	v4 =	vmul.f32 v13, v33;
	[tilespmem:v37+s3+$0x0] =	vst.idx.add.f32.msk $0xffff, v39  }
0x1b8: {  	v44 =	vsub.f32 $1.000000000e+00, v26;
	v43 =	vsub.f32 $1.000000000e+00, v24;
	[tilespmem:v38+s3+$0x0] =	vst.idx.add.f32.msk $0xffff, v40;
	v15 =	vmul.f32 v36, v2  }
0x1b9: {  	v11 =	vmul.f32 v11, v2;
	[tilespmem:v0+s3+$0x0] =	vst.idx.add.f32.msk $0xffff, v4  }
0x1ba: {  	v47 =	vadd.s32 $0x1, v41;
	v45 =	vmul.f32 v44, v43;
	v1 =	vmul.f32 v2, v1;
	[tilespmem:v32+s11+$0x0] =	vst.idx.add.f32.msk $0xffff, v15  }
0x1bb: {  	v12 =	vmul.f32 v44, v24;
	v2 =	vmul.f32 v2, v13;
	[tilespmem:v37+s11+$0x0] =	vst.idx.add.f32.msk $0xffff, v11  }
0x1bc: {  	v49 =	vadd.s32 $0xE0, v41;
	[tilespmem:v38+s11+$0x0] =	vst.idx.add.f32.msk $0xffff, v1;
	v1 =	vmul.f32 v45, v42  }
0x1bd: {  	v16 =	vadd.s32 $0xE1, v41;
	v4 =	vmul.f32 v26, v43;
	[tilespmem:v0+s11+$0x0] =	vst.idx.add.f32.msk $0xffff, v2;
	v0 =	vmul.f32 v12, v42  }
0x1be: {  	v6 =	vmul.f32 v26, v24;
	[tilespmem:v41+s3+$0x0] =	vst.idx.add.f32.msk $0xffff, v1  }
0x1bf: {  	v1 =	vmul.f32 v4, v42;
	[tilespmem:v47+s3+$0x0] =	vst.idx.add.f32.msk $0xffff, v0  }
0x1c0: {  	v9 =	vmul.f32 v6, v42;
	v0 =	vld [tilespmem:s25+$0x20]  }
0x1c1: {  	v7 =	vmul.f32 v45, v46;
	v50 =	vsub.f32 $1.000000000e+00, v3;
	[tilespmem:v49+s3+$0x0] =	vst.idx.add.f32.msk $0xffff, v1;
	v1 =	vsub.f32 $1.000000000e+00, v31  }
0x1c2: {  	v12 =	vmul.f32 v12, v46;
	[tilespmem:v16+s3+$0x0] =	vst.idx.add.f32.msk $0xffff, v9  }
0x1c3: {  	v52 =	vadd.s32 $0x1, v48;
	v4 =	vmul.f32 v46, v4;
	[tilespmem:v41+s11+$0x0] =	vst.idx.add.f32.msk $0xffff, v7;
	v51 =	vmul.f32 v50, v1  }
0x1c4: {  	v6 =	vmul.f32 v46, v6;
	v60 =	vadd.s32 $0xE0, v48;
	v9 =	vmul.f32 v50, v31;
	[tilespmem:v47+s11+$0x0] =	vst.idx.add.f32.msk $0xffff, v12  }
0x1c5: {  	v56 =	vadd.s32 $0xE1, v48;
	v61 =	vmul.f32 v3, v1;
	[tilespmem:v49+s11+$0x0] =	vst.idx.add.f32.msk $0xffff, v4;
	v62 =	vmul.f32 v51, v0  }
0x1c6: {  	v1 =	vmul.f32 v3, v31;
	v3 =	vmul.f32 v9, v0;
	[tilespmem:v16+s11+$0x0] =	vst.idx.add.f32.msk $0xffff, v6  }
0x1c7: {  	v63 =	vmul.f32 v61, v0;
	[tilespmem:v48+s3+$0x0] =	vst.idx.add.f32.msk $0xffff, v62  }
0x1c8: {  	v0 =	vmul.f32 v1, v0;
	[tilespmem:v52+s3+$0x0] =	vst.idx.add.f32.msk $0xffff, v3  }
0x1c9: {  	v3 =	vmul.f32 v51, v53;
	[tilespmem:v60+s3+$0x0] =	vst.idx.add.f32.msk $0xffff, v63  }
0x1ca: {  	[tilespmem:v56+s3+$0x0] =	vst.idx.add.f32.msk $0xffff, v0;
	v0 =	vmul.f32 v9, v53  }
0x1cb: {  	[tilespmem:v48+s11+$0x0] =	vst.idx.add.f32.msk $0xffff, v3;
	v3 =	vmul.f32 v53, v61  }
0x1cc: {  	[tilespmem:v52+s11+$0x0] =	vst.idx.add.f32.msk $0xffff, v0  }
0x1cd: {  	s9 =	simm.s32 $0x0;
	s10 =	simm.s32 $0x15C0;
	v2 =	vmul.f32 v53, v1;
	[tilespmem:v60+s11+$0x0] =	vst.idx.add.f32.msk $0xffff, v3  }
.LBB2_7:
0x1ce: {  	v0 =	vld [tilespmem:s10+$0x30]  }
0x1cf: {  	v4 =	vld [tilespmem:s10+$0xFFFFFFC0]  }
0x1d0: {  	v8 =	vld [tilespmem:s10+$0xFFFFFFD0]  }
0x1d1: {  	v13 =	vld [tilespmem:s10+$0xFFFFFFE0]  }
0x1d2: {  	v23 =	vld [tilespmem:s10+$0xFFFFFFF0]  }
0x1d3: {  	v34 =	vld [tilespmem:s10+$0x0]  }
0x1d4: {  	s23 =	sadd.s32 $0x80, s23;
	v36 =	vld [tilespmem:s10+$0x10]  }
0x1d5: {  	s24 =	sadd.s32 $0x80, s24;
	v3 =	vld [tilespmem:s23+$0x30]  }
0x1d6: {  	v5 =	vld [tilespmem:s24+$0x30]  }
0x1d7: {  	s25 =	sadd.s32 $0x80, s25;
	v6 =	vld [tilespmem:s23+$0xFFFFFFC0]  }
0x1d8: {  	v7 =	vld [tilespmem:s25+$0x30]  }
0x1d9: {  	s8 =	sadd.s32 $0x80, s8;
	v12 =	vld [tilespmem:s23+$0xFFFFFFD0]  }
0x1da: {  	v18 =	vld [tilespmem:s8+$0x30]  }
0x1db: {  	v19 =	vld [tilespmem:s23+$0xFFFFFFE0]  }
0x1dc: {  	v35 =	vld [tilespmem:s23+$0x0]  }
0x1dd: {  	v37 =	vld [tilespmem:s23+$0x10];
	v9 =	vsub.f32 $1.000000000e+00, v0;
	v10 =	vsub.f32 $1.000000000e+00, v3  }
0x1de: {  	v42 =	vld [tilespmem:s23+$0x20]  }
0x1df: {  	v30 =	vld [tilespmem:s25+$0xFFFFFFD0];
	v14 =	vadd.s32 $0x1, v5;
	v15 =	vmul.f32 v10, v9  }
0x1e0: {  	v31 =	vld [tilespmem:s8+$0xFFFFFFD0];
	v17 =	vadd.s32 $0xE0, v5;
	v10 =	vmul.f32 v10, v0  }
0x1e1: {  	v50 =	vld [tilespmem:s25+$0x20];
	v20 =	vadd.s32 $0xE1, v5;
	v9 =	vmul.f32 v3, v9;
	v21 =	vmul.f32 v15, v7  }
0x1e2: {  	v53 =	vld [tilespmem:s8+$0x20];
	v0 =	vmul.f32 v3, v0;
	v3 =	vmul.f32 v10, v7  }
0x1e3: {  	v54 =	vmul.f32 v9, v7;
	[tilespmem:v5+s3+$0x0] =	vst.idx.add.f32.msk $0xffff, v21  }
0x1e4: {  	[tilespmem:v14+s3+$0x0] =	vst.idx.add.f32.msk $0xffff, v3;
	v3 =	vmul.f32 v0, v7  }
0x1e5: {  	v55 =	vmul.f32 v15, v18;
	[tilespmem:v17+s3+$0x0] =	vst.idx.add.f32.msk $0xffff, v54  }
0x1e6: {  	[tilespmem:v20+s3+$0x0] =	vst.idx.add.f32.msk $0xffff, v3;
	v3 =	vmul.f32 v10, v18  }
0x1e7: {  	v11 =	vsub.f32 $1.000000000e+00, v4;
	v33 =	vmul.f32 v18, v9;
	[tilespmem:v5+s11+$0x0] =	vst.idx.add.f32.msk $0xffff, v55  }
0x1e8: {  	v22 =	vsub.f32 $1.000000000e+00, v8;
	v26 =	vsub.f32 $1.000000000e+00, v13;
	v0 =	vmul.f32 v18, v0;
	[tilespmem:v14+s11+$0x0] =	vst.idx.add.f32.msk $0xffff, v3  }
0x1e9: {  	v40 =	vsub.f32 $1.000000000e+00, v34;
	v16 =	vsub.f32 $1.000000000e+00, v6;
	v39 =	vmul.f32 v6, v4;
	[tilespmem:v17+s11+$0x0] =	vst.idx.add.f32.msk $0xffff, v33  }
0x1ea: {  	v25 =	vsub.f32 $1.000000000e+00, v12;
	v41 =	vmul.f32 v19, v13;
	v27 =	vmul.f32 v6, v11;
	[tilespmem:v20+s11+$0x0] =	vst.idx.add.f32.msk $0xffff, v0  }
0x1eb: {  	v32 =	vsub.f32 $1.000000000e+00, v23;
	v6 =	vmul.f32 v12, v8;
	v28 =	vmul.f32 v35, v40;
	v0 =	vld [tilespmem:s23+$0xFFFFFFF0]  }
0x1ec: {  	v1 =	vld [tilespmem:s24+$0xFFFFFFC0];
	v44 =	vsub.f32 $1.000000000e+00, v37;
	v24 =	vmul.f32 v16, v11;
	v57 =	vmul.f32 v25, v22  }
0x1ed: {  	v58 =	vsub.f32 $1.000000000e+00, v19;
	v59 =	vmul.f32 v25, v8;
	v25 =	vld [tilespmem:s25+$0xFFFFFFC0];
	v11 =	vmul.f32 v37, v36  }
0x1ee: {  	v43 =	vsub.f32 $1.000000000e+00, v35;
	v9 =	vmul.f32 v35, v34;
	v35 =	vmul.f32 v44, v36;
	v54 =	vld [tilespmem:s24+$0xFFFFFFD0]  }
0x1ef: {  	v29 =	vsub.f32 $1.000000000e+00, v36;
	v36 =	vld [tilespmem:s8+$0xFFFFFFE0];
	v3 =	vmul.f32 v58, v26;
	v14 =	vmul.f32 v58, v13  }
0x1f0: {  	v58 =	vld [tilespmem:s24+$0xFFFFFFF0];
	v17 =	vmul.f32 v19, v26;
	v19 =	vmul.f32 v43, v40;
	v38 =	vsub.f32 $1.000000000e+00, v0  }
0x1f1: {  	v18 =	vmul.f32 v0, v32;
	v7 =	vmul.f32 v0, v23;
	v0 =	vld [tilespmem:s10+$0x20]  }
0x1f2: {  	v26 =	vld [tilespmem:s8+$0xFFFFFFC0];
	v21 =	vmul.f32 v38, v32;
	v13 =	vmul.f32 v38, v23  }
0x1f3: {  	v40 =	vld [tilespmem:s8+$0xFFFFFFF0];
	v23 =	vmul.f32 v43, v34;
	v32 =	vmul.f32 v37, v29  }
0x1f4: {  	v34 =	vld [tilespmem:s25+$0xFFFFFFE0];
	v29 =	vmul.f32 v44, v29;
	v44 =	vmul.f32 v57, v30  }
0x1f5: {  	v45 =	vsub.f32 $1.000000000e+00, v42;
	v16 =	vmul.f32 v16, v4;
	v20 =	vld [tilespmem:s25+$0xFFFFFFF0];
	v38 =	vmul.f32 v24, v25  }
0x1f6: {  	v22 =	vmul.f32 v12, v22;
	[tilespmem:v54+s3+$0x0] =	vst.idx.add.f32.msk $0xffff, v44;
	v33 =	vsub.f32 $1.000000000e+00, v0;
	v12 =	vmul.f32 v42, v0  }
0x1f7: {  	v62 =	vadd.s32 $0x1, v54;
	[tilespmem:v1+s3+$0x0] =	vst.idx.add.f32.msk $0xffff, v38;
	v5 =	vmul.f32 v45, v0;
	v0 =	vmul.f32 v57, v31  }
0x1f8: {  	v15 =	vmul.f32 v3, v36;
	v57 =	vld [tilespmem:s24+$0xFFFFFFE0];
	v37 =	vmul.f32 v42, v33  }
0x1f9: {  	v4 =	vadd.s32 $0xE0, v54;
	[tilespmem:$0x1FEC0] =	vst v0;
	v0 =	vmul.f32 v59, v31;
	v51 =	vmul.f32 v3, v34;
	v3 =	vld [tilespmem:s24+$0x20]  }
0x1fa: {  	v33 =	vmul.f32 v45, v33;
	v45 =	vmul.f32 v59, v30;
	[tilespmem:v56+s11+$0x0] =	vst.idx.add.f32.msk $0xffff, v2  }
0x1fb: {  	v63 =	vadd.s32 $0xE1, v54;
	v42 =	vld [tilespmem:s25+$0x0];
	v59 =	vmul.f32 v21, v20;
	[tilespmem:$0x1FED0] =	vst v0  }
0x1fc: {  	v47 =	vmul.f32 v22, v30;
	[tilespmem:v62+s3+$0x0] =	vst.idx.add.f32.msk $0xffff, v45  }
0x1fd: {  	v38 =	vadd.s32 $0x1, v58;
	v0 =	vmul.f32 v31, v22;
	[tilespmem:v58+s3+$0x0] =	vst.idx.add.f32.msk $0xffff, v59  }
0x1fe: {  	v30 =	vmul.f32 v6, v30;
	[tilespmem:v4+s3+$0x0] =	vst.idx.add.f32.msk $0xffff, v47  }
0x1ff: {  	v56 =	vadd.s32 $0x1, v1;
	[tilespmem:$0x1FEE0] =	vst v0;
	v0 =	vmul.f32 v18, v20  }
0x200: {  	v22 =	vmul.f32 v13, v20;
	[tilespmem:v63+s3+$0x0] =	vst.idx.add.f32.msk $0xffff, v30  }
0x201: {  	v43 =	vld [tilespmem:s8+$0x0];
	[tilespmem:$0x1FEF0] =	vst v0;
	v0 =	vmul.f32 v21, v40  }
0x202: {  	v60 =	vmul.f32 v16, v25;
	[tilespmem:v38+s3+$0x0] =	vst.idx.add.f32.msk $0xffff, v22  }
0x203: {  	v46 =	vld [tilespmem:s25+$0x10];
	v44 =	vadd.s32 $0x1, v57;
	[tilespmem:$0x1FF00] =	vst v0;
	v0 =	vmul.f32 v19, v42  }
0x204: {  	[tilespmem:v56+s3+$0x0] =	vst.idx.add.f32.msk $0xffff, v60  }
0x205: {  	[tilespmem:$0x1FF10] =	vst v0;
	v0 =	vmul.f32 v23, v42  }
0x206: {  	v52 =	vmul.f32 v14, v34;
	[tilespmem:v57+s3+$0x0] =	vst.idx.add.f32.msk $0xffff, v51  }
0x207: {  	v49 =	vadd.s32 $0xE0, v57;
	[tilespmem:$0x1FF20] =	vst v0;
	v0 =	vmul.f32 v19, v43  }
0x208: {  	v47 =	vmul.f32 v33, v50;
	[tilespmem:v44+s3+$0x0] =	vst.idx.add.f32.msk $0xffff, v52  }
0x209: {  	v48 =	vld [tilespmem:s8+$0x10];
	[tilespmem:$0x1FF30] =	vst v0;
	v0 =	vmul.f32 v35, v46  }
0x20a: {  	v55 =	vmul.f32 v17, v34;
	[tilespmem:v3+s3+$0x0] =	vst.idx.add.f32.msk $0xffff, v47  }
0x20b: {  	v8 =	vld [tilespmem:s24+$0x10];
	v45 =	vadd.s32 $0xE1, v57;
	[tilespmem:$0x1FF40] =	vst v0;
	v0 =	vmul.f32 v5, v50  }
0x20c: {  	[tilespmem:v49+s3+$0x0] =	vst.idx.add.f32.msk $0xffff, v55  }
0x20d: {  	v61 =	vmul.f32 v27, v25;
	v10 =	vld [tilespmem:s24+$0x0];
	[tilespmem:$0x1FF50] =	vst v0;
	v0 =	vadd.s32 $0xE0, v1  }
0x20e: {  	v24 =	vmul.f32 v24, v26;
	v2 =	vadd.s32 $0xE1, v1;
	v34 =	vmul.f32 v41, v34;
	v55 =	vld [tilespmem:$0x1FEE0]  }
0x20f: {  	v25 =	vmul.f32 v39, v25;
	v14 =	vmul.f32 v14, v36;
	v60 =	vld [tilespmem:$0x1FF00]  }
0x210: {  	v59 =	vmul.f32 v37, v50;
	v37 =	vmul.f32 v53, v37;
	[tilespmem:v45+s3+$0x0] =	vst.idx.add.f32.msk $0xffff, v34  }
0x211: {  	v33 =	vmul.f32 v33, v53;
	v51 =	vmul.f32 v32, v46;
	[tilespmem:v57+s11+$0x0] =	vst.idx.add.f32.msk $0xffff, v15  }
0x212: {  	v32 =	vmul.f32 v48, v32;
	v19 =	vmul.f32 v29, v46;
	[tilespmem:v0+s3+$0x0] =	vst.idx.add.f32.msk $0xffff, v61  }
0x213: {  	v29 =	vmul.f32 v29, v48;
	v35 =	vmul.f32 v35, v48;
	[tilespmem:v2+s3+$0x0] =	vst.idx.add.f32.msk $0xffff, v25  }
0x214: {  	v5 =	vmul.f32 v5, v53;
	[tilespmem:v1+s11+$0x0] =	vst.idx.add.f32.msk $0xffff, v24;
	v24 =	vmul.f32 v11, v46  }
0x215: {  	v11 =	vmul.f32 v48, v11;
	v48 =	vmul.f32 v53, v12;
	v53 =	vld [tilespmem:$0x1FEC0]  }
0x216: {  	v17 =	vmul.f32 v36, v17;
	v57 =	vld [tilespmem:$0x1FEF0]  }
0x217: {  	v36 =	vmul.f32 v36, v41;
	[tilespmem:v44+s11+$0x0] =	vst.idx.add.f32.msk $0xffff, v14  }
0x218: {  	v6 =	vmul.f32 v31, v6;
	v31 =	vadd.s32 $0xE0, v58;
	[tilespmem:v49+s11+$0x0] =	vst.idx.add.f32.msk $0xffff, v17  }
0x219: {  	[tilespmem:v45+s11+$0x0] =	vst.idx.add.f32.msk $0xffff, v36  }
0x21a: {  	[tilespmem:v54+s11+$0x0] =	vst.idx.add.f32.msk $0xffff, v53  }
0x21b: {  	v54 =	vld [tilespmem:$0x1FED0]  }
0x21c: {  	[tilespmem:v8+s3+$0x0] =	vst.idx.add.f32.msk $0xffff, v19  }
0x21d: {  	v16 =	vmul.f32 v16, v26;
	[tilespmem:v31+s3+$0x0] =	vst.idx.add.f32.msk $0xffff, v57  }
0x21e: {  	v61 =	vld [tilespmem:$0x1FF10]  }
0x21f: {  	[tilespmem:v56+s11+$0x0] =	vst.idx.add.f32.msk $0xffff, v16  }
0x220: {  	v18 =	vmul.f32 v40, v18;
	v20 =	vmul.f32 v7, v20;
	[tilespmem:v62+s11+$0x0] =	vst.idx.add.f32.msk $0xffff, v54  }
0x221: {  	v7 =	vmul.f32 v40, v7;
	v21 =	vmul.f32 v13, v40;
	v40 =	vadd.s32 $0x1, v10;
	v62 =	vld [tilespmem:$0x1FF20]  }
0x222: {  	v25 =	vadd.s32 $0xE0, v10;
	[tilespmem:v4+s11+$0x0] =	vst.idx.add.f32.msk $0xffff, v55  }
0x223: {  	v1 =	vadd.s32 $0xE1, v10;
	[tilespmem:v63+s11+$0x0] =	vst.idx.add.f32.msk $0xffff, v6  }
0x224: {  	v63 =	vld [tilespmem:$0x1FF30]  }
0x225: {  	v13 =	vmul.f32 v28, v42;
	[tilespmem:v10+s3+$0x0] =	vst.idx.add.f32.msk $0xffff, v61  }
0x226: {  	v41 =	vmul.f32 v9, v42;
	[tilespmem:v40+s3+$0x0] =	vst.idx.add.f32.msk $0xffff, v62  }
0x227: {  	[tilespmem:v25+s3+$0x0] =	vst.idx.add.f32.msk $0xffff, v13  }
0x228: {  	v23 =	vmul.f32 v23, v43;
	[tilespmem:v1+s3+$0x0] =	vst.idx.add.f32.msk $0xffff, v41  }
0x229: {  	v27 =	vmul.f32 v26, v27;
	v28 =	vmul.f32 v43, v28;
	[tilespmem:v10+s11+$0x0] =	vst.idx.add.f32.msk $0xffff, v63  }
0x22a: {  	v26 =	vmul.f32 v26, v39;
	v39 =	vadd.s32 $0xE1, v58;
	v9 =	vmul.f32 v43, v9;
	[tilespmem:v40+s11+$0x0] =	vst.idx.add.f32.msk $0xffff, v23  }
0x22b: {  	[tilespmem:v25+s11+$0x0] =	vst.idx.add.f32.msk $0xffff, v28  }
0x22c: {  	[tilespmem:v1+s11+$0x0] =	vst.idx.add.f32.msk $0xffff, v9  }
0x22d: {  	v16 =	vadd.s32 $0x1, v8;
	v1 =	vld [tilespmem:$0x1FF40]  }
0x22e: {  	[tilespmem:v0+s11+$0x0] =	vst.idx.add.f32.msk $0xffff, v27;
	v0 =	vadd.s32 $0xE0, v8  }
0x22f: {  	[tilespmem:v39+s3+$0x0] =	vst.idx.add.f32.msk $0xffff, v20;
	v46 =	vmul.f32 v12, v50;
	v50 =	vadd.s32 $0xE1, v8  }
0x230: {  	[tilespmem:v58+s11+$0x0] =	vst.idx.add.f32.msk $0xffff, v60  }
0x231: {  	[tilespmem:v38+s11+$0x0] =	vst.idx.add.f32.msk $0xffff, v21  }
0x232: {  	[tilespmem:v16+s3+$0x0] =	vst.idx.add.f32.msk $0xffff, v1  }
0x233: {  	[tilespmem:v0+s3+$0x0] =	vst.idx.add.f32.msk $0xffff, v51  }
0x234: {  	[tilespmem:v50+s3+$0x0] =	vst.idx.add.f32.msk $0xffff, v24  }
0x235: {  	[tilespmem:v8+s11+$0x0] =	vst.idx.add.f32.msk $0xffff, v29  }
0x236: {  	[tilespmem:v16+s11+$0x0] =	vst.idx.add.f32.msk $0xffff, v35  }
0x237: {  	[tilespmem:v0+s11+$0x0] =	vst.idx.add.f32.msk $0xffff, v32  }
0x238: {  	v52 =	vadd.s32 $0x1, v3;
	v0 =	vld [tilespmem:$0x1FF50]  }
0x239: {  	[tilespmem:v2+s11+$0x0] =	vst.idx.add.f32.msk $0xffff, v26;
	v2 =	vadd.s32 $0xE0, v3  }
0x23a: {  	[tilespmem:v31+s11+$0x0] =	vst.idx.add.f32.msk $0xffff, v18;
	v56 =	vadd.s32 $0xE1, v3  }
0x23b: {  	[tilespmem:v39+s11+$0x0] =	vst.idx.add.f32.msk $0xffff, v7  }
0x23c: {  	s9 =	sadd.s32 $0x8, s9;
	[tilespmem:v50+s11+$0x0] =	vst.idx.add.f32.msk $0xffff, v11  }
0x23d: {  	p1 =	slt.u32 s9, $0x30;
	[tilespmem:v52+s3+$0x0] =	vst.idx.add.f32.msk $0xffff, v0  }
.Ltmp3:
0x23e: {  	[tilespmem:v2+s3+$0x0] =	vst.idx.add.f32.msk $0xffff, v59;
	(pc) =	sbr.rel @p1 .LBB2_7-.Ltmp3, $4  }
0x23f: {  	[tilespmem:v56+s3+$0x0] =	vst.idx.add.f32.msk $0xffff, v46  }
0x240: {  	[tilespmem:v3+s11+$0x0] =	vst.idx.add.f32.msk $0xffff, v33  }
0x241: {  	[tilespmem:v52+s11+$0x0] =	vst.idx.add.f32.msk $0xffff, v5  }
0x242: {  	s10 =	sadd.s32 $0x80, s10;
	[tilespmem:v2+s11+$0x0] =	vst.idx.add.f32.msk $0xffff, v37;
	v2 =	vmov v48  }
0x243: {  	_ = 	snop  }
0x244: {  	s8 =	sadd.s32 @!p0 $0x1180, s22  }
0x245: {  	s9 =	sadd.s32 @!p0 s16, s8  }
0x246: {  	s9 =	sshrl.u32 @!p0 s9, $0x3  }
0x247: {  	[tilespmem:v56+s11+$0x0] =	vst.idx.add.f32.msk $0xffff, v2;
	s23 =	simm.s32 @!p0 $0x0;
	s24 =	simm.s32 @!p0 $0x1180;
	s10 =	sadd.s32 @!p0 s4, s9  }
0x248: {  	[tilespmem:s24], [sflag:$0x2] =	stream.linear.gather @!p0 [hbm4b:s10+s23], $0x380, $0x38;
	[tilespmem:$0x1D000] =	vst v63  }
0x249: {  	s10 =	sadd.s32 @!p0 s5, s9;
	s24 =	simm.s32 @!p0 $0x1500  }
0x24a: {  	[tilespmem:s24], [sflag:$0x2] =	stream.linear.gather @!p0 [hbm4b:s10+s23], $0x380, $0x38;
	[tilespmem:$0x1D000] =	vst v63  }
0x24b: {  	s9 =	sadd.s32 @!p0 s6, s9;
	s10 =	sadd.s32 @!p0 s17, s8;
	s24 =	simm.s32 @!p0 $0x1880  }
0x24c: {  	[tilespmem:s24], [sflag:$0x2] =	stream.linear.gather @!p0 [hbm4b:s9+s23], $0x380, $0x38;
	[tilespmem:$0x1D000] =	vst v63  }
0x24d: {  	s8 =	sadd.s32 @!p0 s20, s8;
	s9 =	sshrl.u32 @!p0 s10, $0x3  }
0x24e: {  	s8 =	sshrl.u32 @!p0 s8, $0x3;
	s10 =	simm.s32 @!p0 $0x1C00;
	s9 =	sadd.s32 @!p0 s1, s9  }
0x24f: {  	[tilespmem:s10], [sflag:$0x2] =	stream.linear.gather @!p0 [hbm4b:s9+s23], $0x380, $0x38;
	[tilespmem:$0x1D000] =	vst v63  }
0x250: {  	s8 =	sadd.s32 @!p0 s1, s8;
	s9 =	simm.s32 @!p0 $0x1F80  }
0x251: {  	[tilespmem:s9], [sflag:$0x2] =	stream.linear.gather @!p0 [hbm4b:s8+s23], $0x380, $0x38;
	[tilespmem:$0x1D000] =	vst v63  }
0x252: {  	_ =	swait.ge [sflag:s13], $0x1180  }
0x253: {  	[sflag:s13] =	ssyncset.done $0x0  }
0x254: {  	s10 =	simm.s32 $0x26C0;
	[sflag:s13] =	ssyncadd.s32 $0xFFFFEE80  }
0x255: {  	s23 =	simm.s32 $0x2A40;
	v0 =	vld [tilespmem:s10+$0x30]  }
0x256: {  	s24 =	simm.s32 $0x2340;
	v1 =	vld [tilespmem:s23+$0x30]  }
0x257: {  	s25 =	simm.s32 $0x2DC0;
	v2 =	vld [tilespmem:s24+$0x30]  }
0x258: {  	v3 =	vld [tilespmem:s25+$0x30]  }
0x259: {  	v6 =	vld [tilespmem:s10+$0xFFFFFFC0]  }
0x25a: {  	v7 =	vld [tilespmem:s23+$0xFFFFFFC0]  }
0x25b: {  	s8 =	simm.s32 $0x3140;
	v10 =	vld [tilespmem:s10+$0xFFFFFFD0]  }
0x25c: {  	v12 =	vld [tilespmem:s8+$0x30]  }
0x25d: {  	v15 =	vld [tilespmem:s23+$0xFFFFFFD0]  }
0x25e: {  	v35 =	vld [tilespmem:s10+$0xFFFFFFE0]  }
0x25f: {  	v40 =	vld [tilespmem:s8+$0xFFFFFFC0]  }
0x260: {  	v43 =	vld [tilespmem:s25+$0xFFFFFFD0]  }
0x261: {  	v45 =	vld [tilespmem:s24+$0xFFFFFFD0]  }
0x262: {  	v46 =	vld [tilespmem:s10+$0xFFFFFFF0];
	v4 =	vsub.f32 $1.000000000e+00, v0;
	v5 =	vsub.f32 $1.000000000e+00, v1  }
0x263: {  	v48 =	vld [tilespmem:s23+$0xFFFFFFF0]  }
0x264: {  	v55 =	vld [tilespmem:s25+$0xFFFFFFE0];
	v8 =	vadd.s32 $0x1, v2;
	v9 =	vmul.f32 v5, v4  }
0x265: {  	v56 =	vld [tilespmem:s24+$0xFFFFFFE0];
	v11 =	vadd.s32 $0xE0, v2;
	v5 =	vmul.f32 v5, v0  }
0x266: {  	v59 =	vld [tilespmem:s10+$0x0];
	v13 =	vadd.s32 $0xE1, v2;
	v4 =	vmul.f32 v1, v4;
	v14 =	vmul.f32 v9, v3  }
0x267: {  	v61 =	vld [tilespmem:s23+$0x0];
	v0 =	vmul.f32 v1, v0;
	v1 =	vmul.f32 v5, v3  }
0x268: {  	v33 =	vmul.f32 v4, v3;
	[tilespmem:v2+s3+$0x0] =	vst.idx.add.f32.msk $0xffff, v14  }
0x269: {  	[tilespmem:v8+s3+$0x0] =	vst.idx.add.f32.msk $0xffff, v1;
	v1 =	vmul.f32 v0, v3  }
0x26a: {  	[tilespmem:v11+s3+$0x0] =	vst.idx.add.f32.msk $0xffff, v33  }
0x26b: {  	v3 =	vmul.f32 v9, v12;
	[tilespmem:v13+s3+$0x0] =	vst.idx.add.f32.msk $0xffff, v1  }
0x26c: {  	v1 =	vld [tilespmem:s24+$0xFFFFFFC0]  }
0x26d: {  	[tilespmem:v2+s11+$0x0] =	vst.idx.add.f32.msk $0xffff, v3  }
0x26e: {  	v3 =	vld [tilespmem:s25+$0xFFFFFFC0]  }
0x26f: {  	v19 =	vld [tilespmem:s25+$0xFFFFFFF0];
	v34 =	vsub.f32 $1.000000000e+00, v6;
	v36 =	vsub.f32 $1.000000000e+00, v7;
	v2 =	vmul.f32 v5, v12  }
0x270: {  	v21 =	vld [tilespmem:s24+$0xFFFFFFF0];
	v4 =	vmul.f32 v12, v4  }
0x271: {  	v37 =	vmul.f32 v36, v34;
	v0 =	vmul.f32 v12, v0;
	[tilespmem:v8+s11+$0x0] =	vst.idx.add.f32.msk $0xffff, v2  }
0x272: {  	[tilespmem:v11+s11+$0x0] =	vst.idx.add.f32.msk $0xffff, v4  }
0x273: {  	v38 =	vadd.s32 $0x1, v1;
	[tilespmem:v13+s11+$0x0] =	vst.idx.add.f32.msk $0xffff, v0;
	v0 =	vmul.f32 v37, v3  }
0x274: {  	v24 =	vld [tilespmem:s10+$0x10];
	v14 =	vmul.f32 v36, v6;
	v39 =	vadd.s32 $0xE0, v1  }
0x275: {  	v5 =	vmul.f32 v7, v34;
	[tilespmem:v1+s3+$0x0] =	vst.idx.add.f32.msk $0xffff, v0;
	v0 =	vadd.s32 $0xE1, v1  }
0x276: {  	v26 =	vld [tilespmem:s23+$0x10];
	v6 =	vmul.f32 v7, v6;
	v41 =	vmul.f32 v14, v3  }
0x277: {  	v31 =	vld [tilespmem:s10+$0x20];
	v42 =	vmul.f32 v5, v3  }
0x278: {  	v3 =	vmul.f32 v6, v3;
	[tilespmem:v38+s3+$0x0] =	vst.idx.add.f32.msk $0xffff, v41  }
0x279: {  	v44 =	vmul.f32 v37, v40;
	[tilespmem:v39+s3+$0x0] =	vst.idx.add.f32.msk $0xffff, v42  }
0x27a: {  	[tilespmem:v0+s3+$0x0] =	vst.idx.add.f32.msk $0xffff, v3;
	v3 =	vmul.f32 v14, v40  }
0x27b: {  	v5 =	vmul.f32 v40, v5;
	[tilespmem:v1+s11+$0x0] =	vst.idx.add.f32.msk $0xffff, v44  }
0x27c: {  	v47 =	vsub.f32 $1.000000000e+00, v15;
	v6 =	vmul.f32 v40, v6;
	v1 =	vsub.f32 $1.000000000e+00, v10;
	[tilespmem:v38+s11+$0x0] =	vst.idx.add.f32.msk $0xffff, v3  }
0x27d: {  	[tilespmem:v39+s11+$0x0] =	vst.idx.add.f32.msk $0xffff, v5  }
0x27e: {  	v49 =	vadd.s32 $0x1, v45;
	v3 =	vmul.f32 v47, v1;
	[tilespmem:v0+s11+$0x0] =	vst.idx.add.f32.msk $0xffff, v6  }
0x27f: {  	v51 =	vadd.s32 $0xE0, v45;
	v14 =	vmul.f32 v47, v10;
	v0 =	vmul.f32 v15, v1;
	v1 =	vld [tilespmem:s8+$0xFFFFFFD0]  }
0x280: {  	v32 =	vld [tilespmem:s24+$0x0];
	v53 =	vadd.s32 $0xE1, v45;
	v50 =	vmul.f32 v3, v43  }
0x281: {  	v2 =	vld [tilespmem:s23+$0xFFFFFFE0];
	v10 =	vmul.f32 v15, v10;
	v52 =	vmul.f32 v14, v43  }
0x282: {  	v54 =	vmul.f32 v0, v43;
	[tilespmem:v45+s3+$0x0] =	vst.idx.add.f32.msk $0xffff, v50  }
0x283: {  	v13 =	vmul.f32 v10, v43;
	[tilespmem:v49+s3+$0x0] =	vst.idx.add.f32.msk $0xffff, v52  }
0x284: {  	[tilespmem:v51+s3+$0x0] =	vst.idx.add.f32.msk $0xffff, v54;
	v3 =	vmul.f32 v3, v1  }
0x285: {  	[tilespmem:v53+s3+$0x0] =	vst.idx.add.f32.msk $0xffff, v13  }
0x286: {  	v58 =	vsub.f32 $1.000000000e+00, v2;
	v57 =	vmul.f32 v14, v1;
	[tilespmem:v45+s11+$0x0] =	vst.idx.add.f32.msk $0xffff, v3;
	v3 =	vsub.f32 $1.000000000e+00, v35  }
0x287: {  	v33 =	vld [tilespmem:s25+$0x0];
	v0 =	vmul.f32 v1, v0  }
0x288: {  	v1 =	vmul.f32 v1, v10;
	[tilespmem:v49+s11+$0x0] =	vst.idx.add.f32.msk $0xffff, v57;
	v60 =	vmul.f32 v58, v3  }
0x289: {  	[tilespmem:v51+s11+$0x0] =	vst.idx.add.f32.msk $0xffff, v0  }
0x28a: {  	v62 =	vadd.s32 $0x1, v56;
	[tilespmem:v53+s11+$0x0] =	vst.idx.add.f32.msk $0xffff, v1;
	v0 =	vmul.f32 v60, v55  }
0x28b: {  	v63 =	vadd.s32 $0xE0, v56;
	v8 =	vmul.f32 v58, v35;
	v1 =	vmul.f32 v2, v3;
	v3 =	vld [tilespmem:s8+$0xFFFFFFE0]  }
0x28c: {  	[tilespmem:v56+s3+$0x0] =	vst.idx.add.f32.msk $0xffff, v0;
	v0 =	vadd.s32 $0xE1, v56  }
0x28d: {  	v41 =	vld [tilespmem:s24+$0x10];
	v17 =	vmul.f32 v8, v55;
	v2 =	vmul.f32 v2, v35  }
0x28e: {  	v42 =	vld [tilespmem:s25+$0x10];
	v18 =	vmul.f32 v1, v55  }
0x28f: {  	v6 =	vmul.f32 v2, v55;
	[tilespmem:v62+s3+$0x0] =	vst.idx.add.f32.msk $0xffff, v17  }
0x290: {  	[tilespmem:v63+s3+$0x0] =	vst.idx.add.f32.msk $0xffff, v18;
	v20 =	vmul.f32 v60, v3  }
0x291: {  	v23 =	vsub.f32 $1.000000000e+00, v46;
	v25 =	vsub.f32 $1.000000000e+00, v48;
	v22 =	vmul.f32 v8, v3;
	[tilespmem:v0+s3+$0x0] =	vst.idx.add.f32.msk $0xffff, v6  }
0x292: {  	v1 =	vmul.f32 v3, v1;
	[tilespmem:v56+s11+$0x0] =	vst.idx.add.f32.msk $0xffff, v20  }
0x293: {  	v27 =	vmul.f32 v25, v23;
	v2 =	vmul.f32 v3, v2;
	[tilespmem:v62+s11+$0x0] =	vst.idx.add.f32.msk $0xffff, v22  }
0x294: {  	[tilespmem:v63+s11+$0x0] =	vst.idx.add.f32.msk $0xffff, v1  }
0x295: {  	v3 =	vadd.s32 $0x1, v21;
	v1 =	vmul.f32 v27, v19;
	[tilespmem:v0+s11+$0x0] =	vst.idx.add.f32.msk $0xffff, v2  }
0x296: {  	v28 =	vadd.s32 $0xE0, v21;
	v15 =	vmul.f32 v25, v46;
	v2 =	vld [tilespmem:s8+$0xFFFFFFF0]  }
0x297: {  	v0 =	vmul.f32 v48, v23;
	[tilespmem:v21+s3+$0x0] =	vst.idx.add.f32.msk $0xffff, v1;
	v1 =	vadd.s32 $0xE1, v21  }
0x298: {  	v7 =	vmul.f32 v48, v46;
	v46 =	vld [tilespmem:s8+$0x10];
	v29 =	vmul.f32 v15, v19  }
0x299: {  	v53 =	vld [tilespmem:s8+$0x20];
	v30 =	vmul.f32 v0, v19  }
0x29a: {  	v4 =	vmul.f32 v7, v19;
	[tilespmem:v3+s3+$0x0] =	vst.idx.add.f32.msk $0xffff, v29  }
0x29b: {  	[tilespmem:v28+s3+$0x0] =	vst.idx.add.f32.msk $0xffff, v30;
	v10 =	vmul.f32 v27, v2  }
0x29c: {  	v34 =	vsub.f32 $1.000000000e+00, v59;
	v35 =	vsub.f32 $1.000000000e+00, v61;
	v15 =	vmul.f32 v15, v2;
	[tilespmem:v1+s3+$0x0] =	vst.idx.add.f32.msk $0xffff, v4  }
0x29d: {  	v0 =	vmul.f32 v2, v0;
	[tilespmem:v21+s11+$0x0] =	vst.idx.add.f32.msk $0xffff, v10  }
0x29e: {  	v36 =	vmul.f32 v35, v34;
	v2 =	vmul.f32 v2, v7;
	[tilespmem:v3+s11+$0x0] =	vst.idx.add.f32.msk $0xffff, v15  }
0x29f: {  	[tilespmem:v28+s11+$0x0] =	vst.idx.add.f32.msk $0xffff, v0  }
0x2a0: {  	v37 =	vadd.s32 $0x1, v32;
	v0 =	vmul.f32 v36, v33;
	[tilespmem:v1+s11+$0x0] =	vst.idx.add.f32.msk $0xffff, v2  }
0x2a1: {  	v38 =	vadd.s32 $0xE0, v32;
	v11 =	vmul.f32 v35, v59;
	v2 =	vld [tilespmem:s8+$0x0]  }
0x2a2: {  	v1 =	vmul.f32 v61, v34;
	[tilespmem:v32+s3+$0x0] =	vst.idx.add.f32.msk $0xffff, v0;
	v0 =	vadd.s32 $0xE1, v32  }
0x2a3: {  	v13 =	vmul.f32 v61, v59;
	v39 =	vmul.f32 v11, v33;
	v48 =	vld [tilespmem:s24+$0x20]  }
0x2a4: {  	v3 =	vld [tilespmem:s23+$0x20];
	v40 =	vmul.f32 v1, v33  }
0x2a5: {  	v4 =	vmul.f32 v13, v33;
	[tilespmem:v37+s3+$0x0] =	vst.idx.add.f32.msk $0xffff, v39  }
0x2a6: {  	v44 =	vsub.f32 $1.000000000e+00, v26;
	v43 =	vsub.f32 $1.000000000e+00, v24;
	[tilespmem:v38+s3+$0x0] =	vst.idx.add.f32.msk $0xffff, v40;
	v15 =	vmul.f32 v36, v2  }
0x2a7: {  	v11 =	vmul.f32 v11, v2;
	[tilespmem:v0+s3+$0x0] =	vst.idx.add.f32.msk $0xffff, v4  }
0x2a8: {  	v47 =	vadd.s32 $0x1, v41;
	v45 =	vmul.f32 v44, v43;
	v1 =	vmul.f32 v2, v1;
	[tilespmem:v32+s11+$0x0] =	vst.idx.add.f32.msk $0xffff, v15  }
0x2a9: {  	v12 =	vmul.f32 v44, v24;
	v2 =	vmul.f32 v2, v13;
	[tilespmem:v37+s11+$0x0] =	vst.idx.add.f32.msk $0xffff, v11  }
0x2aa: {  	v49 =	vadd.s32 $0xE0, v41;
	[tilespmem:v38+s11+$0x0] =	vst.idx.add.f32.msk $0xffff, v1;
	v1 =	vmul.f32 v45, v42  }
0x2ab: {  	v16 =	vadd.s32 $0xE1, v41;
	v4 =	vmul.f32 v26, v43;
	[tilespmem:v0+s11+$0x0] =	vst.idx.add.f32.msk $0xffff, v2;
	v0 =	vmul.f32 v12, v42  }
0x2ac: {  	v6 =	vmul.f32 v26, v24;
	[tilespmem:v41+s3+$0x0] =	vst.idx.add.f32.msk $0xffff, v1  }
0x2ad: {  	v1 =	vmul.f32 v4, v42;
	[tilespmem:v47+s3+$0x0] =	vst.idx.add.f32.msk $0xffff, v0  }
0x2ae: {  	v9 =	vmul.f32 v6, v42;
	v0 =	vld [tilespmem:s25+$0x20]  }
0x2af: {  	v7 =	vmul.f32 v45, v46;
	v50 =	vsub.f32 $1.000000000e+00, v3;
	[tilespmem:v49+s3+$0x0] =	vst.idx.add.f32.msk $0xffff, v1;
	v1 =	vsub.f32 $1.000000000e+00, v31  }
0x2b0: {  	v12 =	vmul.f32 v12, v46;
	[tilespmem:v16+s3+$0x0] =	vst.idx.add.f32.msk $0xffff, v9  }
0x2b1: {  	v52 =	vadd.s32 $0x1, v48;
	v4 =	vmul.f32 v46, v4;
	[tilespmem:v41+s11+$0x0] =	vst.idx.add.f32.msk $0xffff, v7;
	v51 =	vmul.f32 v50, v1  }
0x2b2: {  	v6 =	vmul.f32 v46, v6;
	v60 =	vadd.s32 $0xE0, v48;
	v9 =	vmul.f32 v50, v31;
	[tilespmem:v47+s11+$0x0] =	vst.idx.add.f32.msk $0xffff, v12  }
0x2b3: {  	v56 =	vadd.s32 $0xE1, v48;
	v61 =	vmul.f32 v3, v1;
	[tilespmem:v49+s11+$0x0] =	vst.idx.add.f32.msk $0xffff, v4;
	v62 =	vmul.f32 v51, v0  }
0x2b4: {  	v1 =	vmul.f32 v3, v31;
	v3 =	vmul.f32 v9, v0;
	[tilespmem:v16+s11+$0x0] =	vst.idx.add.f32.msk $0xffff, v6  }
0x2b5: {  	v63 =	vmul.f32 v61, v0;
	[tilespmem:v48+s3+$0x0] =	vst.idx.add.f32.msk $0xffff, v62  }
0x2b6: {  	v0 =	vmul.f32 v1, v0;
	[tilespmem:v52+s3+$0x0] =	vst.idx.add.f32.msk $0xffff, v3  }
0x2b7: {  	v3 =	vmul.f32 v51, v53;
	[tilespmem:v60+s3+$0x0] =	vst.idx.add.f32.msk $0xffff, v63  }
0x2b8: {  	[tilespmem:v56+s3+$0x0] =	vst.idx.add.f32.msk $0xffff, v0;
	v0 =	vmul.f32 v9, v53  }
0x2b9: {  	[tilespmem:v48+s11+$0x0] =	vst.idx.add.f32.msk $0xffff, v3;
	v3 =	vmul.f32 v53, v61  }
0x2ba: {  	[tilespmem:v52+s11+$0x0] =	vst.idx.add.f32.msk $0xffff, v0  }
0x2bb: {  	s9 =	simm.s32 $0x0;
	s10 =	simm.s32 $0x2740;
	v2 =	vmul.f32 v53, v1;
	[tilespmem:v60+s11+$0x0] =	vst.idx.add.f32.msk $0xffff, v3  }
.LBB2_9:
0x2bc: {  	v0 =	vld [tilespmem:s10+$0x30]  }
0x2bd: {  	v4 =	vld [tilespmem:s10+$0xFFFFFFC0]  }
0x2be: {  	v8 =	vld [tilespmem:s10+$0xFFFFFFD0]  }
0x2bf: {  	v13 =	vld [tilespmem:s10+$0xFFFFFFE0]  }
0x2c0: {  	v23 =	vld [tilespmem:s10+$0xFFFFFFF0]  }
0x2c1: {  	v34 =	vld [tilespmem:s10+$0x0]  }
0x2c2: {  	s23 =	sadd.s32 $0x80, s23;
	v36 =	vld [tilespmem:s10+$0x10]  }
0x2c3: {  	s24 =	sadd.s32 $0x80, s24;
	v3 =	vld [tilespmem:s23+$0x30]  }
0x2c4: {  	v5 =	vld [tilespmem:s24+$0x30]  }
0x2c5: {  	s25 =	sadd.s32 $0x80, s25;
	v6 =	vld [tilespmem:s23+$0xFFFFFFC0]  }
0x2c6: {  	v7 =	vld [tilespmem:s25+$0x30]  }
0x2c7: {  	s8 =	sadd.s32 $0x80, s8;
	v12 =	vld [tilespmem:s23+$0xFFFFFFD0]  }
0x2c8: {  	v18 =	vld [tilespmem:s8+$0x30]  }
0x2c9: {  	v19 =	vld [tilespmem:s23+$0xFFFFFFE0]  }
0x2ca: {  	v35 =	vld [tilespmem:s23+$0x0]  }
0x2cb: {  	v37 =	vld [tilespmem:s23+$0x10];
	v9 =	vsub.f32 $1.000000000e+00, v0;
	v10 =	vsub.f32 $1.000000000e+00, v3  }
0x2cc: {  	v42 =	vld [tilespmem:s23+$0x20]  }
0x2cd: {  	v30 =	vld [tilespmem:s25+$0xFFFFFFD0];
	v14 =	vadd.s32 $0x1, v5;
	v15 =	vmul.f32 v10, v9  }
0x2ce: {  	v31 =	vld [tilespmem:s8+$0xFFFFFFD0];
	v17 =	vadd.s32 $0xE0, v5;
	v10 =	vmul.f32 v10, v0  }
0x2cf: {  	v50 =	vld [tilespmem:s25+$0x20];
	v20 =	vadd.s32 $0xE1, v5;
	v9 =	vmul.f32 v3, v9;
	v21 =	vmul.f32 v15, v7  }
0x2d0: {  	v53 =	vld [tilespmem:s8+$0x20];
	v0 =	vmul.f32 v3, v0;
	v3 =	vmul.f32 v10, v7  }
0x2d1: {  	v54 =	vmul.f32 v9, v7;
	[tilespmem:v5+s3+$0x0] =	vst.idx.add.f32.msk $0xffff, v21  }
0x2d2: {  	[tilespmem:v14+s3+$0x0] =	vst.idx.add.f32.msk $0xffff, v3;
	v3 =	vmul.f32 v0, v7  }
0x2d3: {  	v55 =	vmul.f32 v15, v18;
	[tilespmem:v17+s3+$0x0] =	vst.idx.add.f32.msk $0xffff, v54  }
0x2d4: {  	[tilespmem:v20+s3+$0x0] =	vst.idx.add.f32.msk $0xffff, v3;
	v3 =	vmul.f32 v10, v18  }
0x2d5: {  	v11 =	vsub.f32 $1.000000000e+00, v4;
	v33 =	vmul.f32 v18, v9;
	[tilespmem:v5+s11+$0x0] =	vst.idx.add.f32.msk $0xffff, v55  }
0x2d6: {  	v22 =	vsub.f32 $1.000000000e+00, v8;
	v26 =	vsub.f32 $1.000000000e+00, v13;
	v0 =	vmul.f32 v18, v0;
	[tilespmem:v14+s11+$0x0] =	vst.idx.add.f32.msk $0xffff, v3  }
0x2d7: {  	v40 =	vsub.f32 $1.000000000e+00, v34;
	v16 =	vsub.f32 $1.000000000e+00, v6;
	v39 =	vmul.f32 v6, v4;
	[tilespmem:v17+s11+$0x0] =	vst.idx.add.f32.msk $0xffff, v33  }
0x2d8: {  	v25 =	vsub.f32 $1.000000000e+00, v12;
	v41 =	vmul.f32 v19, v13;
	v27 =	vmul.f32 v6, v11;
	[tilespmem:v20+s11+$0x0] =	vst.idx.add.f32.msk $0xffff, v0  }
0x2d9: {  	v32 =	vsub.f32 $1.000000000e+00, v23;
	v6 =	vmul.f32 v12, v8;
	v28 =	vmul.f32 v35, v40;
	v0 =	vld [tilespmem:s23+$0xFFFFFFF0]  }
0x2da: {  	v1 =	vld [tilespmem:s24+$0xFFFFFFC0];
	v44 =	vsub.f32 $1.000000000e+00, v37;
	v24 =	vmul.f32 v16, v11;
	v57 =	vmul.f32 v25, v22  }
0x2db: {  	v58 =	vsub.f32 $1.000000000e+00, v19;
	v59 =	vmul.f32 v25, v8;
	v25 =	vld [tilespmem:s25+$0xFFFFFFC0];
	v11 =	vmul.f32 v37, v36  }
0x2dc: {  	v43 =	vsub.f32 $1.000000000e+00, v35;
	v9 =	vmul.f32 v35, v34;
	v35 =	vmul.f32 v44, v36;
	v54 =	vld [tilespmem:s24+$0xFFFFFFD0]  }
0x2dd: {  	v29 =	vsub.f32 $1.000000000e+00, v36;
	v36 =	vld [tilespmem:s8+$0xFFFFFFE0];
	v3 =	vmul.f32 v58, v26;
	v14 =	vmul.f32 v58, v13  }
0x2de: {  	v58 =	vld [tilespmem:s24+$0xFFFFFFF0];
	v17 =	vmul.f32 v19, v26;
	v19 =	vmul.f32 v43, v40;
	v38 =	vsub.f32 $1.000000000e+00, v0  }
0x2df: {  	v18 =	vmul.f32 v0, v32;
	v7 =	vmul.f32 v0, v23;
	v0 =	vld [tilespmem:s10+$0x20]  }
0x2e0: {  	v26 =	vld [tilespmem:s8+$0xFFFFFFC0];
	v21 =	vmul.f32 v38, v32;
	v13 =	vmul.f32 v38, v23  }
0x2e1: {  	v40 =	vld [tilespmem:s8+$0xFFFFFFF0];
	v23 =	vmul.f32 v43, v34;
	v32 =	vmul.f32 v37, v29  }
0x2e2: {  	v34 =	vld [tilespmem:s25+$0xFFFFFFE0];
	v29 =	vmul.f32 v44, v29;
	v44 =	vmul.f32 v57, v30  }
0x2e3: {  	v45 =	vsub.f32 $1.000000000e+00, v42;
	v16 =	vmul.f32 v16, v4;
	v20 =	vld [tilespmem:s25+$0xFFFFFFF0];
	v38 =	vmul.f32 v24, v25  }
0x2e4: {  	v22 =	vmul.f32 v12, v22;
	[tilespmem:v54+s3+$0x0] =	vst.idx.add.f32.msk $0xffff, v44;
	v33 =	vsub.f32 $1.000000000e+00, v0;
	v12 =	vmul.f32 v42, v0  }
0x2e5: {  	v62 =	vadd.s32 $0x1, v54;
	[tilespmem:v1+s3+$0x0] =	vst.idx.add.f32.msk $0xffff, v38;
	v5 =	vmul.f32 v45, v0;
	v0 =	vmul.f32 v57, v31  }
0x2e6: {  	v15 =	vmul.f32 v3, v36;
	v57 =	vld [tilespmem:s24+$0xFFFFFFE0];
	v37 =	vmul.f32 v42, v33  }
0x2e7: {  	v4 =	vadd.s32 $0xE0, v54;
	[tilespmem:$0x1FE20] =	vst v0;
	v0 =	vmul.f32 v59, v31;
	v51 =	vmul.f32 v3, v34;
	v3 =	vld [tilespmem:s24+$0x20]  }
0x2e8: {  	v33 =	vmul.f32 v45, v33;
	v45 =	vmul.f32 v59, v30;
	[tilespmem:v56+s11+$0x0] =	vst.idx.add.f32.msk $0xffff, v2  }
0x2e9: {  	v63 =	vadd.s32 $0xE1, v54;
	v42 =	vld [tilespmem:s25+$0x0];
	v59 =	vmul.f32 v21, v20;
	[tilespmem:$0x1FE30] =	vst v0  }
0x2ea: {  	v47 =	vmul.f32 v22, v30;
	[tilespmem:v62+s3+$0x0] =	vst.idx.add.f32.msk $0xffff, v45  }
0x2eb: {  	v38 =	vadd.s32 $0x1, v58;
	v0 =	vmul.f32 v31, v22;
	[tilespmem:v58+s3+$0x0] =	vst.idx.add.f32.msk $0xffff, v59  }
0x2ec: {  	v30 =	vmul.f32 v6, v30;
	[tilespmem:v4+s3+$0x0] =	vst.idx.add.f32.msk $0xffff, v47  }
0x2ed: {  	v56 =	vadd.s32 $0x1, v1;
	[tilespmem:$0x1FE40] =	vst v0;
	v0 =	vmul.f32 v18, v20  }
0x2ee: {  	v22 =	vmul.f32 v13, v20;
	[tilespmem:v63+s3+$0x0] =	vst.idx.add.f32.msk $0xffff, v30  }
0x2ef: {  	v43 =	vld [tilespmem:s8+$0x0];
	[tilespmem:$0x1FE50] =	vst v0;
	v0 =	vmul.f32 v21, v40  }
0x2f0: {  	v60 =	vmul.f32 v16, v25;
	[tilespmem:v38+s3+$0x0] =	vst.idx.add.f32.msk $0xffff, v22  }
0x2f1: {  	v46 =	vld [tilespmem:s25+$0x10];
	v44 =	vadd.s32 $0x1, v57;
	[tilespmem:$0x1FE60] =	vst v0;
	v0 =	vmul.f32 v19, v42  }
0x2f2: {  	[tilespmem:v56+s3+$0x0] =	vst.idx.add.f32.msk $0xffff, v60  }
0x2f3: {  	[tilespmem:$0x1FE70] =	vst v0;
	v0 =	vmul.f32 v23, v42  }
0x2f4: {  	v52 =	vmul.f32 v14, v34;
	[tilespmem:v57+s3+$0x0] =	vst.idx.add.f32.msk $0xffff, v51  }
0x2f5: {  	v49 =	vadd.s32 $0xE0, v57;
	[tilespmem:$0x1FE80] =	vst v0;
	v0 =	vmul.f32 v19, v43  }
0x2f6: {  	v47 =	vmul.f32 v33, v50;
	[tilespmem:v44+s3+$0x0] =	vst.idx.add.f32.msk $0xffff, v52  }
0x2f7: {  	v48 =	vld [tilespmem:s8+$0x10];
	[tilespmem:$0x1FE90] =	vst v0;
	v0 =	vmul.f32 v35, v46  }
0x2f8: {  	v55 =	vmul.f32 v17, v34;
	[tilespmem:v3+s3+$0x0] =	vst.idx.add.f32.msk $0xffff, v47  }
0x2f9: {  	v8 =	vld [tilespmem:s24+$0x10];
	v45 =	vadd.s32 $0xE1, v57;
	[tilespmem:$0x1FEA0] =	vst v0;
	v0 =	vmul.f32 v5, v50  }
0x2fa: {  	[tilespmem:v49+s3+$0x0] =	vst.idx.add.f32.msk $0xffff, v55  }
0x2fb: {  	v61 =	vmul.f32 v27, v25;
	v10 =	vld [tilespmem:s24+$0x0];
	[tilespmem:$0x1FEB0] =	vst v0;
	v0 =	vadd.s32 $0xE0, v1  }
0x2fc: {  	v24 =	vmul.f32 v24, v26;
	v2 =	vadd.s32 $0xE1, v1;
	v34 =	vmul.f32 v41, v34;
	v55 =	vld [tilespmem:$0x1FE40]  }
0x2fd: {  	v25 =	vmul.f32 v39, v25;
	v14 =	vmul.f32 v14, v36;
	v60 =	vld [tilespmem:$0x1FE60]  }
0x2fe: {  	v59 =	vmul.f32 v37, v50;
	v37 =	vmul.f32 v53, v37;
	[tilespmem:v45+s3+$0x0] =	vst.idx.add.f32.msk $0xffff, v34  }
0x2ff: {  	v33 =	vmul.f32 v33, v53;
	v51 =	vmul.f32 v32, v46;
	[tilespmem:v57+s11+$0x0] =	vst.idx.add.f32.msk $0xffff, v15  }
0x300: {  	v32 =	vmul.f32 v48, v32;
	v19 =	vmul.f32 v29, v46;
	[tilespmem:v0+s3+$0x0] =	vst.idx.add.f32.msk $0xffff, v61  }
0x301: {  	v29 =	vmul.f32 v29, v48;
	v35 =	vmul.f32 v35, v48;
	[tilespmem:v2+s3+$0x0] =	vst.idx.add.f32.msk $0xffff, v25  }
0x302: {  	v5 =	vmul.f32 v5, v53;
	[tilespmem:v1+s11+$0x0] =	vst.idx.add.f32.msk $0xffff, v24;
	v24 =	vmul.f32 v11, v46  }
0x303: {  	v11 =	vmul.f32 v48, v11;
	v48 =	vmul.f32 v53, v12;
	v53 =	vld [tilespmem:$0x1FE20]  }
0x304: {  	v17 =	vmul.f32 v36, v17;
	v57 =	vld [tilespmem:$0x1FE50]  }
0x305: {  	v36 =	vmul.f32 v36, v41;
	[tilespmem:v44+s11+$0x0] =	vst.idx.add.f32.msk $0xffff, v14  }
0x306: {  	v6 =	vmul.f32 v31, v6;
	v31 =	vadd.s32 $0xE0, v58;
	[tilespmem:v49+s11+$0x0] =	vst.idx.add.f32.msk $0xffff, v17  }
0x307: {  	[tilespmem:v45+s11+$0x0] =	vst.idx.add.f32.msk $0xffff, v36  }
0x308: {  	[tilespmem:v54+s11+$0x0] =	vst.idx.add.f32.msk $0xffff, v53  }
0x309: {  	v54 =	vld [tilespmem:$0x1FE30]  }
0x30a: {  	[tilespmem:v8+s3+$0x0] =	vst.idx.add.f32.msk $0xffff, v19  }
0x30b: {  	v16 =	vmul.f32 v16, v26;
	[tilespmem:v31+s3+$0x0] =	vst.idx.add.f32.msk $0xffff, v57  }
0x30c: {  	v61 =	vld [tilespmem:$0x1FE70]  }
0x30d: {  	[tilespmem:v56+s11+$0x0] =	vst.idx.add.f32.msk $0xffff, v16  }
0x30e: {  	v18 =	vmul.f32 v40, v18;
	v20 =	vmul.f32 v7, v20;
	[tilespmem:v62+s11+$0x0] =	vst.idx.add.f32.msk $0xffff, v54  }
0x30f: {  	v7 =	vmul.f32 v40, v7;
	v21 =	vmul.f32 v13, v40;
	v40 =	vadd.s32 $0x1, v10;
	v62 =	vld [tilespmem:$0x1FE80]  }
0x310: {  	v25 =	vadd.s32 $0xE0, v10;
	[tilespmem:v4+s11+$0x0] =	vst.idx.add.f32.msk $0xffff, v55  }
0x311: {  	v1 =	vadd.s32 $0xE1, v10;
	[tilespmem:v63+s11+$0x0] =	vst.idx.add.f32.msk $0xffff, v6  }
0x312: {  	v63 =	vld [tilespmem:$0x1FE90]  }
0x313: {  	v13 =	vmul.f32 v28, v42;
	[tilespmem:v10+s3+$0x0] =	vst.idx.add.f32.msk $0xffff, v61  }
0x314: {  	v41 =	vmul.f32 v9, v42;
	[tilespmem:v40+s3+$0x0] =	vst.idx.add.f32.msk $0xffff, v62  }
0x315: {  	[tilespmem:v25+s3+$0x0] =	vst.idx.add.f32.msk $0xffff, v13  }
0x316: {  	v23 =	vmul.f32 v23, v43;
	[tilespmem:v1+s3+$0x0] =	vst.idx.add.f32.msk $0xffff, v41  }
0x317: {  	v27 =	vmul.f32 v26, v27;
	v28 =	vmul.f32 v43, v28;
	[tilespmem:v10+s11+$0x0] =	vst.idx.add.f32.msk $0xffff, v63  }
0x318: {  	v26 =	vmul.f32 v26, v39;
	v39 =	vadd.s32 $0xE1, v58;
	v9 =	vmul.f32 v43, v9;
	[tilespmem:v40+s11+$0x0] =	vst.idx.add.f32.msk $0xffff, v23  }
0x319: {  	[tilespmem:v25+s11+$0x0] =	vst.idx.add.f32.msk $0xffff, v28  }
0x31a: {  	[tilespmem:v1+s11+$0x0] =	vst.idx.add.f32.msk $0xffff, v9  }
0x31b: {  	v16 =	vadd.s32 $0x1, v8;
	v1 =	vld [tilespmem:$0x1FEA0]  }
0x31c: {  	[tilespmem:v0+s11+$0x0] =	vst.idx.add.f32.msk $0xffff, v27;
	v0 =	vadd.s32 $0xE0, v8  }
0x31d: {  	[tilespmem:v39+s3+$0x0] =	vst.idx.add.f32.msk $0xffff, v20;
	v46 =	vmul.f32 v12, v50;
	v50 =	vadd.s32 $0xE1, v8  }
0x31e: {  	[tilespmem:v58+s11+$0x0] =	vst.idx.add.f32.msk $0xffff, v60  }
0x31f: {  	[tilespmem:v38+s11+$0x0] =	vst.idx.add.f32.msk $0xffff, v21  }
0x320: {  	[tilespmem:v16+s3+$0x0] =	vst.idx.add.f32.msk $0xffff, v1  }
0x321: {  	[tilespmem:v0+s3+$0x0] =	vst.idx.add.f32.msk $0xffff, v51  }
0x322: {  	[tilespmem:v50+s3+$0x0] =	vst.idx.add.f32.msk $0xffff, v24  }
0x323: {  	[tilespmem:v8+s11+$0x0] =	vst.idx.add.f32.msk $0xffff, v29  }
0x324: {  	[tilespmem:v16+s11+$0x0] =	vst.idx.add.f32.msk $0xffff, v35  }
0x325: {  	[tilespmem:v0+s11+$0x0] =	vst.idx.add.f32.msk $0xffff, v32  }
0x326: {  	v52 =	vadd.s32 $0x1, v3;
	v0 =	vld [tilespmem:$0x1FEB0]  }
0x327: {  	[tilespmem:v2+s11+$0x0] =	vst.idx.add.f32.msk $0xffff, v26;
	v2 =	vadd.s32 $0xE0, v3  }
0x328: {  	[tilespmem:v31+s11+$0x0] =	vst.idx.add.f32.msk $0xffff, v18;
	v56 =	vadd.s32 $0xE1, v3  }
0x329: {  	[tilespmem:v39+s11+$0x0] =	vst.idx.add.f32.msk $0xffff, v7  }
0x32a: {  	s9 =	sadd.s32 $0x8, s9;
	[tilespmem:v50+s11+$0x0] =	vst.idx.add.f32.msk $0xffff, v11  }
0x32b: {  	p1 =	slt.u32 s9, $0x30;
	[tilespmem:v52+s3+$0x0] =	vst.idx.add.f32.msk $0xffff, v0  }
.Ltmp4:
0x32c: {  	[tilespmem:v2+s3+$0x0] =	vst.idx.add.f32.msk $0xffff, v59;
	(pc) =	sbr.rel @p1 .LBB2_9-.Ltmp4, $4  }
0x32d: {  	[tilespmem:v56+s3+$0x0] =	vst.idx.add.f32.msk $0xffff, v46  }
0x32e: {  	[tilespmem:v3+s11+$0x0] =	vst.idx.add.f32.msk $0xffff, v33  }
0x32f: {  	[tilespmem:v52+s11+$0x0] =	vst.idx.add.f32.msk $0xffff, v5  }
0x330: {  	s10 =	sadd.s32 $0x80, s10;
	[tilespmem:v2+s11+$0x0] =	vst.idx.add.f32.msk $0xffff, v37;
	v2 =	vmov v48  }
0x331: {  	_ = 	snop  }
0x332: {  	s8 =	sadd.s32 @!p0 $0x1500, s22  }
0x333: {  	s9 =	sadd.s32 @!p0 s16, s8  }
0x334: {  	s9 =	sshrl.u32 @!p0 s9, $0x3  }
0x335: {  	[tilespmem:v56+s11+$0x0] =	vst.idx.add.f32.msk $0xffff, v2;
	s22 =	simm.s32 @!p0 $0x0;
	s23 =	simm.s32 @!p0 $0x2300;
	s10 =	sadd.s32 @!p0 s4, s9  }
0x336: {  	[tilespmem:s23], [sflag:$0x3] =	stream.linear.gather @!p0 [hbm4b:s10+s22], $0x380, $0x38;
	[tilespmem:$0x1D000] =	vst v63  }
0x337: {  	s10 =	sadd.s32 @!p0 s5, s9;
	s23 =	simm.s32 @!p0 $0x2680  }
0x338: {  	[tilespmem:s23], [sflag:$0x3] =	stream.linear.gather @!p0 [hbm4b:s10+s22], $0x380, $0x38;
	[tilespmem:$0x1D000] =	vst v63  }
0x339: {  	s9 =	sadd.s32 @!p0 s6, s9;
	s10 =	sadd.s32 @!p0 s17, s8;
	s23 =	simm.s32 @!p0 $0x2A00  }
0x33a: {  	[tilespmem:s23], [sflag:$0x3] =	stream.linear.gather @!p0 [hbm4b:s9+s22], $0x380, $0x38;
	[tilespmem:$0x1D000] =	vst v63  }
0x33b: {  	s8 =	sadd.s32 @!p0 s20, s8;
	s9 =	sshrl.u32 @!p0 s10, $0x3  }
0x33c: {  	s8 =	sshrl.u32 @!p0 s8, $0x3;
	s10 =	simm.s32 @!p0 $0x2D80;
	s9 =	sadd.s32 @!p0 s1, s9  }
0x33d: {  	[tilespmem:s10], [sflag:$0x3] =	stream.linear.gather @!p0 [hbm4b:s9+s22], $0x380, $0x38;
	[tilespmem:$0x1D000] =	vst v63  }
0x33e: {  	s8 =	sadd.s32 @!p0 s1, s8;
	s9 =	simm.s32 @!p0 $0x3100  }
0x33f: {  	[tilespmem:s9], [sflag:$0x3] =	stream.linear.gather @!p0 [hbm4b:s8+s22], $0x380, $0x38;
	[tilespmem:$0x1D000] =	vst v63  }
0x340: {  	_ =	swait.ge [sflag:s14], $0x1180  }
0x341: {  	[sflag:s14] =	ssyncset.done $0x0  }
0x342: {  	s25 =	simm.s32 $0x3840;
	[sflag:s14] =	ssyncadd.s32 $0xFFFFEE80  }
0x343: {  	s22 =	simm.s32 $0x3BC0;
	v0 =	vld [tilespmem:s25+$0x30]  }
0x344: {  	s23 =	simm.s32 $0x34C0;
	v1 =	vld [tilespmem:s22+$0x30]  }
0x345: {  	s24 =	simm.s32 $0x3F40;
	v2 =	vld [tilespmem:s23+$0x30]  }
0x346: {  	v3 =	vld [tilespmem:s24+$0x30]  }
0x347: {  	v6 =	vld [tilespmem:s25+$0xFFFFFFC0]  }
0x348: {  	v7 =	vld [tilespmem:s22+$0xFFFFFFC0]  }
0x349: {  	s8 =	simm.s32 $0x42C0;
	v10 =	vld [tilespmem:s25+$0xFFFFFFD0]  }
0x34a: {  	v12 =	vld [tilespmem:s8+$0x30]  }
0x34b: {  	v15 =	vld [tilespmem:s22+$0xFFFFFFD0]  }
0x34c: {  	v35 =	vld [tilespmem:s25+$0xFFFFFFE0]  }
0x34d: {  	v40 =	vld [tilespmem:s8+$0xFFFFFFC0]  }
0x34e: {  	v43 =	vld [tilespmem:s24+$0xFFFFFFD0]  }
0x34f: {  	v45 =	vld [tilespmem:s23+$0xFFFFFFD0]  }
0x350: {  	v46 =	vld [tilespmem:s25+$0xFFFFFFF0];
	v4 =	vsub.f32 $1.000000000e+00, v0;
	v5 =	vsub.f32 $1.000000000e+00, v1  }
0x351: {  	v48 =	vld [tilespmem:s22+$0xFFFFFFF0]  }
0x352: {  	v55 =	vld [tilespmem:s24+$0xFFFFFFE0];
	v8 =	vadd.s32 $0x1, v2;
	v9 =	vmul.f32 v5, v4  }
0x353: {  	v56 =	vld [tilespmem:s23+$0xFFFFFFE0];
	v11 =	vadd.s32 $0xE0, v2;
	v5 =	vmul.f32 v5, v0  }
0x354: {  	v59 =	vld [tilespmem:s25+$0x0];
	v13 =	vadd.s32 $0xE1, v2;
	v4 =	vmul.f32 v1, v4;
	v14 =	vmul.f32 v9, v3  }
0x355: {  	v61 =	vld [tilespmem:s22+$0x0];
	v0 =	vmul.f32 v1, v0;
	v1 =	vmul.f32 v5, v3  }
0x356: {  	v33 =	vmul.f32 v4, v3;
	[tilespmem:v2+s3+$0x0] =	vst.idx.add.f32.msk $0xffff, v14  }
0x357: {  	[tilespmem:v8+s3+$0x0] =	vst.idx.add.f32.msk $0xffff, v1;
	v1 =	vmul.f32 v0, v3  }
0x358: {  	[tilespmem:v11+s3+$0x0] =	vst.idx.add.f32.msk $0xffff, v33  }
0x359: {  	v3 =	vmul.f32 v9, v12;
	[tilespmem:v13+s3+$0x0] =	vst.idx.add.f32.msk $0xffff, v1  }
0x35a: {  	v1 =	vld [tilespmem:s23+$0xFFFFFFC0]  }
0x35b: {  	[tilespmem:v2+s11+$0x0] =	vst.idx.add.f32.msk $0xffff, v3  }
0x35c: {  	v3 =	vld [tilespmem:s24+$0xFFFFFFC0]  }
0x35d: {  	v19 =	vld [tilespmem:s24+$0xFFFFFFF0];
	v34 =	vsub.f32 $1.000000000e+00, v6;
	v36 =	vsub.f32 $1.000000000e+00, v7;
	v2 =	vmul.f32 v5, v12  }
0x35e: {  	v21 =	vld [tilespmem:s23+$0xFFFFFFF0];
	v4 =	vmul.f32 v12, v4  }
0x35f: {  	v37 =	vmul.f32 v36, v34;
	v0 =	vmul.f32 v12, v0;
	[tilespmem:v8+s11+$0x0] =	vst.idx.add.f32.msk $0xffff, v2  }
0x360: {  	[tilespmem:v11+s11+$0x0] =	vst.idx.add.f32.msk $0xffff, v4  }
0x361: {  	v38 =	vadd.s32 $0x1, v1;
	[tilespmem:v13+s11+$0x0] =	vst.idx.add.f32.msk $0xffff, v0;
	v0 =	vmul.f32 v37, v3  }
0x362: {  	v24 =	vld [tilespmem:s25+$0x10];
	v14 =	vmul.f32 v36, v6;
	v39 =	vadd.s32 $0xE0, v1  }
0x363: {  	v5 =	vmul.f32 v7, v34;
	[tilespmem:v1+s3+$0x0] =	vst.idx.add.f32.msk $0xffff, v0;
	v0 =	vadd.s32 $0xE1, v1  }
0x364: {  	v26 =	vld [tilespmem:s22+$0x10];
	v6 =	vmul.f32 v7, v6;
	v41 =	vmul.f32 v14, v3  }
0x365: {  	v31 =	vld [tilespmem:s25+$0x20];
	v42 =	vmul.f32 v5, v3  }
0x366: {  	v3 =	vmul.f32 v6, v3;
	[tilespmem:v38+s3+$0x0] =	vst.idx.add.f32.msk $0xffff, v41  }
0x367: {  	v44 =	vmul.f32 v37, v40;
	[tilespmem:v39+s3+$0x0] =	vst.idx.add.f32.msk $0xffff, v42  }
0x368: {  	[tilespmem:v0+s3+$0x0] =	vst.idx.add.f32.msk $0xffff, v3;
	v3 =	vmul.f32 v14, v40  }
0x369: {  	v5 =	vmul.f32 v40, v5;
	[tilespmem:v1+s11+$0x0] =	vst.idx.add.f32.msk $0xffff, v44  }
0x36a: {  	v47 =	vsub.f32 $1.000000000e+00, v15;
	v6 =	vmul.f32 v40, v6;
	v1 =	vsub.f32 $1.000000000e+00, v10;
	[tilespmem:v38+s11+$0x0] =	vst.idx.add.f32.msk $0xffff, v3  }
0x36b: {  	[tilespmem:v39+s11+$0x0] =	vst.idx.add.f32.msk $0xffff, v5  }
0x36c: {  	v49 =	vadd.s32 $0x1, v45;
	v3 =	vmul.f32 v47, v1;
	[tilespmem:v0+s11+$0x0] =	vst.idx.add.f32.msk $0xffff, v6  }
0x36d: {  	v51 =	vadd.s32 $0xE0, v45;
	v14 =	vmul.f32 v47, v10;
	v0 =	vmul.f32 v15, v1;
	v1 =	vld [tilespmem:s8+$0xFFFFFFD0]  }
0x36e: {  	v32 =	vld [tilespmem:s23+$0x0];
	v53 =	vadd.s32 $0xE1, v45;
	v50 =	vmul.f32 v3, v43  }
0x36f: {  	v2 =	vld [tilespmem:s22+$0xFFFFFFE0];
	v10 =	vmul.f32 v15, v10;
	v52 =	vmul.f32 v14, v43  }
0x370: {  	v54 =	vmul.f32 v0, v43;
	[tilespmem:v45+s3+$0x0] =	vst.idx.add.f32.msk $0xffff, v50  }
0x371: {  	v13 =	vmul.f32 v10, v43;
	[tilespmem:v49+s3+$0x0] =	vst.idx.add.f32.msk $0xffff, v52  }
0x372: {  	[tilespmem:v51+s3+$0x0] =	vst.idx.add.f32.msk $0xffff, v54;
	v3 =	vmul.f32 v3, v1  }
0x373: {  	[tilespmem:v53+s3+$0x0] =	vst.idx.add.f32.msk $0xffff, v13  }
0x374: {  	v58 =	vsub.f32 $1.000000000e+00, v2;
	v57 =	vmul.f32 v14, v1;
	[tilespmem:v45+s11+$0x0] =	vst.idx.add.f32.msk $0xffff, v3;
	v3 =	vsub.f32 $1.000000000e+00, v35  }
0x375: {  	v33 =	vld [tilespmem:s24+$0x0];
	v0 =	vmul.f32 v1, v0  }
0x376: {  	v1 =	vmul.f32 v1, v10;
	[tilespmem:v49+s11+$0x0] =	vst.idx.add.f32.msk $0xffff, v57;
	v60 =	vmul.f32 v58, v3  }
0x377: {  	[tilespmem:v51+s11+$0x0] =	vst.idx.add.f32.msk $0xffff, v0  }
0x378: {  	v62 =	vadd.s32 $0x1, v56;
	[tilespmem:v53+s11+$0x0] =	vst.idx.add.f32.msk $0xffff, v1;
	v0 =	vmul.f32 v60, v55  }
0x379: {  	v63 =	vadd.s32 $0xE0, v56;
	v8 =	vmul.f32 v58, v35;
	v1 =	vmul.f32 v2, v3;
	v3 =	vld [tilespmem:s8+$0xFFFFFFE0]  }
0x37a: {  	[tilespmem:v56+s3+$0x0] =	vst.idx.add.f32.msk $0xffff, v0;
	v0 =	vadd.s32 $0xE1, v56  }
0x37b: {  	v41 =	vld [tilespmem:s23+$0x10];
	v17 =	vmul.f32 v8, v55;
	v2 =	vmul.f32 v2, v35  }
0x37c: {  	v42 =	vld [tilespmem:s24+$0x10];
	v18 =	vmul.f32 v1, v55  }
0x37d: {  	v6 =	vmul.f32 v2, v55;
	[tilespmem:v62+s3+$0x0] =	vst.idx.add.f32.msk $0xffff, v17  }
0x37e: {  	[tilespmem:v63+s3+$0x0] =	vst.idx.add.f32.msk $0xffff, v18;
	v20 =	vmul.f32 v60, v3  }
0x37f: {  	v23 =	vsub.f32 $1.000000000e+00, v46;
	v25 =	vsub.f32 $1.000000000e+00, v48;
	v22 =	vmul.f32 v8, v3;
	[tilespmem:v0+s3+$0x0] =	vst.idx.add.f32.msk $0xffff, v6  }
0x380: {  	v1 =	vmul.f32 v3, v1;
	[tilespmem:v56+s11+$0x0] =	vst.idx.add.f32.msk $0xffff, v20  }
0x381: {  	v27 =	vmul.f32 v25, v23;
	v2 =	vmul.f32 v3, v2;
	[tilespmem:v62+s11+$0x0] =	vst.idx.add.f32.msk $0xffff, v22  }
0x382: {  	[tilespmem:v63+s11+$0x0] =	vst.idx.add.f32.msk $0xffff, v1  }
0x383: {  	v3 =	vadd.s32 $0x1, v21;
	v1 =	vmul.f32 v27, v19;
	[tilespmem:v0+s11+$0x0] =	vst.idx.add.f32.msk $0xffff, v2  }
0x384: {  	v28 =	vadd.s32 $0xE0, v21;
	v15 =	vmul.f32 v25, v46;
	v2 =	vld [tilespmem:s8+$0xFFFFFFF0]  }
0x385: {  	v0 =	vmul.f32 v48, v23;
	[tilespmem:v21+s3+$0x0] =	vst.idx.add.f32.msk $0xffff, v1;
	v1 =	vadd.s32 $0xE1, v21  }
0x386: {  	v7 =	vmul.f32 v48, v46;
	v46 =	vld [tilespmem:s8+$0x10];
	v29 =	vmul.f32 v15, v19  }
0x387: {  	v53 =	vld [tilespmem:s8+$0x20];
	v30 =	vmul.f32 v0, v19  }
0x388: {  	v4 =	vmul.f32 v7, v19;
	[tilespmem:v3+s3+$0x0] =	vst.idx.add.f32.msk $0xffff, v29  }
0x389: {  	[tilespmem:v28+s3+$0x0] =	vst.idx.add.f32.msk $0xffff, v30;
	v10 =	vmul.f32 v27, v2  }
0x38a: {  	v34 =	vsub.f32 $1.000000000e+00, v59;
	v35 =	vsub.f32 $1.000000000e+00, v61;
	v15 =	vmul.f32 v15, v2;
	[tilespmem:v1+s3+$0x0] =	vst.idx.add.f32.msk $0xffff, v4  }
0x38b: {  	v0 =	vmul.f32 v2, v0;
	[tilespmem:v21+s11+$0x0] =	vst.idx.add.f32.msk $0xffff, v10  }
0x38c: {  	v36 =	vmul.f32 v35, v34;
	v2 =	vmul.f32 v2, v7;
	[tilespmem:v3+s11+$0x0] =	vst.idx.add.f32.msk $0xffff, v15  }
0x38d: {  	[tilespmem:v28+s11+$0x0] =	vst.idx.add.f32.msk $0xffff, v0  }
0x38e: {  	v37 =	vadd.s32 $0x1, v32;
	v0 =	vmul.f32 v36, v33;
	[tilespmem:v1+s11+$0x0] =	vst.idx.add.f32.msk $0xffff, v2  }
0x38f: {  	v38 =	vadd.s32 $0xE0, v32;
	v11 =	vmul.f32 v35, v59;
	v2 =	vld [tilespmem:s8+$0x0]  }
0x390: {  	v1 =	vmul.f32 v61, v34;
	[tilespmem:v32+s3+$0x0] =	vst.idx.add.f32.msk $0xffff, v0;
	v0 =	vadd.s32 $0xE1, v32  }
0x391: {  	v13 =	vmul.f32 v61, v59;
	v39 =	vmul.f32 v11, v33;
	v48 =	vld [tilespmem:s23+$0x20]  }
0x392: {  	v3 =	vld [tilespmem:s22+$0x20];
	v40 =	vmul.f32 v1, v33  }
0x393: {  	v4 =	vmul.f32 v13, v33;
	[tilespmem:v37+s3+$0x0] =	vst.idx.add.f32.msk $0xffff, v39  }
0x394: {  	v44 =	vsub.f32 $1.000000000e+00, v26;
	v43 =	vsub.f32 $1.000000000e+00, v24;
	[tilespmem:v38+s3+$0x0] =	vst.idx.add.f32.msk $0xffff, v40;
	v15 =	vmul.f32 v36, v2  }
0x395: {  	v11 =	vmul.f32 v11, v2;
	[tilespmem:v0+s3+$0x0] =	vst.idx.add.f32.msk $0xffff, v4  }
0x396: {  	v47 =	vadd.s32 $0x1, v41;
	v45 =	vmul.f32 v44, v43;
	v1 =	vmul.f32 v2, v1;
	[tilespmem:v32+s11+$0x0] =	vst.idx.add.f32.msk $0xffff, v15  }
0x397: {  	v12 =	vmul.f32 v44, v24;
	v2 =	vmul.f32 v2, v13;
	[tilespmem:v37+s11+$0x0] =	vst.idx.add.f32.msk $0xffff, v11  }
0x398: {  	v49 =	vadd.s32 $0xE0, v41;
	[tilespmem:v38+s11+$0x0] =	vst.idx.add.f32.msk $0xffff, v1;
	v1 =	vmul.f32 v45, v42  }
0x399: {  	v16 =	vadd.s32 $0xE1, v41;
	v4 =	vmul.f32 v26, v43;
	[tilespmem:v0+s11+$0x0] =	vst.idx.add.f32.msk $0xffff, v2;
	v0 =	vmul.f32 v12, v42  }
0x39a: {  	v6 =	vmul.f32 v26, v24;
	[tilespmem:v41+s3+$0x0] =	vst.idx.add.f32.msk $0xffff, v1  }
0x39b: {  	v1 =	vmul.f32 v4, v42;
	[tilespmem:v47+s3+$0x0] =	vst.idx.add.f32.msk $0xffff, v0  }
0x39c: {  	v9 =	vmul.f32 v6, v42;
	v0 =	vld [tilespmem:s24+$0x20]  }
0x39d: {  	v7 =	vmul.f32 v45, v46;
	v50 =	vsub.f32 $1.000000000e+00, v3;
	[tilespmem:v49+s3+$0x0] =	vst.idx.add.f32.msk $0xffff, v1;
	v1 =	vsub.f32 $1.000000000e+00, v31  }
0x39e: {  	v12 =	vmul.f32 v12, v46;
	[tilespmem:v16+s3+$0x0] =	vst.idx.add.f32.msk $0xffff, v9  }
0x39f: {  	v52 =	vadd.s32 $0x1, v48;
	v4 =	vmul.f32 v46, v4;
	[tilespmem:v41+s11+$0x0] =	vst.idx.add.f32.msk $0xffff, v7;
	v51 =	vmul.f32 v50, v1  }
0x3a0: {  	v6 =	vmul.f32 v46, v6;
	v60 =	vadd.s32 $0xE0, v48;
	v9 =	vmul.f32 v50, v31;
	[tilespmem:v47+s11+$0x0] =	vst.idx.add.f32.msk $0xffff, v12  }
0x3a1: {  	v56 =	vadd.s32 $0xE1, v48;
	v61 =	vmul.f32 v3, v1;
	[tilespmem:v49+s11+$0x0] =	vst.idx.add.f32.msk $0xffff, v4;
	v62 =	vmul.f32 v51, v0  }
0x3a2: {  	v1 =	vmul.f32 v3, v31;
	v3 =	vmul.f32 v9, v0;
	[tilespmem:v16+s11+$0x0] =	vst.idx.add.f32.msk $0xffff, v6  }
0x3a3: {  	v63 =	vmul.f32 v61, v0;
	[tilespmem:v48+s3+$0x0] =	vst.idx.add.f32.msk $0xffff, v62  }
0x3a4: {  	v0 =	vmul.f32 v1, v0;
	[tilespmem:v52+s3+$0x0] =	vst.idx.add.f32.msk $0xffff, v3  }
0x3a5: {  	v3 =	vmul.f32 v51, v53;
	[tilespmem:v60+s3+$0x0] =	vst.idx.add.f32.msk $0xffff, v63  }
0x3a6: {  	[tilespmem:v56+s3+$0x0] =	vst.idx.add.f32.msk $0xffff, v0;
	v0 =	vmul.f32 v9, v53  }
0x3a7: {  	[tilespmem:v48+s11+$0x0] =	vst.idx.add.f32.msk $0xffff, v3;
	v3 =	vmul.f32 v53, v61  }
0x3a8: {  	[tilespmem:v52+s11+$0x0] =	vst.idx.add.f32.msk $0xffff, v0  }
0x3a9: {  	s10 =	simm.s32 $0x38C0;
	s9 =	simm.s32 $0x0;
	v2 =	vmul.f32 v53, v1;
	[tilespmem:v60+s11+$0x0] =	vst.idx.add.f32.msk $0xffff, v3  }
.LBB2_11:
0x3aa: {  	v0 =	vld [tilespmem:s10+$0x30]  }
0x3ab: {  	v4 =	vld [tilespmem:s10+$0xFFFFFFC0]  }
0x3ac: {  	v8 =	vld [tilespmem:s10+$0xFFFFFFD0]  }
0x3ad: {  	v13 =	vld [tilespmem:s10+$0xFFFFFFE0]  }
0x3ae: {  	v23 =	vld [tilespmem:s10+$0xFFFFFFF0]  }
0x3af: {  	v34 =	vld [tilespmem:s10+$0x0]  }
0x3b0: {  	s22 =	sadd.s32 $0x80, s22;
	v36 =	vld [tilespmem:s10+$0x10]  }
0x3b1: {  	s23 =	sadd.s32 $0x80, s23;
	v3 =	vld [tilespmem:s22+$0x30]  }
0x3b2: {  	v5 =	vld [tilespmem:s23+$0x30]  }
0x3b3: {  	s24 =	sadd.s32 $0x80, s24;
	v6 =	vld [tilespmem:s22+$0xFFFFFFC0]  }
0x3b4: {  	v7 =	vld [tilespmem:s24+$0x30]  }
0x3b5: {  	s8 =	sadd.s32 $0x80, s8;
	v12 =	vld [tilespmem:s22+$0xFFFFFFD0]  }
0x3b6: {  	v18 =	vld [tilespmem:s8+$0x30]  }
0x3b7: {  	v19 =	vld [tilespmem:s22+$0xFFFFFFE0]  }
0x3b8: {  	v35 =	vld [tilespmem:s22+$0x0]  }
0x3b9: {  	v37 =	vld [tilespmem:s22+$0x10];
	v9 =	vsub.f32 $1.000000000e+00, v0;
	v10 =	vsub.f32 $1.000000000e+00, v3  }
0x3ba: {  	v42 =	vld [tilespmem:s22+$0x20]  }
0x3bb: {  	v30 =	vld [tilespmem:s24+$0xFFFFFFD0];
	v14 =	vadd.s32 $0x1, v5;
	v15 =	vmul.f32 v10, v9  }
0x3bc: {  	v31 =	vld [tilespmem:s8+$0xFFFFFFD0];
	v17 =	vadd.s32 $0xE0, v5;
	v10 =	vmul.f32 v10, v0  }
0x3bd: {  	v50 =	vld [tilespmem:s24+$0x20];
	v20 =	vadd.s32 $0xE1, v5;
	v9 =	vmul.f32 v3, v9;
	v21 =	vmul.f32 v15, v7  }
0x3be: {  	v53 =	vld [tilespmem:s8+$0x20];
	v0 =	vmul.f32 v3, v0;
	v3 =	vmul.f32 v10, v7  }
0x3bf: {  	v54 =	vmul.f32 v9, v7;
	[tilespmem:v5+s3+$0x0] =	vst.idx.add.f32.msk $0xffff, v21  }
0x3c0: {  	[tilespmem:v14+s3+$0x0] =	vst.idx.add.f32.msk $0xffff, v3;
	v3 =	vmul.f32 v0, v7  }
0x3c1: {  	v55 =	vmul.f32 v15, v18;
	[tilespmem:v17+s3+$0x0] =	vst.idx.add.f32.msk $0xffff, v54  }
0x3c2: {  	[tilespmem:v20+s3+$0x0] =	vst.idx.add.f32.msk $0xffff, v3;
	v3 =	vmul.f32 v10, v18  }
0x3c3: {  	v11 =	vsub.f32 $1.000000000e+00, v4;
	v33 =	vmul.f32 v18, v9;
	[tilespmem:v5+s11+$0x0] =	vst.idx.add.f32.msk $0xffff, v55  }
0x3c4: {  	v22 =	vsub.f32 $1.000000000e+00, v8;
	v26 =	vsub.f32 $1.000000000e+00, v13;
	v0 =	vmul.f32 v18, v0;
	[tilespmem:v14+s11+$0x0] =	vst.idx.add.f32.msk $0xffff, v3  }
0x3c5: {  	v40 =	vsub.f32 $1.000000000e+00, v34;
	v16 =	vsub.f32 $1.000000000e+00, v6;
	v39 =	vmul.f32 v6, v4;
	[tilespmem:v17+s11+$0x0] =	vst.idx.add.f32.msk $0xffff, v33  }
0x3c6: {  	v25 =	vsub.f32 $1.000000000e+00, v12;
	v41 =	vmul.f32 v19, v13;
	v27 =	vmul.f32 v6, v11;
	[tilespmem:v20+s11+$0x0] =	vst.idx.add.f32.msk $0xffff, v0  }
0x3c7: {  	v32 =	vsub.f32 $1.000000000e+00, v23;
	v6 =	vmul.f32 v12, v8;
	v28 =	vmul.f32 v35, v40;
	v0 =	vld [tilespmem:s22+$0xFFFFFFF0]  }
0x3c8: {  	v1 =	vld [tilespmem:s23+$0xFFFFFFC0];
	v44 =	vsub.f32 $1.000000000e+00, v37;
	v24 =	vmul.f32 v16, v11;
	v57 =	vmul.f32 v25, v22  }
0x3c9: {  	v58 =	vsub.f32 $1.000000000e+00, v19;
	v59 =	vmul.f32 v25, v8;
	v25 =	vld [tilespmem:s24+$0xFFFFFFC0];
	v11 =	vmul.f32 v37, v36  }
0x3ca: {  	v43 =	vsub.f32 $1.000000000e+00, v35;
	v9 =	vmul.f32 v35, v34;
	v35 =	vmul.f32 v44, v36;
	v54 =	vld [tilespmem:s23+$0xFFFFFFD0]  }
0x3cb: {  	v29 =	vsub.f32 $1.000000000e+00, v36;
	v36 =	vld [tilespmem:s8+$0xFFFFFFE0];
	v3 =	vmul.f32 v58, v26;
	v14 =	vmul.f32 v58, v13  }
0x3cc: {  	v58 =	vld [tilespmem:s23+$0xFFFFFFF0];
	v17 =	vmul.f32 v19, v26;
	v19 =	vmul.f32 v43, v40;
	v38 =	vsub.f32 $1.000000000e+00, v0  }
0x3cd: {  	v18 =	vmul.f32 v0, v32;
	v7 =	vmul.f32 v0, v23;
	v0 =	vld [tilespmem:s10+$0x20]  }
0x3ce: {  	v26 =	vld [tilespmem:s8+$0xFFFFFFC0];
	v21 =	vmul.f32 v38, v32;
	v13 =	vmul.f32 v38, v23  }
0x3cf: {  	v40 =	vld [tilespmem:s8+$0xFFFFFFF0];
	v23 =	vmul.f32 v43, v34;
	v32 =	vmul.f32 v37, v29  }
0x3d0: {  	v34 =	vld [tilespmem:s24+$0xFFFFFFE0];
	v29 =	vmul.f32 v44, v29;
	v44 =	vmul.f32 v57, v30  }
0x3d1: {  	v45 =	vsub.f32 $1.000000000e+00, v42;
	v16 =	vmul.f32 v16, v4;
	v20 =	vld [tilespmem:s24+$0xFFFFFFF0];
	v38 =	vmul.f32 v24, v25  }
0x3d2: {  	v22 =	vmul.f32 v12, v22;
	[tilespmem:v54+s3+$0x0] =	vst.idx.add.f32.msk $0xffff, v44;
	v33 =	vsub.f32 $1.000000000e+00, v0;
	v12 =	vmul.f32 v42, v0  }
0x3d3: {  	v62 =	vadd.s32 $0x1, v54;
	[tilespmem:v1+s3+$0x0] =	vst.idx.add.f32.msk $0xffff, v38;
	v5 =	vmul.f32 v45, v0;
	v0 =	vmul.f32 v57, v31  }
0x3d4: {  	v15 =	vmul.f32 v3, v36;
	v57 =	vld [tilespmem:s23+$0xFFFFFFE0];
	v37 =	vmul.f32 v42, v33  }
0x3d5: {  	v4 =	vadd.s32 $0xE0, v54;
	[tilespmem:$0x1FD80] =	vst v0;
	v0 =	vmul.f32 v59, v31;
	v51 =	vmul.f32 v3, v34;
	v3 =	vld [tilespmem:s23+$0x20]  }
0x3d6: {  	v33 =	vmul.f32 v45, v33;
	v45 =	vmul.f32 v59, v30;
	[tilespmem:v56+s11+$0x0] =	vst.idx.add.f32.msk $0xffff, v2  }
0x3d7: {  	v63 =	vadd.s32 $0xE1, v54;
	v42 =	vld [tilespmem:s24+$0x0];
	v59 =	vmul.f32 v21, v20;
	[tilespmem:$0x1FD90] =	vst v0  }
0x3d8: {  	v47 =	vmul.f32 v22, v30;
	[tilespmem:v62+s3+$0x0] =	vst.idx.add.f32.msk $0xffff, v45  }
0x3d9: {  	v38 =	vadd.s32 $0x1, v58;
	v0 =	vmul.f32 v31, v22;
	[tilespmem:v58+s3+$0x0] =	vst.idx.add.f32.msk $0xffff, v59  }
0x3da: {  	v30 =	vmul.f32 v6, v30;
	[tilespmem:v4+s3+$0x0] =	vst.idx.add.f32.msk $0xffff, v47  }
0x3db: {  	v56 =	vadd.s32 $0x1, v1;
	[tilespmem:$0x1FDA0] =	vst v0;
	v0 =	vmul.f32 v18, v20  }
0x3dc: {  	v22 =	vmul.f32 v13, v20;
	[tilespmem:v63+s3+$0x0] =	vst.idx.add.f32.msk $0xffff, v30  }
0x3dd: {  	v43 =	vld [tilespmem:s8+$0x0];
	[tilespmem:$0x1FDB0] =	vst v0;
	v0 =	vmul.f32 v21, v40  }
0x3de: {  	v60 =	vmul.f32 v16, v25;
	[tilespmem:v38+s3+$0x0] =	vst.idx.add.f32.msk $0xffff, v22  }
0x3df: {  	v46 =	vld [tilespmem:s24+$0x10];
	v44 =	vadd.s32 $0x1, v57;
	[tilespmem:$0x1FDC0] =	vst v0;
	v0 =	vmul.f32 v19, v42  }
0x3e0: {  	[tilespmem:v56+s3+$0x0] =	vst.idx.add.f32.msk $0xffff, v60  }
0x3e1: {  	[tilespmem:$0x1FDD0] =	vst v0;
	v0 =	vmul.f32 v23, v42  }
0x3e2: {  	v52 =	vmul.f32 v14, v34;
	[tilespmem:v57+s3+$0x0] =	vst.idx.add.f32.msk $0xffff, v51  }
0x3e3: {  	v49 =	vadd.s32 $0xE0, v57;
	[tilespmem:$0x1FDE0] =	vst v0;
	v0 =	vmul.f32 v19, v43  }
0x3e4: {  	v47 =	vmul.f32 v33, v50;
	[tilespmem:v44+s3+$0x0] =	vst.idx.add.f32.msk $0xffff, v52  }
0x3e5: {  	v48 =	vld [tilespmem:s8+$0x10];
	[tilespmem:$0x1FDF0] =	vst v0;
	v0 =	vmul.f32 v35, v46  }
0x3e6: {  	v55 =	vmul.f32 v17, v34;
	[tilespmem:v3+s3+$0x0] =	vst.idx.add.f32.msk $0xffff, v47  }
0x3e7: {  	v8 =	vld [tilespmem:s23+$0x10];
	v45 =	vadd.s32 $0xE1, v57;
	[tilespmem:$0x1FE00] =	vst v0;
	v0 =	vmul.f32 v5, v50  }
0x3e8: {  	[tilespmem:v49+s3+$0x0] =	vst.idx.add.f32.msk $0xffff, v55  }
0x3e9: {  	v61 =	vmul.f32 v27, v25;
	v10 =	vld [tilespmem:s23+$0x0];
	[tilespmem:$0x1FE10] =	vst v0;
	v0 =	vadd.s32 $0xE0, v1  }
0x3ea: {  	v24 =	vmul.f32 v24, v26;
	v2 =	vadd.s32 $0xE1, v1;
	v34 =	vmul.f32 v41, v34;
	v55 =	vld [tilespmem:$0x1FDA0]  }
0x3eb: {  	v25 =	vmul.f32 v39, v25;
	v14 =	vmul.f32 v14, v36;
	v60 =	vld [tilespmem:$0x1FDC0]  }
0x3ec: {  	v59 =	vmul.f32 v37, v50;
	v37 =	vmul.f32 v53, v37;
	[tilespmem:v45+s3+$0x0] =	vst.idx.add.f32.msk $0xffff, v34  }
0x3ed: {  	v33 =	vmul.f32 v33, v53;
	v51 =	vmul.f32 v32, v46;
	[tilespmem:v57+s11+$0x0] =	vst.idx.add.f32.msk $0xffff, v15  }
0x3ee: {  	v32 =	vmul.f32 v48, v32;
	v19 =	vmul.f32 v29, v46;
	[tilespmem:v0+s3+$0x0] =	vst.idx.add.f32.msk $0xffff, v61  }
0x3ef: {  	v29 =	vmul.f32 v29, v48;
	v35 =	vmul.f32 v35, v48;
	[tilespmem:v2+s3+$0x0] =	vst.idx.add.f32.msk $0xffff, v25  }
0x3f0: {  	v5 =	vmul.f32 v5, v53;
	[tilespmem:v1+s11+$0x0] =	vst.idx.add.f32.msk $0xffff, v24;
	v24 =	vmul.f32 v11, v46  }
0x3f1: {  	v11 =	vmul.f32 v48, v11;
	v48 =	vmul.f32 v53, v12;
	v53 =	vld [tilespmem:$0x1FD80]  }
0x3f2: {  	v17 =	vmul.f32 v36, v17;
	v57 =	vld [tilespmem:$0x1FDB0]  }
0x3f3: {  	v36 =	vmul.f32 v36, v41;
	[tilespmem:v44+s11+$0x0] =	vst.idx.add.f32.msk $0xffff, v14  }
0x3f4: {  	v6 =	vmul.f32 v31, v6;
	v31 =	vadd.s32 $0xE0, v58;
	[tilespmem:v49+s11+$0x0] =	vst.idx.add.f32.msk $0xffff, v17  }
0x3f5: {  	[tilespmem:v45+s11+$0x0] =	vst.idx.add.f32.msk $0xffff, v36  }
0x3f6: {  	[tilespmem:v54+s11+$0x0] =	vst.idx.add.f32.msk $0xffff, v53  }
0x3f7: {  	v54 =	vld [tilespmem:$0x1FD90]  }
0x3f8: {  	[tilespmem:v8+s3+$0x0] =	vst.idx.add.f32.msk $0xffff, v19  }
0x3f9: {  	v16 =	vmul.f32 v16, v26;
	[tilespmem:v31+s3+$0x0] =	vst.idx.add.f32.msk $0xffff, v57  }
0x3fa: {  	v61 =	vld [tilespmem:$0x1FDD0]  }
0x3fb: {  	[tilespmem:v56+s11+$0x0] =	vst.idx.add.f32.msk $0xffff, v16  }
0x3fc: {  	v18 =	vmul.f32 v40, v18;
	v20 =	vmul.f32 v7, v20;
	[tilespmem:v62+s11+$0x0] =	vst.idx.add.f32.msk $0xffff, v54  }
0x3fd: {  	v7 =	vmul.f32 v40, v7;
	v21 =	vmul.f32 v13, v40;
	v40 =	vadd.s32 $0x1, v10;
	v62 =	vld [tilespmem:$0x1FDE0]  }
0x3fe: {  	v25 =	vadd.s32 $0xE0, v10;
	[tilespmem:v4+s11+$0x0] =	vst.idx.add.f32.msk $0xffff, v55  }
0x3ff: {  	v1 =	vadd.s32 $0xE1, v10;
	[tilespmem:v63+s11+$0x0] =	vst.idx.add.f32.msk $0xffff, v6  }
0x400: {  	v63 =	vld [tilespmem:$0x1FDF0]  }
0x401: {  	v13 =	vmul.f32 v28, v42;
	[tilespmem:v10+s3+$0x0] =	vst.idx.add.f32.msk $0xffff, v61  }
0x402: {  	v41 =	vmul.f32 v9, v42;
	[tilespmem:v40+s3+$0x0] =	vst.idx.add.f32.msk $0xffff, v62  }
0x403: {  	[tilespmem:v25+s3+$0x0] =	vst.idx.add.f32.msk $0xffff, v13  }
0x404: {  	v23 =	vmul.f32 v23, v43;
	[tilespmem:v1+s3+$0x0] =	vst.idx.add.f32.msk $0xffff, v41  }
0x405: {  	v27 =	vmul.f32 v26, v27;
	v28 =	vmul.f32 v43, v28;
	[tilespmem:v10+s11+$0x0] =	vst.idx.add.f32.msk $0xffff, v63  }
0x406: {  	v26 =	vmul.f32 v26, v39;
	v39 =	vadd.s32 $0xE1, v58;
	v9 =	vmul.f32 v43, v9;
	[tilespmem:v40+s11+$0x0] =	vst.idx.add.f32.msk $0xffff, v23  }
0x407: {  	[tilespmem:v25+s11+$0x0] =	vst.idx.add.f32.msk $0xffff, v28  }
0x408: {  	[tilespmem:v1+s11+$0x0] =	vst.idx.add.f32.msk $0xffff, v9  }
0x409: {  	v16 =	vadd.s32 $0x1, v8;
	v1 =	vld [tilespmem:$0x1FE00]  }
0x40a: {  	[tilespmem:v0+s11+$0x0] =	vst.idx.add.f32.msk $0xffff, v27;
	v0 =	vadd.s32 $0xE0, v8  }
0x40b: {  	[tilespmem:v39+s3+$0x0] =	vst.idx.add.f32.msk $0xffff, v20;
	v46 =	vmul.f32 v12, v50;
	v50 =	vadd.s32 $0xE1, v8  }
0x40c: {  	[tilespmem:v58+s11+$0x0] =	vst.idx.add.f32.msk $0xffff, v60  }
0x40d: {  	[tilespmem:v38+s11+$0x0] =	vst.idx.add.f32.msk $0xffff, v21  }
0x40e: {  	[tilespmem:v16+s3+$0x0] =	vst.idx.add.f32.msk $0xffff, v1  }
0x40f: {  	[tilespmem:v0+s3+$0x0] =	vst.idx.add.f32.msk $0xffff, v51  }
0x410: {  	[tilespmem:v50+s3+$0x0] =	vst.idx.add.f32.msk $0xffff, v24  }
0x411: {  	[tilespmem:v8+s11+$0x0] =	vst.idx.add.f32.msk $0xffff, v29  }
0x412: {  	[tilespmem:v16+s11+$0x0] =	vst.idx.add.f32.msk $0xffff, v35  }
0x413: {  	[tilespmem:v0+s11+$0x0] =	vst.idx.add.f32.msk $0xffff, v32  }
0x414: {  	v52 =	vadd.s32 $0x1, v3;
	v0 =	vld [tilespmem:$0x1FE10]  }
0x415: {  	[tilespmem:v2+s11+$0x0] =	vst.idx.add.f32.msk $0xffff, v26;
	v2 =	vadd.s32 $0xE0, v3  }
0x416: {  	[tilespmem:v31+s11+$0x0] =	vst.idx.add.f32.msk $0xffff, v18;
	v56 =	vadd.s32 $0xE1, v3  }
0x417: {  	[tilespmem:v39+s11+$0x0] =	vst.idx.add.f32.msk $0xffff, v7  }
0x418: {  	s9 =	sadd.s32 $0x8, s9;
	[tilespmem:v50+s11+$0x0] =	vst.idx.add.f32.msk $0xffff, v11  }
0x419: {  	p1 =	slt.u32 s9, $0x30;
	[tilespmem:v52+s3+$0x0] =	vst.idx.add.f32.msk $0xffff, v0  }
.Ltmp5:
0x41a: {  	[tilespmem:v2+s3+$0x0] =	vst.idx.add.f32.msk $0xffff, v59;
	(pc) =	sbr.rel @p1 .LBB2_11-.Ltmp5, $4  }
0x41b: {  	[tilespmem:v56+s3+$0x0] =	vst.idx.add.f32.msk $0xffff, v46  }
0x41c: {  	[tilespmem:v3+s11+$0x0] =	vst.idx.add.f32.msk $0xffff, v33  }
0x41d: {  	[tilespmem:v52+s11+$0x0] =	vst.idx.add.f32.msk $0xffff, v5  }
0x41e: {  	s10 =	sadd.s32 $0x80, s10;
	[tilespmem:v2+s11+$0x0] =	vst.idx.add.f32.msk $0xffff, v37;
	v2 =	vmov v48  }
.Ltmp6:
0x41f: {  	_ = 	snop;
	(pc) =	sbr.rel @!p0 .LBB2_13-.Ltmp6, $2  }
0x420: {  	_ =	sdelay $0x2  }
0x421: {  	[tilespmem:v56+s11+$0x0] =	vst.idx.add.f32.msk $0xffff, v2  }
0x422: {  	s15 =	sadd.s32 $0x1, s15  }
0x423: {  	p0 =	sne.s32 s15, $0x6  }
.Ltmp7:
0x424: {  	_ = 	snop;
	(pc) =	sbr.rel @p0 .LBB2_2-.Ltmp7, $4  }
0x425: {  	s8 =	sadd.s32 s7, s18  }
0x426: {  	[hbm4b:s8+s2] =	stream.linear.scatter [tilespmem:s3], [sflag:$0x5], $0xC400, $0x38;
	[tilespmem:$0x1D000] =	vst v63  }
0x427: {  	s25 =	sadd.s32 s7, s19  }
0x428: {  	v0 =	vimm.f32 $0.0e+00;
	[hbm4b:s25+s2] =	stream.linear.scatter [tilespmem:s11], [sflag:$0x5], $0xC400, $0x38;
	[tilespmem:$0x1D000] =	vst v63  }
0x429: {  	s9 =	simm.s32 $0x5  }
0x42a: {  	_ =	swait.ge [sflag:s9], $0xC400  }
0x42b: {  	[sflag:s9] =	ssyncset.done $0x0  }
0x42c: {  	[sflag:s9] =	ssyncadd.s32 $0xFFFF3C00  }
0x42d: {  	_ =	swait.ge [sflag:s9], $0xC400  }
0x42e: {  	s10 =	rddreg [dreg:$0x7]  }
0x42f: {  	s8 =	rddreg [dreg:$0x6];
	s10 =	sadd.s32 $0x1, s10  }
0x430: {  	p0 =	sne.s32 s10, s8  }
.Ltmp8:
0x431: {  	_ = 	snop;
	(pc) =	sbr.rel @p0 .LBB2_1-.Ltmp8, $3  }
0x432: {  	_ =	sdelay $0x1  }
0x433: {  	[sflag:s9] =	ssyncset.done $0x0  }
0x434: {  	[sflag:s9] =	ssyncadd.s32 $0xFFFF3C00  }
0x435: {  	_ =	sfence.sel $0x180000  }
0x436: {  	[bflag:$0x0] =	sbarrier.arrive $0xFFFF  }
0x437: {  	_ =	strace $0x90000047  }
0x438: {  	s0 =	stileid.u32;
	[bflag:$0x2] =	sbarrier.arrive $0xFFFF  }
0x439: {  	p0 =	sne.s32 s0, $0x0;
	s0 =	rddreg [dreg:$0x2]  }
0x43a: {  	s0 =	sadd.s32 @!p0 $0x100000, s0  }
0x43b: {  	[sflag:s0] =	ssyncadd.tile.s32 @!p0 $0x1;
	_ =	shalt  }
.Lfunc_end2:
_tile_overlayer_lowered:
.L_overlay_start_2:
0x43c: {  	(tag) =	ssettag $0x2  }
0x43d: {  	s0 =	rddreg [dreg:$0x0];
	s2 =	stileid.u32  }
0x43e: {  	s1 =	rddreg [dreg:$0x1];
	p0 =	sne.s32 s2, $0x0  }
0x43f: {  	s3 =	rddreg [dreg:$0x2];
	[bflag:$0x3] =	sbarrier.arrive $0xFFFF;
	s2 =	simm.s32 @!p0 $0x1C06  }
0x440: {  	[timem:s3], [sflag:s2] =	dma.local @!p0 [hbm:s0], s1  }
0x441: {  	s0 =	simm.s32 @!p0 $0x6  }
0x442: {  	_ =	swait.ge @!p0 [sflag:s0], s1  }
0x443: {  	s1 =	ssub.s32 @!p0 $0x0, s1;
	[sflag:s0] =	ssyncset.done @!p0 $0x0  }
0x444: {  	[sflag:s0] =	ssyncadd.s32 @!p0 s1  }
0x445: {  	[bflag:$0x3] =	sbarrier.arrive $0xFFFF  }
0x446: {  	_ =	shalt  }

</sc_bundles>
